<compile_context>
chip_gen: v7x
topology: tpu7x:2x2x1
jax: 0.10.2.dev20260603
libtpu: 0.0.44.dev20260713+nightly
codegen_flags: <defaults>
</compile_context>

<pallas_src>
import functools

import jax
import jax.numpy as jnp
from jax import lax
from jax.experimental import pallas as pl
from jax.experimental.pallas import tpu as pltpu
from jax.experimental.pallas import tpu_sc as plsc

VOCAB = 1000000
DIM = 64
NB = 50
NI = 16384
NCI = NI // 128
NBLK = NB * NCI
NW = 32
BPW = NBLK // NW

NT = VOCAB // 256
TPW = 3904 // NW

_mesh = plsc.VectorSubcoreMesh(core_axis_name="c", subcore_axis_name="s")


@functools.partial(
    pl.kernel,
    out_type=jax.ShapeDtypeStruct((VOCAB * DIM,), jnp.float32),
    mesh=_mesh,
    scratch_types=[
        pltpu.VMEM((DIM, 256), jnp.float32),
        pltpu.VMEM((DIM, 256), jnp.float32),
        pltpu.VMEM((256 * DIM,), jnp.float32),
        pltpu.VMEM((256 * DIM,), jnp.float32),
        pltpu.VMEM((4096,), jnp.float32),
        pltpu.SemaphoreType.DMA,
        pltpu.SemaphoreType.DMA,
        pltpu.SemaphoreType.DMA,
        pltpu.SemaphoreType.DMA,
    ],
    compiler_params=pltpu.CompilerParams(needs_layout_passes=False),
)
def _transpose_w(wt, wtail, w1d, stag0, stag1, tbuf0, tbuf1, tailv,
                 ls0, ls1, ss0, ss1):
    stags = [stag0, stag1]
    tbufs = [tbuf0, tbuf1]
    lsems = [ls0, ls1]
    ssems = [ss0, ss1]
    wid = lax.axis_index("s") * 2 + lax.axis_index("c")
    start = wid * TPW

    iota = lax.iota(jnp.int32, 16)
    vvec = [iota + 16 * k for k in range(16)]
    vvec64 = [(iota + 16 * k) * 64 for k in range(16)]

    def fire_load(c, slot):
        pltpu.async_copy(wt.at[:, pl.ds(c * 256, 256)], stags[slot],
                         lsems[slot])

    def wait_load(slot):
        pltpu.make_async_copy(wt.at[:, pl.ds(0, 256)], stags[slot],
                              lsems[slot]).wait()

    def fire_store(c, slot):
        pltpu.async_copy(tbufs[slot], w1d.at[pl.ds(c * 16384, 16384)],
                         ssems[slot])

    def wait_store(slot):
        pltpu.make_async_copy(tbufs[slot], w1d.at[pl.ds(0, 16384)],
                              ssems[slot]).wait()

    def transpose(slot, nk):
        def dbody(d0, carry):
            dcol = jnp.bitwise_and(iota + d0, 63)
            for k in range(nk):
                g = plsc.load_gather(stags[slot], [dcol, vvec[k]])
                plsc.store_scatter(tbufs[slot], [vvec64[k] + dcol], g)
            return carry

        lax.fori_loop(0, DIM, dbody, 0)

    def phase(t, slot):
        @pl.when(t + 1 < TPW)
        def _():
            fire_load(start + t + 1, (slot + 1) % 2)

        wait_load(slot)

        @pl.when(t >= 2)
        def _():
            wait_store(slot)

        transpose(slot, 16)
        fire_store(start + t, slot)

    fire_load(start, 0)

    def body(tt, carry):
        phase(2 * tt, 0)
        phase(2 * tt + 1, 1)
        return carry

    lax.fori_loop(0, TPW // 2, body, 0)
    wait_store(0)
    wait_store(1)

    @pl.when(wid < 2)
    def _():
        c = 3904 + wid
        fire_load(c, 0)
        wait_load(0)
        transpose(0, 16)
        fire_store(c, 0)
        wait_store(0)

    @pl.when(wid == 31)
    def _():
        pltpu.sync_copy(wtail, tailv)
        pltpu.sync_copy(tailv, w1d.at[pl.ds(7812 * 8192, 4096)])


@functools.partial(
    pl.kernel,
    out_type=jax.ShapeDtypeStruct((NB, 8, NCI, 1024), jnp.float32),
    mesh=_mesh,
    scratch_types=[
        pltpu.VMEM((BPW, 128), jnp.int32),
        pltpu.VMEM((4, 128, DIM), jnp.float32),
        pltpu.VMEM((2, 8, 1024), jnp.float32),
        pltpu.SemaphoreType.DMA,
        pltpu.SemaphoreType.DMA,
        pltpu.SemaphoreType.DMA,
        pltpu.SemaphoreType.DMA,
        pltpu.SemaphoreType.DMA,
        pltpu.SemaphoreType.DMA,
    ],
    compiler_params=pltpu.CompilerParams(
        use_tc_tiling_on_sc=False, needs_layout_passes=False
    ),
)
def _gather_t(wrow, idxh, out, idx_v, stag, tbuf,
              gs0, gs1, gs2, gs3, os0, os1):
    gsems = [gs0, gs1, gs2, gs3]
    osems = [os0, os1]
    wid = lax.axis_index("s") * 2 + lax.axis_index("c")
    base = wid * BPW
    pltpu.sync_copy(idxh.at[pl.ds(base, BPW)], idx_v)

    iota = lax.iota(jnp.int32, 16)
    rvec = [iota + 16 * k for k in range(8)]

    def fire_gather(t, slot):
        pltpu.async_copy(wrow.at[idx_v.at[t]], stag.at[slot], gsems[slot])

    def wait_gather(t, slot):
        pltpu.make_async_copy(wrow.at[idx_v.at[t]], stag.at[slot],
                              gsems[slot]).wait()

    def fire_out(ob, j, ci):
        pltpu.async_copy(tbuf.at[ob], out.at[j, :, ci, :], osems[ob])

    def wait_out(ob):
        pltpu.make_async_copy(tbuf.at[ob], out.at[0, :, 0, :],
                              osems[ob]).wait()

    def transpose_block(slot, ob):
        def dbody(d0, carry):
            dcol = jnp.bitwise_and(iota + d0, 63)
            drow = lax.shift_right_logical(dcol, 3)
            dsub = jnp.bitwise_and(dcol, 7) * 128
            for k in range(8):
                g = plsc.load_gather(stag.at[slot], [rvec[k], dcol])
                plsc.store_scatter(tbuf.at[ob], [drow, dsub + rvec[k]], g)
            return carry

        lax.fori_loop(0, DIM, dbody, 0)

    def phase(t, p):
        slot = p % 4
        ob = p % 2
        blk = base + t
        j = lax.div(blk, NCI)
        ci = lax.rem(blk, NCI)

        @pl.when(t + 3 < BPW)
        def _():
            fire_gather(t + 3, (p + 3) % 4)

        wait_gather(t, slot)

        @pl.when(t >= 2)
        def _():
            wait_out(ob)

        transpose_block(slot, ob)
        fire_out(ob, j, ci)

    for s in range(3):
        fire_gather(s, s)

    def body(tt, carry):
        for p in range(4):
            phase(4 * tt + p, p)
        return carry

    lax.fori_loop(0, BPW // 4, body, 0)
    wait_out(0)
    wait_out(1)


def kernel(x, W):
    wtail = jnp.reshape(W[7812 * 128:], (-1,))
    w1d = _transpose_w(W.T, wtail)
    wrow = jnp.reshape(w1d, (VOCAB, DIM))
    idx = x.T.reshape(NBLK, 128).astype(jnp.int32)
    o = _gather_t(wrow, idx)
    o5 = o.reshape(NB, 8, NCI, 8, 128).transpose(2, 4, 0, 1, 3)
    return o5.reshape(NI, NB, DIM)

# --- scband reference (transcript-rebuilt; emitter-appended) ---
"""Pipeline reference for scband-token-embedding-64218351009954 (READ-ONLY COPY).

The authoritative reference and input builder live on the scoring server;
editing this copy changes nothing except your own understanding.
"""

import jax, jax.numpy as jnp
import numpy as np

VOCAB = 1000000
DIM = 64

def setup_inputs(seed: int = 0) -> dict:
    key = jax.random.key(seed)
    k1, k2 = jax.random.split(key)
    x = jax.random.randint(k1, (16384, 50), 0, VOCAB, dtype=jnp.int64)
    # embedding table initialized ~ N(0, 0.01) per _init_weights
    W = jax.random.normal(k2, (VOCAB, DIM), dtype=jnp.float32) * 0.01
    return {"x": x, "W": W}

def reference(x, W):
    # nn.Embedding lookup; dropout p=0.0 is identity
    out = jnp.take(W, x, axis=0)
    return out

if __name__ == "__main__":
    import jax
    _d = setup_inputs()
    print(jax.jit(kernel)(*tuple(_d.values())))

</pallas_src>

<mosaic_0001>
#map = affine_map<(d0, d1) -> (0, 0)>
#map1 = affine_map<(d0, d1) -> (0, 0, 0, 0)>
module attributes {stable_mosaic.version = 14 : i64} {
  func.func @_gather_t(%arg0: i32, %arg1: i32, %arg2: memref<1000000x64xf32, #tpu.memory_space<hbm>>, %arg3: memref<6400x128xi32, #tpu.memory_space<hbm>>, %arg4: memref<50x8x128x1024xf32, #tpu.memory_space<hbm>>, %arg5: memref<200x128xi32, #tpu.memory_space<vmem>>, %arg6: memref<4x128x64xf32, #tpu.memory_space<vmem>>, %arg7: memref<2x8x1024xf32, #tpu.memory_space<vmem>>, %arg8: memref<!tpu.dma_semaphore, #tpu.memory_space<semaphore_mem>>, %arg9: memref<!tpu.dma_semaphore, #tpu.memory_space<semaphore_mem>>, %arg10: memref<!tpu.dma_semaphore, #tpu.memory_space<semaphore_mem>>, %arg11: memref<!tpu.dma_semaphore, #tpu.memory_space<semaphore_mem>>, %arg12: memref<!tpu.dma_semaphore, #tpu.memory_space<semaphore_mem>>, %arg13: memref<!tpu.dma_semaphore, #tpu.memory_space<semaphore_mem>>) attributes {dimension_semantics = [#tpu.dimension_semantics<core_parallel>, #tpu.dimension_semantics<subcore_parallel>], iteration_bounds = array<i64: 2, 16>, scalar_prefetch = 0 : i64, scratch_operands = 9 : i64, tpu.core_type = #tpu.core_type<sc_vector_subcore>, window_params = [{transform_indices = #map}, {transform_indices = #map}, {transform_indices = #map1}]} {
    %mul3A = arith.constant 2 : i32
    %mul3A_0 = arith.muli %arg1, %mul3A : i32
    %add3A = arith.addi %mul3A_0, %arg0 : i32
    %mul3A_1 = arith.constant 200 : i32
    %mul3A_2 = arith.muli %add3A, %mul3A_1 : i32
    "tpu.region"() ({
      %run_scoped3A = tpu.sem_alloc : memref<!tpu.dma_semaphore, #tpu.memory_space<semaphore_mem>>
      %dma_start3A_104 = arith.constant 0 : i32
      %dma_start3A_105 = tpu.memref_slice %arg3[%mul3A_2, %dma_start3A_104] : memref<6400x128xi32, #tpu.memory_space<hbm>> -> memref<200x128xi32, #tpu.memory_space<hbm>>
      %dma_start3A_106 = arith.constant 0 : i32
      %dma_start3A_107 = tpu.memref_slice %arg3[%mul3A_2, %dma_start3A_106] : memref<6400x128xi32, #tpu.memory_space<hbm>> -> memref<200x128xi32, #tpu.memory_space<hbm>>
      tpu.enqueue_dma source(%dma_start3A_107 : memref<200x128xi32, #tpu.memory_space<hbm>>) target(%arg5 : memref<200x128xi32, #tpu.memory_space<vmem>>) target_semaphore(%run_scoped3A : memref<!tpu.dma_semaphore, #tpu.memory_space<semaphore_mem>>)
      %dma_wait3A_108 = arith.constant 0 : i32
      %dma_wait3A_109 = tpu.memref_slice %arg3[%mul3A_2, %dma_wait3A_108] : memref<6400x128xi32, #tpu.memory_space<hbm>> -> memref<200x128xi32, #tpu.memory_space<hbm>>
      %dma_wait3A_110 = arith.constant 0 : i32
      %dma_wait3A_111 = tpu.memref_slice %arg3[%mul3A_2, %dma_wait3A_110] : memref<6400x128xi32, #tpu.memory_space<hbm>> -> memref<200x128xi32, #tpu.memory_space<hbm>>
      tpu.wait_dma2 semaphore(%run_scoped3A : memref<!tpu.dma_semaphore, #tpu.memory_space<semaphore_mem>>) src(%dma_wait3A_111 : memref<200x128xi32, #tpu.memory_space<hbm>>) dst(%arg5 : memref<200x128xi32, #tpu.memory_space<vmem>>)
      tpu.yield
    }) : () -> ()
    %iota3A = tpu.iota {dimensions = array<i32: 0>} : vector<16xi32>
    %add3A_3 = arith.constant 0 : i32
    %add3A_4 = vector.broadcast %add3A_3 : i32 to vector<16xi32>
    %add3A_5 = arith.addi %iota3A, %add3A_4 : vector<16xi32>
    %add3A_6 = arith.constant 16 : i32
    %add3A_7 = vector.broadcast %add3A_6 : i32 to vector<16xi32>
    %add3A_8 = arith.addi %iota3A, %add3A_7 : vector<16xi32>
    %add3A_9 = arith.constant 32 : i32
    %add3A_10 = vector.broadcast %add3A_9 : i32 to vector<16xi32>
    %add3A_11 = arith.addi %iota3A, %add3A_10 : vector<16xi32>
    %add3A_12 = arith.constant 48 : i32
    %add3A_13 = vector.broadcast %add3A_12 : i32 to vector<16xi32>
    %add3A_14 = arith.addi %iota3A, %add3A_13 : vector<16xi32>
    %add3A_15 = arith.constant 64 : i32
    %add3A_16 = vector.broadcast %add3A_15 : i32 to vector<16xi32>
    %add3A_17 = arith.addi %iota3A, %add3A_16 : vector<16xi32>
    %add3A_18 = arith.constant 80 : i32
    %add3A_19 = vector.broadcast %add3A_18 : i32 to vector<16xi32>
    %add3A_20 = arith.addi %iota3A, %add3A_19 : vector<16xi32>
    %add3A_21 = arith.constant 96 : i32
    %add3A_22 = vector.broadcast %add3A_21 : i32 to vector<16xi32>
    %add3A_23 = arith.addi %iota3A, %add3A_22 : vector<16xi32>
    %add3A_24 = arith.constant 112 : i32
    %add3A_25 = vector.broadcast %add3A_24 : i32 to vector<16xi32>
    %add3A_26 = arith.addi %iota3A, %add3A_25 : vector<16xi32>
    %dma_start3A = arith.constant 0 : i32
    %dma_start3A_27 = arith.constant 0 : i32
    %dma_start3A_28 = arith.constant 0 : i32
    %dma_start3A_29 = arith.constant 0 : i32
    %dma_start3A_30 = tpu.memref_slice %arg6[%dma_start3A_27, %dma_start3A_28, %dma_start3A_29] : memref<4x128x64xf32, #tpu.memory_space<vmem>> -> memref<1x128x64xf32, #tpu.memory_space<vmem>>
    %dma_start3A_31 = tpu.memref_squeeze %dma_start3A_30 : memref<1x128x64xf32, #tpu.memory_space<vmem>> -> memref<128x64xf32, #tpu.memory_space<vmem>>
    %dma_start3A_32 = arith.constant 0 : i32
    %dma_start3A_33 = tpu.memref_slice %arg5[%dma_start3A, %dma_start3A_32] : memref<200x128xi32, #tpu.memory_space<vmem>> -> memref<1x128xi32, #tpu.memory_space<vmem>>
    %dma_start3A_34 = tpu.memref_squeeze %dma_start3A_33 : memref<1x128xi32, #tpu.memory_space<vmem>> -> memref<128xi32, #tpu.memory_space<vmem>>
    %dma_start3A_35 = arith.constant 0 : i32
    %dma_start3A_36 = arith.constant 0 : i32
    %dma_start3A_37 = tpu.memref_slice %arg2[%dma_start3A_35, %dma_start3A_36] : memref<1000000x64xf32, #tpu.memory_space<hbm>> -> memref<1000000x64xf32, #tpu.memory_space<hbm>>
    tpu.enqueue_indirect_dma source(%dma_start3A_37 : memref<1000000x64xf32, #tpu.memory_space<hbm>>) target(%dma_start3A_31 : memref<128x64xf32, #tpu.memory_space<vmem>>) offsets(%dma_start3A_34 : memref<128xi32, #tpu.memory_space<vmem>>) semaphore(%arg8 : memref<!tpu.dma_semaphore, #tpu.memory_space<semaphore_mem>>)
    %dma_start3A_38 = arith.constant 1 : i32
    %dma_start3A_39 = arith.constant 1 : i32
    %dma_start3A_40 = arith.constant 0 : i32
    %dma_start3A_41 = arith.constant 0 : i32
    %dma_start3A_42 = tpu.memref_slice %arg6[%dma_start3A_39, %dma_start3A_40, %dma_start3A_41] : memref<4x128x64xf32, #tpu.memory_space<vmem>> -> memref<1x128x64xf32, #tpu.memory_space<vmem>>
    %dma_start3A_43 = tpu.memref_squeeze %dma_start3A_42 : memref<1x128x64xf32, #tpu.memory_space<vmem>> -> memref<128x64xf32, #tpu.memory_space<vmem>>
    %dma_start3A_44 = arith.constant 0 : i32
    %dma_start3A_45 = tpu.memref_slice %arg5[%dma_start3A_38, %dma_start3A_44] : memref<200x128xi32, #tpu.memory_space<vmem>> -> memref<1x128xi32, #tpu.memory_space<vmem>>
    %dma_start3A_46 = tpu.memref_squeeze %dma_start3A_45 : memref<1x128xi32, #tpu.memory_space<vmem>> -> memref<128xi32, #tpu.memory_space<vmem>>
    %dma_start3A_47 = arith.constant 0 : i32
    %dma_start3A_48 = arith.constant 0 : i32
    %dma_start3A_49 = tpu.memref_slice %arg2[%dma_start3A_47, %dma_start3A_48] : memref<1000000x64xf32, #tpu.memory_space<hbm>> -> memref<1000000x64xf32, #tpu.memory_space<hbm>>
    tpu.enqueue_indirect_dma source(%dma_start3A_49 : memref<1000000x64xf32, #tpu.memory_space<hbm>>) target(%dma_start3A_43 : memref<128x64xf32, #tpu.memory_space<vmem>>) offsets(%dma_start3A_46 : memref<128xi32, #tpu.memory_space<vmem>>) semaphore(%arg9 : memref<!tpu.dma_semaphore, #tpu.memory_space<semaphore_mem>>)
    %dma_start3A_50 = arith.constant 2 : i32
    %dma_start3A_51 = arith.constant 2 : i32
    %dma_start3A_52 = arith.constant 0 : i32
    %dma_start3A_53 = arith.constant 0 : i32
    %dma_start3A_54 = tpu.memref_slice %arg6[%dma_start3A_51, %dma_start3A_52, %dma_start3A_53] : memref<4x128x64xf32, #tpu.memory_space<vmem>> -> memref<1x128x64xf32, #tpu.memory_space<vmem>>
    %dma_start3A_55 = tpu.memref_squeeze %dma_start3A_54 : memref<1x128x64xf32, #tpu.memory_space<vmem>> -> memref<128x64xf32, #tpu.memory_space<vmem>>
    %dma_start3A_56 = arith.constant 0 : i32
    %dma_start3A_57 = tpu.memref_slice %arg5[%dma_start3A_50, %dma_start3A_56] : memref<200x128xi32, #tpu.memory_space<vmem>> -> memref<1x128xi32, #tpu.memory_space<vmem>>
    %dma_start3A_58 = tpu.memref_squeeze %dma_start3A_57 : memref<1x128xi32, #tpu.memory_space<vmem>> -> memref<128xi32, #tpu.memory_space<vmem>>
    %dma_start3A_59 = arith.constant 0 : i32
    %dma_start3A_60 = arith.constant 0 : i32
    %dma_start3A_61 = tpu.memref_slice %arg2[%dma_start3A_59, %dma_start3A_60] : memref<1000000x64xf32, #tpu.memory_space<hbm>> -> memref<1000000x64xf32, #tpu.memory_space<hbm>>
    tpu.enqueue_indirect_dma source(%dma_start3A_61 : memref<1000000x64xf32, #tpu.memory_space<hbm>>) target(%dma_start3A_55 : memref<128x64xf32, #tpu.memory_space<vmem>>) offsets(%dma_start3A_58 : memref<128xi32, #tpu.memory_space<vmem>>) semaphore(%arg10 : memref<!tpu.dma_semaphore, #tpu.memory_space<semaphore_mem>>)
    %scan3A = arith.constant 0 : i32
    %scan3A_62 = arith.constant 0 : i32
    %scan3A_63 = arith.constant 50 : i32
    %scan3A_64 = arith.addi %scan3A_62, %scan3A_63 : i32
    %scan3A_65 = arith.constant 1 : i32
    scf.for %scan3A_104 = %scan3A_62 to %scan3A_64 step %scan3A_65  : i32 {
      %mul3A_105 = arith.constant 4 : i32
      %mul3A_106 = arith.muli %mul3A_105, %scan3A_104 : i32
      %add3A_107 = arith.constant 0 : i32
      %add3A_108 = arith.addi %mul3A_106, %add3A_107 : i32
      %add3A_109 = arith.addi %mul3A_2, %add3A_108 : i32
      %div3A = arith.constant 128 : i32
      %div3A_110 = arith.divsi %add3A_109, %div3A : i32
      %rem3A = arith.constant 128 : i32
      %rem3A_111 = arith.remsi %add3A_109, %rem3A : i32
      %add3A_112 = arith.constant 3 : i32
      %add3A_113 = arith.addi %add3A_108, %add3A_112 : i32
      %lt3A = arith.constant 200 : i32
      %lt3A_114 = arith.cmpi slt, %add3A_113, %lt3A : i32
      %convert_element_type3A = arith.extui %lt3A_114 : i1 to i32
      %cond3A = arith.constant 0 : i32
      %cond3A_115 = arith.cmpi ne, %convert_element_type3A, %cond3A : i32
      scf.if %cond3A_115 {
        %add3A_319 = arith.constant 3 : i32
        %add3A_320 = arith.addi %add3A_108, %add3A_319 : i32
        %dma_start3A_321 = arith.constant 3 : i32
        %dma_start3A_322 = arith.constant 0 : i32
        %dma_start3A_323 = arith.constant 0 : i32
        %dma_start3A_324 = tpu.memref_slice %arg6[%dma_start3A_321, %dma_start3A_322, %dma_start3A_323] : memref<4x128x64xf32, #tpu.memory_space<vmem>> -> memref<1x128x64xf32, #tpu.memory_space<vmem>>
        %dma_start3A_325 = tpu.memref_squeeze %dma_start3A_324 : memref<1x128x64xf32, #tpu.memory_space<vmem>> -> memref<128x64xf32, #tpu.memory_space<vmem>>
        %dma_start3A_326 = arith.constant 0 : i32
        %dma_start3A_327 = tpu.memref_slice %arg5[%add3A_320, %dma_start3A_326] : memref<200x128xi32, #tpu.memory_space<vmem>> -> memref<1x128xi32, #tpu.memory_space<vmem>>
        %dma_start3A_328 = tpu.memref_squeeze %dma_start3A_327 : memref<1x128xi32, #tpu.memory_space<vmem>> -> memref<128xi32, #tpu.memory_space<vmem>>
        %dma_start3A_329 = arith.constant 0 : i32
        %dma_start3A_330 = arith.constant 0 : i32
        %dma_start3A_331 = tpu.memref_slice %arg2[%dma_start3A_329, %dma_start3A_330] : memref<1000000x64xf32, #tpu.memory_space<hbm>> -> memref<1000000x64xf32, #tpu.memory_space<hbm>>
        tpu.enqueue_indirect_dma source(%dma_start3A_331 : memref<1000000x64xf32, #tpu.memory_space<hbm>>) target(%dma_start3A_325 : memref<128x64xf32, #tpu.memory_space<vmem>>) offsets(%dma_start3A_328 : memref<128xi32, #tpu.memory_space<vmem>>) semaphore(%arg11 : memref<!tpu.dma_semaphore, #tpu.memory_space<semaphore_mem>>)
      } else {
      }
      %dma_wait3A_116 = arith.constant 0 : i32
      %dma_wait3A_117 = arith.constant 0 : i32
      %dma_wait3A_118 = arith.constant 0 : i32
      %dma_wait3A_119 = tpu.memref_slice %arg6[%dma_wait3A_116, %dma_wait3A_117, %dma_wait3A_118] : memref<4x128x64xf32, #tpu.memory_space<vmem>> -> memref<1x128x64xf32, #tpu.memory_space<vmem>>
      %dma_wait3A_120 = tpu.memref_squeeze %dma_wait3A_119 : memref<1x128x64xf32, #tpu.memory_space<vmem>> -> memref<128x64xf32, #tpu.memory_space<vmem>>
      %dma_wait3A_121 = arith.constant 0 : i32
      %dma_wait3A_122 = tpu.memref_slice %arg5[%add3A_108, %dma_wait3A_121] : memref<200x128xi32, #tpu.memory_space<vmem>> -> memref<1x128xi32, #tpu.memory_space<vmem>>
      %dma_wait3A_123 = tpu.memref_squeeze %dma_wait3A_122 : memref<1x128xi32, #tpu.memory_space<vmem>> -> memref<128xi32, #tpu.memory_space<vmem>>
      %dma_wait3A_124 = arith.constant 0 : i32
      %dma_wait3A_125 = arith.constant 0 : i32
      %dma_wait3A_126 = tpu.memref_slice %arg2[%dma_wait3A_124, %dma_wait3A_125] : memref<1000000x64xf32, #tpu.memory_space<hbm>> -> memref<1000000x64xf32, #tpu.memory_space<hbm>>
      tpu.wait_indirect_dma semaphore(%arg8 : memref<!tpu.dma_semaphore, #tpu.memory_space<semaphore_mem>>) src(%dma_wait3A_126 : memref<1000000x64xf32, #tpu.memory_space<hbm>>) dst(%dma_wait3A_120 : memref<128x64xf32, #tpu.memory_space<vmem>>)
      %ge3A = arith.constant 2 : i32
      %ge3A_127 = arith.cmpi sge, %add3A_108, %ge3A : i32
      %convert_element_type3A_128 = arith.extui %ge3A_127 : i1 to i32
      %cond3A_129 = arith.constant 0 : i32
      %cond3A_130 = arith.cmpi ne, %convert_element_type3A_128, %cond3A_129 : i32
      scf.if %cond3A_130 {
        %dma_wait3A_319 = arith.constant 0 : i32
        %dma_wait3A_320 = arith.constant 0 : i32
        %dma_wait3A_321 = arith.constant 0 : i32
        %dma_wait3A_322 = arith.constant 0 : i32
        %dma_wait3A_323 = arith.constant 0 : i32
        %dma_wait3A_324 = tpu.memref_slice %arg7[%dma_wait3A_319, %dma_wait3A_322, %dma_wait3A_323] : memref<2x8x1024xf32, #tpu.memory_space<vmem>> -> memref<1x8x1024xf32, #tpu.memory_space<vmem>>
        %dma_wait3A_325 = tpu.memref_squeeze %dma_wait3A_324 : memref<1x8x1024xf32, #tpu.memory_space<vmem>> -> memref<8x1024xf32, #tpu.memory_space<vmem>>
        %dma_wait3A_326 = arith.constant 0 : i32
        %dma_wait3A_327 = arith.constant 0 : i32
        %dma_wait3A_328 = tpu.memref_slice %arg4[%dma_wait3A_320, %dma_wait3A_326, %dma_wait3A_321, %dma_wait3A_327] : memref<50x8x128x1024xf32, #tpu.memory_space<hbm>> -> memref<1x8x1x1024xf32, #tpu.memory_space<hbm>>
        %dma_wait3A_329 = tpu.memref_squeeze %dma_wait3A_328 : memref<1x8x1x1024xf32, #tpu.memory_space<hbm>> -> memref<8x1024xf32, #tpu.memory_space<hbm>>
        %dma_wait3A_330 = arith.constant 0 : i32
        %dma_wait3A_331 = arith.constant 0 : i32
        %dma_wait3A_332 = tpu.memref_slice %arg4[%dma_wait3A_320, %dma_wait3A_330, %dma_wait3A_321, %dma_wait3A_331] : memref<50x8x128x1024xf32, #tpu.memory_space<hbm>> -> memref<1x8x1x1024xf32, #tpu.memory_space<hbm>>
        %dma_wait3A_333 = tpu.memref_squeeze %dma_wait3A_332 : memref<1x8x1x1024xf32, #tpu.memory_space<hbm>> -> memref<8x1024xf32, #tpu.memory_space<hbm>>
        %dma_wait3A_334 = arith.constant 0 : i32
        %dma_wait3A_335 = arith.constant 0 : i32
        %dma_wait3A_336 = tpu.memref_slice %arg7[%dma_wait3A_319, %dma_wait3A_334, %dma_wait3A_335] : memref<2x8x1024xf32, #tpu.memory_space<vmem>> -> memref<1x8x1024xf32, #tpu.memory_space<vmem>>
        %dma_wait3A_337 = tpu.memref_squeeze %dma_wait3A_336 : memref<1x8x1024xf32, #tpu.memory_space<vmem>> -> memref<8x1024xf32, #tpu.memory_space<vmem>>
        tpu.wait_dma2 semaphore(%arg12 : memref<!tpu.dma_semaphore, #tpu.memory_space<semaphore_mem>>) src(%dma_wait3A_337 : memref<8x1024xf32, #tpu.memory_space<vmem>>) dst(%dma_wait3A_333 : memref<8x1024xf32, #tpu.memory_space<hbm>>)
      } else {
      }
      %scan3A_131 = arith.constant 0 : i32
      %scan3A_132 = arith.constant 0 : i32
      %scan3A_133 = arith.constant 64 : i32
      %scan3A_134 = arith.addi %scan3A_132, %scan3A_133 : i32
      %scan3A_135 = arith.constant 1 : i32
      scf.for %scan3A_319 = %scan3A_132 to %scan3A_134 step %scan3A_135  : i32 {
        %add3A_320 = vector.broadcast %scan3A_319 : i32 to vector<16xi32>
        %add3A_321 = arith.addi %iota3A, %add3A_320 : vector<16xi32>
        %and3A = arith.constant 63 : i32
        %and3A_322 = vector.broadcast %and3A : i32 to vector<16xi32>
        %and3A_323 = arith.andi %add3A_321, %and3A_322 : vector<16xi32>
        %shift_right_logical3A = arith.constant 3 : i32
        %shift_right_logical3A_324 = vector.broadcast %shift_right_logical3A : i32 to vector<16xi32>
        %shift_right_logical3A_325 = arith.shrui %and3A_323, %shift_right_logical3A_324 : vector<16xi32>
        %and3A_326 = arith.constant 7 : i32
        %and3A_327 = vector.broadcast %and3A_326 : i32 to vector<16xi32>
        %and3A_328 = arith.andi %and3A_323, %and3A_327 : vector<16xi32>
        %mul3A_329 = arith.constant 128 : i32
        %mul3A_330 = vector.broadcast %mul3A_329 : i32 to vector<16xi32>
        %mul3A_331 = arith.muli %and3A_328, %mul3A_330 : vector<16xi32>
        %gather3A = arith.constant 0 : i32
        %gather3A_332 = arith.constant 0 : i32
        %gather3A_333 = arith.constant 0 : i32
        %gather3A_334 = tpu.memref_slice %arg6[%gather3A, %gather3A_332, %gather3A_333] : memref<4x128x64xf32, #tpu.memory_space<vmem>> -> memref<1x128x64xf32, #tpu.memory_space<vmem>>
        %gather3A_335 = tpu.memref_squeeze %gather3A_334 : memref<1x128x64xf32, #tpu.memory_space<vmem>> -> memref<128x64xf32, #tpu.memory_space<vmem>>
        %gather3A_336 = tpu.vector_load_idx %gather3A_335[%add3A_5, %and3A_323] : memref<128x64xf32, #tpu.memory_space<vmem>>[vector<16xi32>, vector<16xi32>], vector<16xf32>,
        %add3A_337 = arith.addi %mul3A_331, %add3A_5 : vector<16xi32>
        %scatter3A = arith.constant 0 : i32
        %scatter3A_338 = arith.constant 0 : i32
        %scatter3A_339 = arith.constant 0 : i32
        %scatter3A_340 = tpu.memref_slice %arg7[%scatter3A, %scatter3A_338, %scatter3A_339] : memref<2x8x1024xf32, #tpu.memory_space<vmem>> -> memref<1x8x1024xf32, #tpu.memory_space<vmem>>
        %scatter3A_341 = tpu.memref_squeeze %scatter3A_340 : memref<1x8x1024xf32, #tpu.memory_space<vmem>> -> memref<8x1024xf32, #tpu.memory_space<vmem>>
        tpu.vector_store_idx %scatter3A_341[%shift_right_logical3A_325, %add3A_337], %gather3A_336 : memref<8x1024xf32, #tpu.memory_space<vmem>>[vector<16xi32>, vector<16xi32>], vector<16xf32>,
        %gather3A_342 = arith.constant 0 : i32
        %gather3A_343 = arith.constant 0 : i32
        %gather3A_344 = arith.constant 0 : i32
        %gather3A_345 = tpu.memref_slice %arg6[%gather3A_342, %gather3A_343, %gather3A_344] : memref<4x128x64xf32, #tpu.memory_space<vmem>> -> memref<1x128x64xf32, #tpu.memory_space<vmem>>
        %gather3A_346 = tpu.memref_squeeze %gather3A_345 : memref<1x128x64xf32, #tpu.memory_space<vmem>> -> memref<128x64xf32, #tpu.memory_space<vmem>>
        %gather3A_347 = tpu.vector_load_idx %gather3A_346[%add3A_8, %and3A_323] : memref<128x64xf32, #tpu.memory_space<vmem>>[vector<16xi32>, vector<16xi32>], vector<16xf32>,
        %add3A_348 = arith.addi %mul3A_331, %add3A_8 : vector<16xi32>
        %scatter3A_349 = arith.constant 0 : i32
        %scatter3A_350 = arith.constant 0 : i32
        %scatter3A_351 = arith.constant 0 : i32
        %scatter3A_352 = tpu.memref_slice %arg7[%scatter3A_349, %scatter3A_350, %scatter3A_351] : memref<2x8x1024xf32, #tpu.memory_space<vmem>> -> memref<1x8x1024xf32, #tpu.memory_space<vmem>>
        %scatter3A_353 = tpu.memref_squeeze %scatter3A_352 : memref<1x8x1024xf32, #tpu.memory_space<vmem>> -> memref<8x1024xf32, #tpu.memory_space<vmem>>
        tpu.vector_store_idx %scatter3A_353[%shift_right_logical3A_325, %add3A_348], %gather3A_347 : memref<8x1024xf32, #tpu.memory_space<vmem>>[vector<16xi32>, vector<16xi32>], vector<16xf32>,
        %gather3A_354 = arith.constant 0 : i32
        %gather3A_355 = arith.constant 0 : i32
        %gather3A_356 = arith.constant 0 : i32
        %gather3A_357 = tpu.memref_slice %arg6[%gather3A_354, %gather3A_355, %gather3A_356] : memref<4x128x64xf32, #tpu.memory_space<vmem>> -> memref<1x128x64xf32, #tpu.memory_space<vmem>>
        %gather3A_358 = tpu.memref_squeeze %gather3A_357 : memref<1x128x64xf32, #tpu.memory_space<vmem>> -> memref<128x64xf32, #tpu.memory_space<vmem>>
        %gather3A_359 = tpu.vector_load_idx %gather3A_358[%add3A_11, %and3A_323] : memref<128x64xf32, #tpu.memory_space<vmem>>[vector<16xi32>, vector<16xi32>], vector<16xf32>,
        %add3A_360 = arith.addi %mul3A_331, %add3A_11 : vector<16xi32>
        %scatter3A_361 = arith.constant 0 : i32
        %scatter3A_362 = arith.constant 0 : i32
        %scatter3A_363 = arith.constant 0 : i32
        %scatter3A_364 = tpu.memref_slice %arg7[%scatter3A_361, %scatter3A_362, %scatter3A_363] : memref<2x8x1024xf32, #tpu.memory_space<vmem>> -> memref<1x8x1024xf32, #tpu.memory_space<vmem>>
        %scatter3A_365 = tpu.memref_squeeze %scatter3A_364 : memref<1x8x1024xf32, #tpu.memory_space<vmem>> -> memref<8x1024xf32, #tpu.memory_space<vmem>>
        tpu.vector_store_idx %scatter3A_365[%shift_right_logical3A_325, %add3A_360], %gather3A_359 : memref<8x1024xf32, #tpu.memory_space<vmem>>[vector<16xi32>, vector<16xi32>], vector<16xf32>,
        %gather3A_366 = arith.constant 0 : i32
        %gather3A_367 = arith.constant 0 : i32
        %gather3A_368 = arith.constant 0 : i32
        %gather3A_369 = tpu.memref_slice %arg6[%gather3A_366, %gather3A_367, %gather3A_368] : memref<4x128x64xf32, #tpu.memory_space<vmem>> -> memref<1x128x64xf32, #tpu.memory_space<vmem>>
        %gather3A_370 = tpu.memref_squeeze %gather3A_369 : memref<1x128x64xf32, #tpu.memory_space<vmem>> -> memref<128x64xf32, #tpu.memory_space<vmem>>
        %gather3A_371 = tpu.vector_load_idx %gather3A_370[%add3A_14, %and3A_323] : memref<128x64xf32, #tpu.memory_space<vmem>>[vector<16xi32>, vector<16xi32>], vector<16xf32>,
        %add3A_372 = arith.addi %mul3A_331, %add3A_14 : vector<16xi32>
        %scatter3A_373 = arith.constant 0 : i32
        %scatter3A_374 = arith.constant 0 : i32
        %scatter3A_375 = arith.constant 0 : i32
        %scatter3A_376 = tpu.memref_slice %arg7[%scatter3A_373, %scatter3A_374, %scatter3A_375] : memref<2x8x1024xf32, #tpu.memory_space<vmem>> -> memref<1x8x1024xf32, #tpu.memory_space<vmem>>
        %scatter3A_377 = tpu.memref_squeeze %scatter3A_376 : memref<1x8x1024xf32, #tpu.memory_space<vmem>> -> memref<8x1024xf32, #tpu.memory_space<vmem>>
        tpu.vector_store_idx %scatter3A_377[%shift_right_logical3A_325, %add3A_372], %gather3A_371 : memref<8x1024xf32, #tpu.memory_space<vmem>>[vector<16xi32>, vector<16xi32>], vector<16xf32>,
        %gather3A_378 = arith.constant 0 : i32
        %gather3A_379 = arith.constant 0 : i32
        %gather3A_380 = arith.constant 0 : i32
        %gather3A_381 = tpu.memref_slice %arg6[%gather3A_378, %gather3A_379, %gather3A_380] : memref<4x128x64xf32, #tpu.memory_space<vmem>> -> memref<1x128x64xf32, #tpu.memory_space<vmem>>
        %gather3A_382 = tpu.memref_squeeze %gather3A_381 : memref<1x128x64xf32, #tpu.memory_space<vmem>> -> memref<128x64xf32, #tpu.memory_space<vmem>>
        %gather3A_383 = tpu.vector_load_idx %gather3A_382[%add3A_17, %and3A_323] : memref<128x64xf32, #tpu.memory_space<vmem>>[vector<16xi32>, vector<16xi32>], vector<16xf32>,
        %add3A_384 = arith.addi %mul3A_331, %add3A_17 : vector<16xi32>
        %scatter3A_385 = arith.constant 0 : i32
        %scatter3A_386 = arith.constant 0 : i32
        %scatter3A_387 = arith.constant 0 : i32
        %scatter3A_388 = tpu.memref_slice %arg7[%scatter3A_385, %scatter3A_386, %scatter3A_387] : memref<2x8x1024xf32, #tpu.memory_space<vmem>> -> memref<1x8x1024xf32, #tpu.memory_space<vmem>>
        %scatter3A_389 = tpu.memref_squeeze %scatter3A_388 : memref<1x8x1024xf32, #tpu.memory_space<vmem>> -> memref<8x1024xf32, #tpu.memory_space<vmem>>
        tpu.vector_store_idx %scatter3A_389[%shift_right_logical3A_325, %add3A_384], %gather3A_383 : memref<8x1024xf32, #tpu.memory_space<vmem>>[vector<16xi32>, vector<16xi32>], vector<16xf32>,
        %gather3A_390 = arith.constant 0 : i32
        %gather3A_391 = arith.constant 0 : i32
        %gather3A_392 = arith.constant 0 : i32
        %gather3A_393 = tpu.memref_slice %arg6[%gather3A_390, %gather3A_391, %gather3A_392] : memref<4x128x64xf32, #tpu.memory_space<vmem>> -> memref<1x128x64xf32, #tpu.memory_space<vmem>>
        %gather3A_394 = tpu.memref_squeeze %gather3A_393 : memref<1x128x64xf32, #tpu.memory_space<vmem>> -> memref<128x64xf32, #tpu.memory_space<vmem>>
        %gather3A_395 = tpu.vector_load_idx %gather3A_394[%add3A_20, %and3A_323] : memref<128x64xf32, #tpu.memory_space<vmem>>[vector<16xi32>, vector<16xi32>], vector<16xf32>,
        %add3A_396 = arith.addi %mul3A_331, %add3A_20 : vector<16xi32>
        %scatter3A_397 = arith.constant 0 : i32
        %scatter3A_398 = arith.constant 0 : i32
        %scatter3A_399 = arith.constant 0 : i32
        %scatter3A_400 = tpu.memref_slice %arg7[%scatter3A_397, %scatter3A_398, %scatter3A_399] : memref<2x8x1024xf32, #tpu.memory_space<vmem>> -> memref<1x8x1024xf32, #tpu.memory_space<vmem>>
        %scatter3A_401 = tpu.memref_squeeze %scatter3A_400 : memref<1x8x1024xf32, #tpu.memory_space<vmem>> -> memref<8x1024xf32, #tpu.memory_space<vmem>>
        tpu.vector_store_idx %scatter3A_401[%shift_right_logical3A_325, %add3A_396], %gather3A_395 : memref<8x1024xf32, #tpu.memory_space<vmem>>[vector<16xi32>, vector<16xi32>], vector<16xf32>,
        %gather3A_402 = arith.constant 0 : i32
        %gather3A_403 = arith.constant 0 : i32
        %gather3A_404 = arith.constant 0 : i32
        %gather3A_405 = tpu.memref_slice %arg6[%gather3A_402, %gather3A_403, %gather3A_404] : memref<4x128x64xf32, #tpu.memory_space<vmem>> -> memref<1x128x64xf32, #tpu.memory_space<vmem>>
        %gather3A_406 = tpu.memref_squeeze %gather3A_405 : memref<1x128x64xf32, #tpu.memory_space<vmem>> -> memref<128x64xf32, #tpu.memory_space<vmem>>
        %gather3A_407 = tpu.vector_load_idx %gather3A_406[%add3A_23, %and3A_323] : memref<128x64xf32, #tpu.memory_space<vmem>>[vector<16xi32>, vector<16xi32>], vector<16xf32>,
        %add3A_408 = arith.addi %mul3A_331, %add3A_23 : vector<16xi32>
        %scatter3A_409 = arith.constant 0 : i32
        %scatter3A_410 = arith.constant 0 : i32
        %scatter3A_411 = arith.constant 0 : i32
        %scatter3A_412 = tpu.memref_slice %arg7[%scatter3A_409, %scatter3A_410, %scatter3A_411] : memref<2x8x1024xf32, #tpu.memory_space<vmem>> -> memref<1x8x1024xf32, #tpu.memory_space<vmem>>
        %scatter3A_413 = tpu.memref_squeeze %scatter3A_412 : memref<1x8x1024xf32, #tpu.memory_space<vmem>> -> memref<8x1024xf32, #tpu.memory_space<vmem>>
        tpu.vector_store_idx %scatter3A_413[%shift_right_logical3A_325, %add3A_408], %gather3A_407 : memref<8x1024xf32, #tpu.memory_space<vmem>>[vector<16xi32>, vector<16xi32>], vector<16xf32>,
        %gather3A_414 = arith.constant 0 : i32
        %gather3A_415 = arith.constant 0 : i32
        %gather3A_416 = arith.constant 0 : i32
        %gather3A_417 = tpu.memref_slice %arg6[%gather3A_414, %gather3A_415, %gather3A_416] : memref<4x128x64xf32, #tpu.memory_space<vmem>> -> memref<1x128x64xf32, #tpu.memory_space<vmem>>
        %gather3A_418 = tpu.memref_squeeze %gather3A_417 : memref<1x128x64xf32, #tpu.memory_space<vmem>> -> memref<128x64xf32, #tpu.memory_space<vmem>>
        %gather3A_419 = tpu.vector_load_idx %gather3A_418[%add3A_26, %and3A_323] : memref<128x64xf32, #tpu.memory_space<vmem>>[vector<16xi32>, vector<16xi32>], vector<16xf32>,
        %add3A_420 = arith.addi %mul3A_331, %add3A_26 : vector<16xi32>
        %scatter3A_421 = arith.constant 0 : i32
        %scatter3A_422 = arith.constant 0 : i32
        %scatter3A_423 = arith.constant 0 : i32
        %scatter3A_424 = tpu.memref_slice %arg7[%scatter3A_421, %scatter3A_422, %scatter3A_423] : memref<2x8x1024xf32, #tpu.memory_space<vmem>> -> memref<1x8x1024xf32, #tpu.memory_space<vmem>>
        %scatter3A_425 = tpu.memref_squeeze %scatter3A_424 : memref<1x8x1024xf32, #tpu.memory_space<vmem>> -> memref<8x1024xf32, #tpu.memory_space<vmem>>
        tpu.vector_store_idx %scatter3A_425[%shift_right_logical3A_325, %add3A_420], %gather3A_419 : memref<8x1024xf32, #tpu.memory_space<vmem>>[vector<16xi32>, vector<16xi32>], vector<16xf32>,
      }
      %scan3A_136 = arith.constant 64 : i32
      %dma_start3A_137 = arith.constant 0 : i32
      %dma_start3A_138 = arith.constant 0 : i32
      %dma_start3A_139 = arith.constant 0 : i32
      %dma_start3A_140 = tpu.memref_slice %arg7[%dma_start3A_137, %dma_start3A_138, %dma_start3A_139] : memref<2x8x1024xf32, #tpu.memory_space<vmem>> -> memref<1x8x1024xf32, #tpu.memory_space<vmem>>
      %dma_start3A_141 = tpu.memref_squeeze %dma_start3A_140 : memref<1x8x1024xf32, #tpu.memory_space<vmem>> -> memref<8x1024xf32, #tpu.memory_space<vmem>>
      %dma_start3A_142 = arith.constant 0 : i32
      %dma_start3A_143 = arith.constant 0 : i32
      %dma_start3A_144 = tpu.memref_slice %arg4[%div3A_110, %dma_start3A_142, %rem3A_111, %dma_start3A_143] : memref<50x8x128x1024xf32, #tpu.memory_space<hbm>> -> memref<1x8x1x1024xf32, #tpu.memory_space<hbm>>
      %dma_start3A_145 = tpu.memref_squeeze %dma_start3A_144 : memref<1x8x1x1024xf32, #tpu.memory_space<hbm>> -> memref<8x1024xf32, #tpu.memory_space<hbm>>
      %dma_start3A_146 = arith.constant 0 : i32
      %dma_start3A_147 = arith.constant 0 : i32
      %dma_start3A_148 = tpu.memref_slice %arg4[%div3A_110, %dma_start3A_146, %rem3A_111, %dma_start3A_147] : memref<50x8x128x1024xf32, #tpu.memory_space<hbm>> -> memref<1x8x1x1024xf32, #tpu.memory_space<hbm>>
      %dma_start3A_149 = tpu.memref_squeeze %dma_start3A_148 : memref<1x8x1x1024xf32, #tpu.memory_space<hbm>> -> memref<8x1024xf32, #tpu.memory_space<hbm>>
      %dma_start3A_150 = arith.constant 0 : i32
      %dma_start3A_151 = arith.constant 0 : i32
      %dma_start3A_152 = tpu.memref_slice %arg7[%dma_start3A_137, %dma_start3A_150, %dma_start3A_151] : memref<2x8x1024xf32, #tpu.memory_space<vmem>> -> memref<1x8x1024xf32, #tpu.memory_space<vmem>>
      %dma_start3A_153 = tpu.memref_squeeze %dma_start3A_152 : memref<1x8x1024xf32, #tpu.memory_space<vmem>> -> memref<8x1024xf32, #tpu.memory_space<vmem>>
      tpu.enqueue_dma source(%dma_start3A_153 : memref<8x1024xf32, #tpu.memory_space<vmem>>) target(%dma_start3A_149 : memref<8x1024xf32, #tpu.memory_space<hbm>>) target_semaphore(%arg12 : memref<!tpu.dma_semaphore, #tpu.memory_space<semaphore_mem>>)
      %mul3A_154 = arith.constant 4 : i32
      %mul3A_155 = arith.muli %mul3A_154, %scan3A_104 : i32
      %add3A_156 = arith.constant 1 : i32
      %add3A_157 = arith.addi %mul3A_155, %add3A_156 : i32
      %add3A_158 = arith.addi %mul3A_2, %add3A_157 : i32
      %div3A_159 = arith.constant 128 : i32
      %div3A_160 = arith.divsi %add3A_158, %div3A_159 : i32
      %rem3A_161 = arith.constant 128 : i32
      %rem3A_162 = arith.remsi %add3A_158, %rem3A_161 : i32
      %add3A_163 = arith.constant 3 : i32
      %add3A_164 = arith.addi %add3A_157, %add3A_163 : i32
      %lt3A_165 = arith.constant 200 : i32
      %lt3A_166 = arith.cmpi slt, %add3A_164, %lt3A_165 : i32
      %convert_element_type3A_167 = arith.extui %lt3A_166 : i1 to i32
      %cond3A_168 = arith.constant 0 : i32
      %cond3A_169 = arith.cmpi ne, %convert_element_type3A_167, %cond3A_168 : i32
      scf.if %cond3A_169 {
        %add3A_319 = arith.constant 3 : i32
        %add3A_320 = arith.addi %add3A_157, %add3A_319 : i32
        %dma_start3A_321 = arith.constant 0 : i32
        %dma_start3A_322 = arith.constant 0 : i32
        %dma_start3A_323 = arith.constant 0 : i32
        %dma_start3A_324 = tpu.memref_slice %arg6[%dma_start3A_321, %dma_start3A_322, %dma_start3A_323] : memref<4x128x64xf32, #tpu.memory_space<vmem>> -> memref<1x128x64xf32, #tpu.memory_space<vmem>>
        %dma_start3A_325 = tpu.memref_squeeze %dma_start3A_324 : memref<1x128x64xf32, #tpu.memory_space<vmem>> -> memref<128x64xf32, #tpu.memory_space<vmem>>
        %dma_start3A_326 = arith.constant 0 : i32
        %dma_start3A_327 = tpu.memref_slice %arg5[%add3A_320, %dma_start3A_326] : memref<200x128xi32, #tpu.memory_space<vmem>> -> memref<1x128xi32, #tpu.memory_space<vmem>>
        %dma_start3A_328 = tpu.memref_squeeze %dma_start3A_327 : memref<1x128xi32, #tpu.memory_space<vmem>> -> memref<128xi32, #tpu.memory_space<vmem>>
        %dma_start3A_329 = arith.constant 0 : i32
        %dma_start3A_330 = arith.constant 0 : i32
        %dma_start3A_331 = tpu.memref_slice %arg2[%dma_start3A_329, %dma_start3A_330] : memref<1000000x64xf32, #tpu.memory_space<hbm>> -> memref<1000000x64xf32, #tpu.memory_space<hbm>>
        tpu.enqueue_indirect_dma source(%dma_start3A_331 : memref<1000000x64xf32, #tpu.memory_space<hbm>>) target(%dma_start3A_325 : memref<128x64xf32, #tpu.memory_space<vmem>>) offsets(%dma_start3A_328 : memref<128xi32, #tpu.memory_space<vmem>>) semaphore(%arg8 : memref<!tpu.dma_semaphore, #tpu.memory_space<semaphore_mem>>)
      } else {
      }
      %dma_wait3A_170 = arith.constant 1 : i32
      %dma_wait3A_171 = arith.constant 0 : i32
      %dma_wait3A_172 = arith.constant 0 : i32
      %dma_wait3A_173 = tpu.memref_slice %arg6[%dma_wait3A_170, %dma_wait3A_171, %dma_wait3A_172] : memref<4x128x64xf32, #tpu.memory_space<vmem>> -> memref<1x128x64xf32, #tpu.memory_space<vmem>>
      %dma_wait3A_174 = tpu.memref_squeeze %dma_wait3A_173 : memref<1x128x64xf32, #tpu.memory_space<vmem>> -> memref<128x64xf32, #tpu.memory_space<vmem>>
      %dma_wait3A_175 = arith.constant 0 : i32
      %dma_wait3A_176 = tpu.memref_slice %arg5[%add3A_157, %dma_wait3A_175] : memref<200x128xi32, #tpu.memory_space<vmem>> -> memref<1x128xi32, #tpu.memory_space<vmem>>
      %dma_wait3A_177 = tpu.memref_squeeze %dma_wait3A_176 : memref<1x128xi32, #tpu.memory_space<vmem>> -> memref<128xi32, #tpu.memory_space<vmem>>
      %dma_wait3A_178 = arith.constant 0 : i32
      %dma_wait3A_179 = arith.constant 0 : i32
      %dma_wait3A_180 = tpu.memref_slice %arg2[%dma_wait3A_178, %dma_wait3A_179] : memref<1000000x64xf32, #tpu.memory_space<hbm>> -> memref<1000000x64xf32, #tpu.memory_space<hbm>>
      tpu.wait_indirect_dma semaphore(%arg9 : memref<!tpu.dma_semaphore, #tpu.memory_space<semaphore_mem>>) src(%dma_wait3A_180 : memref<1000000x64xf32, #tpu.memory_space<hbm>>) dst(%dma_wait3A_174 : memref<128x64xf32, #tpu.memory_space<vmem>>)
      %ge3A_181 = arith.constant 2 : i32
      %ge3A_182 = arith.cmpi sge, %add3A_157, %ge3A_181 : i32
      %convert_element_type3A_183 = arith.extui %ge3A_182 : i1 to i32
      %cond3A_184 = arith.constant 0 : i32
      %cond3A_185 = arith.cmpi ne, %convert_element_type3A_183, %cond3A_184 : i32
      scf.if %cond3A_185 {
        %dma_wait3A_319 = arith.constant 1 : i32
        %dma_wait3A_320 = arith.constant 0 : i32
        %dma_wait3A_321 = arith.constant 0 : i32
        %dma_wait3A_322 = arith.constant 0 : i32
        %dma_wait3A_323 = arith.constant 0 : i32
        %dma_wait3A_324 = tpu.memref_slice %arg7[%dma_wait3A_319, %dma_wait3A_322, %dma_wait3A_323] : memref<2x8x1024xf32, #tpu.memory_space<vmem>> -> memref<1x8x1024xf32, #tpu.memory_space<vmem>>
        %dma_wait3A_325 = tpu.memref_squeeze %dma_wait3A_324 : memref<1x8x1024xf32, #tpu.memory_space<vmem>> -> memref<8x1024xf32, #tpu.memory_space<vmem>>
        %dma_wait3A_326 = arith.constant 0 : i32
        %dma_wait3A_327 = arith.constant 0 : i32
        %dma_wait3A_328 = tpu.memref_slice %arg4[%dma_wait3A_320, %dma_wait3A_326, %dma_wait3A_321, %dma_wait3A_327] : memref<50x8x128x1024xf32, #tpu.memory_space<hbm>> -> memref<1x8x1x1024xf32, #tpu.memory_space<hbm>>
        %dma_wait3A_329 = tpu.memref_squeeze %dma_wait3A_328 : memref<1x8x1x1024xf32, #tpu.memory_space<hbm>> -> memref<8x1024xf32, #tpu.memory_space<hbm>>
        %dma_wait3A_330 = arith.constant 0 : i32
        %dma_wait3A_331 = arith.constant 0 : i32
        %dma_wait3A_332 = tpu.memref_slice %arg4[%dma_wait3A_320, %dma_wait3A_330, %dma_wait3A_321, %dma_wait3A_331] : memref<50x8x128x1024xf32, #tpu.memory_space<hbm>> -> memref<1x8x1x1024xf32, #tpu.memory_space<hbm>>
        %dma_wait3A_333 = tpu.memref_squeeze %dma_wait3A_332 : memref<1x8x1x1024xf32, #tpu.memory_space<hbm>> -> memref<8x1024xf32, #tpu.memory_space<hbm>>
        %dma_wait3A_334 = arith.constant 0 : i32
        %dma_wait3A_335 = arith.constant 0 : i32
        %dma_wait3A_336 = tpu.memref_slice %arg7[%dma_wait3A_319, %dma_wait3A_334, %dma_wait3A_335] : memref<2x8x1024xf32, #tpu.memory_space<vmem>> -> memref<1x8x1024xf32, #tpu.memory_space<vmem>>
        %dma_wait3A_337 = tpu.memref_squeeze %dma_wait3A_336 : memref<1x8x1024xf32, #tpu.memory_space<vmem>> -> memref<8x1024xf32, #tpu.memory_space<vmem>>
        tpu.wait_dma2 semaphore(%arg13 : memref<!tpu.dma_semaphore, #tpu.memory_space<semaphore_mem>>) src(%dma_wait3A_337 : memref<8x1024xf32, #tpu.memory_space<vmem>>) dst(%dma_wait3A_333 : memref<8x1024xf32, #tpu.memory_space<hbm>>)
      } else {
      }
      %scan3A_186 = arith.constant 0 : i32
      %scan3A_187 = arith.constant 0 : i32
      %scan3A_188 = arith.constant 64 : i32
      %scan3A_189 = arith.addi %scan3A_187, %scan3A_188 : i32
      %scan3A_190 = arith.constant 1 : i32
      scf.for %scan3A_319 = %scan3A_187 to %scan3A_189 step %scan3A_190  : i32 {
        %add3A_320 = vector.broadcast %scan3A_319 : i32 to vector<16xi32>
        %add3A_321 = arith.addi %iota3A, %add3A_320 : vector<16xi32>
        %and3A = arith.constant 63 : i32
        %and3A_322 = vector.broadcast %and3A : i32 to vector<16xi32>
        %and3A_323 = arith.andi %add3A_321, %and3A_322 : vector<16xi32>
        %shift_right_logical3A = arith.constant 3 : i32
        %shift_right_logical3A_324 = vector.broadcast %shift_right_logical3A : i32 to vector<16xi32>
        %shift_right_logical3A_325 = arith.shrui %and3A_323, %shift_right_logical3A_324 : vector<16xi32>
        %and3A_326 = arith.constant 7 : i32
        %and3A_327 = vector.broadcast %and3A_326 : i32 to vector<16xi32>
        %and3A_328 = arith.andi %and3A_323, %and3A_327 : vector<16xi32>
        %mul3A_329 = arith.constant 128 : i32
        %mul3A_330 = vector.broadcast %mul3A_329 : i32 to vector<16xi32>
        %mul3A_331 = arith.muli %and3A_328, %mul3A_330 : vector<16xi32>
        %gather3A = arith.constant 1 : i32
        %gather3A_332 = arith.constant 0 : i32
        %gather3A_333 = arith.constant 0 : i32
        %gather3A_334 = tpu.memref_slice %arg6[%gather3A, %gather3A_332, %gather3A_333] : memref<4x128x64xf32, #tpu.memory_space<vmem>> -> memref<1x128x64xf32, #tpu.memory_space<vmem>>
        %gather3A_335 = tpu.memref_squeeze %gather3A_334 : memref<1x128x64xf32, #tpu.memory_space<vmem>> -> memref<128x64xf32, #tpu.memory_space<vmem>>
        %gather3A_336 = tpu.vector_load_idx %gather3A_335[%add3A_5, %and3A_323] : memref<128x64xf32, #tpu.memory_space<vmem>>[vector<16xi32>, vector<16xi32>], vector<16xf32>,
        %add3A_337 = arith.addi %mul3A_331, %add3A_5 : vector<16xi32>
        %scatter3A = arith.constant 1 : i32
        %scatter3A_338 = arith.constant 0 : i32
        %scatter3A_339 = arith.constant 0 : i32
        %scatter3A_340 = tpu.memref_slice %arg7[%scatter3A, %scatter3A_338, %scatter3A_339] : memref<2x8x1024xf32, #tpu.memory_space<vmem>> -> memref<1x8x1024xf32, #tpu.memory_space<vmem>>
        %scatter3A_341 = tpu.memref_squeeze %scatter3A_340 : memref<1x8x1024xf32, #tpu.memory_space<vmem>> -> memref<8x1024xf32, #tpu.memory_space<vmem>>
        tpu.vector_store_idx %scatter3A_341[%shift_right_logical3A_325, %add3A_337], %gather3A_336 : memref<8x1024xf32, #tpu.memory_space<vmem>>[vector<16xi32>, vector<16xi32>], vector<16xf32>,
        %gather3A_342 = arith.constant 1 : i32
        %gather3A_343 = arith.constant 0 : i32
        %gather3A_344 = arith.constant 0 : i32
        %gather3A_345 = tpu.memref_slice %arg6[%gather3A_342, %gather3A_343, %gather3A_344] : memref<4x128x64xf32, #tpu.memory_space<vmem>> -> memref<1x128x64xf32, #tpu.memory_space<vmem>>
        %gather3A_346 = tpu.memref_squeeze %gather3A_345 : memref<1x128x64xf32, #tpu.memory_space<vmem>> -> memref<128x64xf32, #tpu.memory_space<vmem>>
        %gather3A_347 = tpu.vector_load_idx %gather3A_346[%add3A_8, %and3A_323] : memref<128x64xf32, #tpu.memory_space<vmem>>[vector<16xi32>, vector<16xi32>], vector<16xf32>,
        %add3A_348 = arith.addi %mul3A_331, %add3A_8 : vector<16xi32>
        %scatter3A_349 = arith.constant 1 : i32
        %scatter3A_350 = arith.constant 0 : i32
        %scatter3A_351 = arith.constant 0 : i32
        %scatter3A_352 = tpu.memref_slice %arg7[%scatter3A_349, %scatter3A_350, %scatter3A_351] : memref<2x8x1024xf32, #tpu.memory_space<vmem>> -> memref<1x8x1024xf32, #tpu.memory_space<vmem>>
        %scatter3A_353 = tpu.memref_squeeze %scatter3A_352 : memref<1x8x1024xf32, #tpu.memory_space<vmem>> -> memref<8x1024xf32, #tpu.memory_space<vmem>>
        tpu.vector_store_idx %scatter3A_353[%shift_right_logical3A_325, %add3A_348], %gather3A_347 : memref<8x1024xf32, #tpu.memory_space<vmem>>[vector<16xi32>, vector<16xi32>], vector<16xf32>,
        %gather3A_354 = arith.constant 1 : i32
        %gather3A_355 = arith.constant 0 : i32
        %gather3A_356 = arith.constant 0 : i32
        %gather3A_357 = tpu.memref_slice %arg6[%gather3A_354, %gather3A_355, %gather3A_356] : memref<4x128x64xf32, #tpu.memory_space<vmem>> -> memref<1x128x64xf32, #tpu.memory_space<vmem>>
        %gather3A_358 = tpu.memref_squeeze %gather3A_357 : memref<1x128x64xf32, #tpu.memory_space<vmem>> -> memref<128x64xf32, #tpu.memory_space<vmem>>
        %gather3A_359 = tpu.vector_load_idx %gather3A_358[%add3A_11, %and3A_323] : memref<128x64xf32, #tpu.memory_space<vmem>>[vector<16xi32>, vector<16xi32>], vector<16xf32>,
        %add3A_360 = arith.addi %mul3A_331, %add3A_11 : vector<16xi32>
        %scatter3A_361 = arith.constant 1 : i32
        %scatter3A_362 = arith.constant 0 : i32
        %scatter3A_363 = arith.constant 0 : i32
        %scatter3A_364 = tpu.memref_slice %arg7[%scatter3A_361, %scatter3A_362, %scatter3A_363] : memref<2x8x1024xf32, #tpu.memory_space<vmem>> -> memref<1x8x1024xf32, #tpu.memory_space<vmem>>
        %scatter3A_365 = tpu.memref_squeeze %scatter3A_364 : memref<1x8x1024xf32, #tpu.memory_space<vmem>> -> memref<8x1024xf32, #tpu.memory_space<vmem>>
        tpu.vector_store_idx %scatter3A_365[%shift_right_logical3A_325, %add3A_360], %gather3A_359 : memref<8x1024xf32, #tpu.memory_space<vmem>>[vector<16xi32>, vector<16xi32>], vector<16xf32>,
        %gather3A_366 = arith.constant 1 : i32
        %gather3A_367 = arith.constant 0 : i32
        %gather3A_368 = arith.constant 0 : i32
        %gather3A_369 = tpu.memref_slice %arg6[%gather3A_366, %gather3A_367, %gather3A_368] : memref<4x128x64xf32, #tpu.memory_space<vmem>> -> memref<1x128x64xf32, #tpu.memory_space<vmem>>
        %gather3A_370 = tpu.memref_squeeze %gather3A_369 : memref<1x128x64xf32, #tpu.memory_space<vmem>> -> memref<128x64xf32, #tpu.memory_space<vmem>>
        %gather3A_371 = tpu.vector_load_idx %gather3A_370[%add3A_14, %and3A_323] : memref<128x64xf32, #tpu.memory_space<vmem>>[vector<16xi32>, vector<16xi32>], vector<16xf32>,
        %add3A_372 = arith.addi %mul3A_331, %add3A_14 : vector<16xi32>
        %scatter3A_373 = arith.constant 1 : i32
        %scatter3A_374 = arith.constant 0 : i32
        %scatter3A_375 = arith.constant 0 : i32
        %scatter3A_376 = tpu.memref_slice %arg7[%scatter3A_373, %scatter3A_374, %scatter3A_375] : memref<2x8x1024xf32, #tpu.memory_space<vmem>> -> memref<1x8x1024xf32, #tpu.memory_space<vmem>>
        %scatter3A_377 = tpu.memref_squeeze %scatter3A_376 : memref<1x8x1024xf32, #tpu.memory_space<vmem>> -> memref<8x1024xf32, #tpu.memory_space<vmem>>
        tpu.vector_store_idx %scatter3A_377[%shift_right_logical3A_325, %add3A_372], %gather3A_371 : memref<8x1024xf32, #tpu.memory_space<vmem>>[vector<16xi32>, vector<16xi32>], vector<16xf32>,
        %gather3A_378 = arith.constant 1 : i32
        %gather3A_379 = arith.constant 0 : i32
        %gather3A_380 = arith.constant 0 : i32
        %gather3A_381 = tpu.memref_slice %arg6[%gather3A_378, %gather3A_379, %gather3A_380] : memref<4x128x64xf32, #tpu.memory_space<vmem>> -> memref<1x128x64xf32, #tpu.memory_space<vmem>>
        %gather3A_382 = tpu.memref_squeeze %gather3A_381 : memref<1x128x64xf32, #tpu.memory_space<vmem>> -> memref<128x64xf32, #tpu.memory_space<vmem>>
        %gather3A_383 = tpu.vector_load_idx %gather3A_382[%add3A_17, %and3A_323] : memref<128x64xf32, #tpu.memory_space<vmem>>[vector<16xi32>, vector<16xi32>], vector<16xf32>,
        %add3A_384 = arith.addi %mul3A_331, %add3A_17 : vector<16xi32>
        %scatter3A_385 = arith.constant 1 : i32
        %scatter3A_386 = arith.constant 0 : i32
        %scatter3A_387 = arith.constant 0 : i32
        %scatter3A_388 = tpu.memref_slice %arg7[%scatter3A_385, %scatter3A_386, %scatter3A_387] : memref<2x8x1024xf32, #tpu.memory_space<vmem>> -> memref<1x8x1024xf32, #tpu.memory_space<vmem>>
        %scatter3A_389 = tpu.memref_squeeze %scatter3A_388 : memref<1x8x1024xf32, #tpu.memory_space<vmem>> -> memref<8x1024xf32, #tpu.memory_space<vmem>>
        tpu.vector_store_idx %scatter3A_389[%shift_right_logical3A_325, %add3A_384], %gather3A_383 : memref<8x1024xf32, #tpu.memory_space<vmem>>[vector<16xi32>, vector<16xi32>], vector<16xf32>,
        %gather3A_390 = arith.constant 1 : i32
        %gather3A_391 = arith.constant 0 : i32
        %gather3A_392 = arith.constant 0 : i32
        %gather3A_393 = tpu.memref_slice %arg6[%gather3A_390, %gather3A_391, %gather3A_392] : memref<4x128x64xf32, #tpu.memory_space<vmem>> -> memref<1x128x64xf32, #tpu.memory_space<vmem>>
        %gather3A_394 = tpu.memref_squeeze %gather3A_393 : memref<1x128x64xf32, #tpu.memory_space<vmem>> -> memref<128x64xf32, #tpu.memory_space<vmem>>
        %gather3A_395 = tpu.vector_load_idx %gather3A_394[%add3A_20, %and3A_323] : memref<128x64xf32, #tpu.memory_space<vmem>>[vector<16xi32>, vector<16xi32>], vector<16xf32>,
        %add3A_396 = arith.addi %mul3A_331, %add3A_20 : vector<16xi32>
        %scatter3A_397 = arith.constant 1 : i32
        %scatter3A_398 = arith.constant 0 : i32
        %scatter3A_399 = arith.constant 0 : i32
        %scatter3A_400 = tpu.memref_slice %arg7[%scatter3A_397, %scatter3A_398, %scatter3A_399] : memref<2x8x1024xf32, #tpu.memory_space<vmem>> -> memref<1x8x1024xf32, #tpu.memory_space<vmem>>
        %scatter3A_401 = tpu.memref_squeeze %scatter3A_400 : memref<1x8x1024xf32, #tpu.memory_space<vmem>> -> memref<8x1024xf32, #tpu.memory_space<vmem>>
        tpu.vector_store_idx %scatter3A_401[%shift_right_logical3A_325, %add3A_396], %gather3A_395 : memref<8x1024xf32, #tpu.memory_space<vmem>>[vector<16xi32>, vector<16xi32>], vector<16xf32>,
        %gather3A_402 = arith.constant 1 : i32
        %gather3A_403 = arith.constant 0 : i32
        %gather3A_404 = arith.constant 0 : i32
        %gather3A_405 = tpu.memref_slice %arg6[%gather3A_402, %gather3A_403, %gather3A_404] : memref<4x128x64xf32, #tpu.memory_space<vmem>> -> memref<1x128x64xf32, #tpu.memory_space<vmem>>
        %gather3A_406 = tpu.memref_squeeze %gather3A_405 : memref<1x128x64xf32, #tpu.memory_space<vmem>> -> memref<128x64xf32, #tpu.memory_space<vmem>>
        %gather3A_407 = tpu.vector_load_idx %gather3A_406[%add3A_23, %and3A_323] : memref<128x64xf32, #tpu.memory_space<vmem>>[vector<16xi32>, vector<16xi32>], vector<16xf32>,
        %add3A_408 = arith.addi %mul3A_331, %add3A_23 : vector<16xi32>
        %scatter3A_409 = arith.constant 1 : i32
        %scatter3A_410 = arith.constant 0 : i32
        %scatter3A_411 = arith.constant 0 : i32
        %scatter3A_412 = tpu.memref_slice %arg7[%scatter3A_409, %scatter3A_410, %scatter3A_411] : memref<2x8x1024xf32, #tpu.memory_space<vmem>> -> memref<1x8x1024xf32, #tpu.memory_space<vmem>>
        %scatter3A_413 = tpu.memref_squeeze %scatter3A_412 : memref<1x8x1024xf32, #tpu.memory_space<vmem>> -> memref<8x1024xf32, #tpu.memory_space<vmem>>
        tpu.vector_store_idx %scatter3A_413[%shift_right_logical3A_325, %add3A_408], %gather3A_407 : memref<8x1024xf32, #tpu.memory_space<vmem>>[vector<16xi32>, vector<16xi32>], vector<16xf32>,
        %gather3A_414 = arith.constant 1 : i32
        %gather3A_415 = arith.constant 0 : i32
        %gather3A_416 = arith.constant 0 : i32
        %gather3A_417 = tpu.memref_slice %arg6[%gather3A_414, %gather3A_415, %gather3A_416] : memref<4x128x64xf32, #tpu.memory_space<vmem>> -> memref<1x128x64xf32, #tpu.memory_space<vmem>>
        %gather3A_418 = tpu.memref_squeeze %gather3A_417 : memref<1x128x64xf32, #tpu.memory_space<vmem>> -> memref<128x64xf32, #tpu.memory_space<vmem>>
        %gather3A_419 = tpu.vector_load_idx %gather3A_418[%add3A_26, %and3A_323] : memref<128x64xf32, #tpu.memory_space<vmem>>[vector<16xi32>, vector<16xi32>], vector<16xf32>,
        %add3A_420 = arith.addi %mul3A_331, %add3A_26 : vector<16xi32>
        %scatter3A_421 = arith.constant 1 : i32
        %scatter3A_422 = arith.constant 0 : i32
        %scatter3A_423 = arith.constant 0 : i32
        %scatter3A_424 = tpu.memref_slice %arg7[%scatter3A_421, %scatter3A_422, %scatter3A_423] : memref<2x8x1024xf32, #tpu.memory_space<vmem>> -> memref<1x8x1024xf32, #tpu.memory_space<vmem>>
        %scatter3A_425 = tpu.memref_squeeze %scatter3A_424 : memref<1x8x1024xf32, #tpu.memory_space<vmem>> -> memref<8x1024xf32, #tpu.memory_space<vmem>>
        tpu.vector_store_idx %scatter3A_425[%shift_right_logical3A_325, %add3A_420], %gather3A_419 : memref<8x1024xf32, #tpu.memory_space<vmem>>[vector<16xi32>, vector<16xi32>], vector<16xf32>,
      }
      %scan3A_191 = arith.constant 64 : i32
      %dma_start3A_192 = arith.constant 1 : i32
      %dma_start3A_193 = arith.constant 0 : i32
      %dma_start3A_194 = arith.constant 0 : i32
      %dma_start3A_195 = tpu.memref_slice %arg7[%dma_start3A_192, %dma_start3A_193, %dma_start3A_194] : memref<2x8x1024xf32, #tpu.memory_space<vmem>> -> memref<1x8x1024xf32, #tpu.memory_space<vmem>>
      %dma_start3A_196 = tpu.memref_squeeze %dma_start3A_195 : memref<1x8x1024xf32, #tpu.memory_space<vmem>> -> memref<8x1024xf32, #tpu.memory_space<vmem>>
      %dma_start3A_197 = arith.constant 0 : i32
      %dma_start3A_198 = arith.constant 0 : i32
      %dma_start3A_199 = tpu.memref_slice %arg4[%div3A_160, %dma_start3A_197, %rem3A_162, %dma_start3A_198] : memref<50x8x128x1024xf32, #tpu.memory_space<hbm>> -> memref<1x8x1x1024xf32, #tpu.memory_space<hbm>>
      %dma_start3A_200 = tpu.memref_squeeze %dma_start3A_199 : memref<1x8x1x1024xf32, #tpu.memory_space<hbm>> -> memref<8x1024xf32, #tpu.memory_space<hbm>>
      %dma_start3A_201 = arith.constant 0 : i32
      %dma_start3A_202 = arith.constant 0 : i32
      %dma_start3A_203 = tpu.memref_slice %arg4[%div3A_160, %dma_start3A_201, %rem3A_162, %dma_start3A_202] : memref<50x8x128x1024xf32, #tpu.memory_space<hbm>> -> memref<1x8x1x1024xf32, #tpu.memory_space<hbm>>
      %dma_start3A_204 = tpu.memref_squeeze %dma_start3A_203 : memref<1x8x1x1024xf32, #tpu.memory_space<hbm>> -> memref<8x1024xf32, #tpu.memory_space<hbm>>
      %dma_start3A_205 = arith.constant 0 : i32
      %dma_start3A_206 = arith.constant 0 : i32
      %dma_start3A_207 = tpu.memref_slice %arg7[%dma_start3A_192, %dma_start3A_205, %dma_start3A_206] : memref<2x8x1024xf32, #tpu.memory_space<vmem>> -> memref<1x8x1024xf32, #tpu.memory_space<vmem>>
      %dma_start3A_208 = tpu.memref_squeeze %dma_start3A_207 : memref<1x8x1024xf32, #tpu.memory_space<vmem>> -> memref<8x1024xf32, #tpu.memory_space<vmem>>
      tpu.enqueue_dma source(%dma_start3A_208 : memref<8x1024xf32, #tpu.memory_space<vmem>>) target(%dma_start3A_204 : memref<8x1024xf32, #tpu.memory_space<hbm>>) target_semaphore(%arg13 : memref<!tpu.dma_semaphore, #tpu.memory_space<semaphore_mem>>)
      %mul3A_209 = arith.constant 4 : i32
      %mul3A_210 = arith.muli %mul3A_209, %scan3A_104 : i32
      %add3A_211 = arith.constant 2 : i32
      %add3A_212 = arith.addi %mul3A_210, %add3A_211 : i32
      %add3A_213 = arith.addi %mul3A_2, %add3A_212 : i32
      %div3A_214 = arith.constant 128 : i32
      %div3A_215 = arith.divsi %add3A_213, %div3A_214 : i32
      %rem3A_216 = arith.constant 128 : i32
      %rem3A_217 = arith.remsi %add3A_213, %rem3A_216 : i32
      %add3A_218 = arith.constant 3 : i32
      %add3A_219 = arith.addi %add3A_212, %add3A_218 : i32
      %lt3A_220 = arith.constant 200 : i32
      %lt3A_221 = arith.cmpi slt, %add3A_219, %lt3A_220 : i32
      %convert_element_type3A_222 = arith.extui %lt3A_221 : i1 to i32
      %cond3A_223 = arith.constant 0 : i32
      %cond3A_224 = arith.cmpi ne, %convert_element_type3A_222, %cond3A_223 : i32
      scf.if %cond3A_224 {
        %add3A_319 = arith.constant 3 : i32
        %add3A_320 = arith.addi %add3A_212, %add3A_319 : i32
        %dma_start3A_321 = arith.constant 1 : i32
        %dma_start3A_322 = arith.constant 0 : i32
        %dma_start3A_323 = arith.constant 0 : i32
        %dma_start3A_324 = tpu.memref_slice %arg6[%dma_start3A_321, %dma_start3A_322, %dma_start3A_323] : memref<4x128x64xf32, #tpu.memory_space<vmem>> -> memref<1x128x64xf32, #tpu.memory_space<vmem>>
        %dma_start3A_325 = tpu.memref_squeeze %dma_start3A_324 : memref<1x128x64xf32, #tpu.memory_space<vmem>> -> memref<128x64xf32, #tpu.memory_space<vmem>>
        %dma_start3A_326 = arith.constant 0 : i32
        %dma_start3A_327 = tpu.memref_slice %arg5[%add3A_320, %dma_start3A_326] : memref<200x128xi32, #tpu.memory_space<vmem>> -> memref<1x128xi32, #tpu.memory_space<vmem>>
        %dma_start3A_328 = tpu.memref_squeeze %dma_start3A_327 : memref<1x128xi32, #tpu.memory_space<vmem>> -> memref<128xi32, #tpu.memory_space<vmem>>
        %dma_start3A_329 = arith.constant 0 : i32
        %dma_start3A_330 = arith.constant 0 : i32
        %dma_start3A_331 = tpu.memref_slice %arg2[%dma_start3A_329, %dma_start3A_330] : memref<1000000x64xf32, #tpu.memory_space<hbm>> -> memref<1000000x64xf32, #tpu.memory_space<hbm>>
        tpu.enqueue_indirect_dma source(%dma_start3A_331 : memref<1000000x64xf32, #tpu.memory_space<hbm>>) target(%dma_start3A_325 : memref<128x64xf32, #tpu.memory_space<vmem>>) offsets(%dma_start3A_328 : memref<128xi32, #tpu.memory_space<vmem>>) semaphore(%arg9 : memref<!tpu.dma_semaphore, #tpu.memory_space<semaphore_mem>>)
      } else {
      }
      %dma_wait3A_225 = arith.constant 2 : i32
      %dma_wait3A_226 = arith.constant 0 : i32
      %dma_wait3A_227 = arith.constant 0 : i32
      %dma_wait3A_228 = tpu.memref_slice %arg6[%dma_wait3A_225, %dma_wait3A_226, %dma_wait3A_227] : memref<4x128x64xf32, #tpu.memory_space<vmem>> -> memref<1x128x64xf32, #tpu.memory_space<vmem>>
      %dma_wait3A_229 = tpu.memref_squeeze %dma_wait3A_228 : memref<1x128x64xf32, #tpu.memory_space<vmem>> -> memref<128x64xf32, #tpu.memory_space<vmem>>
      %dma_wait3A_230 = arith.constant 0 : i32
      %dma_wait3A_231 = tpu.memref_slice %arg5[%add3A_212, %dma_wait3A_230] : memref<200x128xi32, #tpu.memory_space<vmem>> -> memref<1x128xi32, #tpu.memory_space<vmem>>
      %dma_wait3A_232 = tpu.memref_squeeze %dma_wait3A_231 : memref<1x128xi32, #tpu.memory_space<vmem>> -> memref<128xi32, #tpu.memory_space<vmem>>
      %dma_wait3A_233 = arith.constant 0 : i32
      %dma_wait3A_234 = arith.constant 0 : i32
      %dma_wait3A_235 = tpu.memref_slice %arg2[%dma_wait3A_233, %dma_wait3A_234] : memref<1000000x64xf32, #tpu.memory_space<hbm>> -> memref<1000000x64xf32, #tpu.memory_space<hbm>>
      tpu.wait_indirect_dma semaphore(%arg10 : memref<!tpu.dma_semaphore, #tpu.memory_space<semaphore_mem>>) src(%dma_wait3A_235 : memref<1000000x64xf32, #tpu.memory_space<hbm>>) dst(%dma_wait3A_229 : memref<128x64xf32, #tpu.memory_space<vmem>>)
      %ge3A_236 = arith.constant 2 : i32
      %ge3A_237 = arith.cmpi sge, %add3A_212, %ge3A_236 : i32
      %convert_element_type3A_238 = arith.extui %ge3A_237 : i1 to i32
      %cond3A_239 = arith.constant 0 : i32
      %cond3A_240 = arith.cmpi ne, %convert_element_type3A_238, %cond3A_239 : i32
      scf.if %cond3A_240 {
        %dma_wait3A_319 = arith.constant 0 : i32
        %dma_wait3A_320 = arith.constant 0 : i32
        %dma_wait3A_321 = arith.constant 0 : i32
        %dma_wait3A_322 = arith.constant 0 : i32
        %dma_wait3A_323 = arith.constant 0 : i32
        %dma_wait3A_324 = tpu.memref_slice %arg7[%dma_wait3A_319, %dma_wait3A_322, %dma_wait3A_323] : memref<2x8x1024xf32, #tpu.memory_space<vmem>> -> memref<1x8x1024xf32, #tpu.memory_space<vmem>>
        %dma_wait3A_325 = tpu.memref_squeeze %dma_wait3A_324 : memref<1x8x1024xf32, #tpu.memory_space<vmem>> -> memref<8x1024xf32, #tpu.memory_space<vmem>>
        %dma_wait3A_326 = arith.constant 0 : i32
        %dma_wait3A_327 = arith.constant 0 : i32
        %dma_wait3A_328 = tpu.memref_slice %arg4[%dma_wait3A_320, %dma_wait3A_326, %dma_wait3A_321, %dma_wait3A_327] : memref<50x8x128x1024xf32, #tpu.memory_space<hbm>> -> memref<1x8x1x1024xf32, #tpu.memory_space<hbm>>
        %dma_wait3A_329 = tpu.memref_squeeze %dma_wait3A_328 : memref<1x8x1x1024xf32, #tpu.memory_space<hbm>> -> memref<8x1024xf32, #tpu.memory_space<hbm>>
        %dma_wait3A_330 = arith.constant 0 : i32
        %dma_wait3A_331 = arith.constant 0 : i32
        %dma_wait3A_332 = tpu.memref_slice %arg4[%dma_wait3A_320, %dma_wait3A_330, %dma_wait3A_321, %dma_wait3A_331] : memref<50x8x128x1024xf32, #tpu.memory_space<hbm>> -> memref<1x8x1x1024xf32, #tpu.memory_space<hbm>>
        %dma_wait3A_333 = tpu.memref_squeeze %dma_wait3A_332 : memref<1x8x1x1024xf32, #tpu.memory_space<hbm>> -> memref<8x1024xf32, #tpu.memory_space<hbm>>
        %dma_wait3A_334 = arith.constant 0 : i32
        %dma_wait3A_335 = arith.constant 0 : i32
        %dma_wait3A_336 = tpu.memref_slice %arg7[%dma_wait3A_319, %dma_wait3A_334, %dma_wait3A_335] : memref<2x8x1024xf32, #tpu.memory_space<vmem>> -> memref<1x8x1024xf32, #tpu.memory_space<vmem>>
        %dma_wait3A_337 = tpu.memref_squeeze %dma_wait3A_336 : memref<1x8x1024xf32, #tpu.memory_space<vmem>> -> memref<8x1024xf32, #tpu.memory_space<vmem>>
        tpu.wait_dma2 semaphore(%arg12 : memref<!tpu.dma_semaphore, #tpu.memory_space<semaphore_mem>>) src(%dma_wait3A_337 : memref<8x1024xf32, #tpu.memory_space<vmem>>) dst(%dma_wait3A_333 : memref<8x1024xf32, #tpu.memory_space<hbm>>)
      } else {
      }
      %scan3A_241 = arith.constant 0 : i32
      %scan3A_242 = arith.constant 0 : i32
      %scan3A_243 = arith.constant 64 : i32
      %scan3A_244 = arith.addi %scan3A_242, %scan3A_243 : i32
      %scan3A_245 = arith.constant 1 : i32
      scf.for %scan3A_319 = %scan3A_242 to %scan3A_244 step %scan3A_245  : i32 {
        %add3A_320 = vector.broadcast %scan3A_319 : i32 to vector<16xi32>
        %add3A_321 = arith.addi %iota3A, %add3A_320 : vector<16xi32>
        %and3A = arith.constant 63 : i32
        %and3A_322 = vector.broadcast %and3A : i32 to vector<16xi32>
        %and3A_323 = arith.andi %add3A_321, %and3A_322 : vector<16xi32>
        %shift_right_logical3A = arith.constant 3 : i32
        %shift_right_logical3A_324 = vector.broadcast %shift_right_logical3A : i32 to vector<16xi32>
        %shift_right_logical3A_325 = arith.shrui %and3A_323, %shift_right_logical3A_324 : vector<16xi32>
        %and3A_326 = arith.constant 7 : i32
        %and3A_327 = vector.broadcast %and3A_326 : i32 to vector<16xi32>
        %and3A_328 = arith.andi %and3A_323, %and3A_327 : vector<16xi32>
        %mul3A_329 = arith.constant 128 : i32
        %mul3A_330 = vector.broadcast %mul3A_329 : i32 to vector<16xi32>
        %mul3A_331 = arith.muli %and3A_328, %mul3A_330 : vector<16xi32>
        %gather3A = arith.constant 2 : i32
        %gather3A_332 = arith.constant 0 : i32
        %gather3A_333 = arith.constant 0 : i32
        %gather3A_334 = tpu.memref_slice %arg6[%gather3A, %gather3A_332, %gather3A_333] : memref<4x128x64xf32, #tpu.memory_space<vmem>> -> memref<1x128x64xf32, #tpu.memory_space<vmem>>
        %gather3A_335 = tpu.memref_squeeze %gather3A_334 : memref<1x128x64xf32, #tpu.memory_space<vmem>> -> memref<128x64xf32, #tpu.memory_space<vmem>>
        %gather3A_336 = tpu.vector_load_idx %gather3A_335[%add3A_5, %and3A_323] : memref<128x64xf32, #tpu.memory_space<vmem>>[vector<16xi32>, vector<16xi32>], vector<16xf32>,
        %add3A_337 = arith.addi %mul3A_331, %add3A_5 : vector<16xi32>
        %scatter3A = arith.constant 0 : i32
        %scatter3A_338 = arith.constant 0 : i32
        %scatter3A_339 = arith.constant 0 : i32
        %scatter3A_340 = tpu.memref_slice %arg7[%scatter3A, %scatter3A_338, %scatter3A_339] : memref<2x8x1024xf32, #tpu.memory_space<vmem>> -> memref<1x8x1024xf32, #tpu.memory_space<vmem>>
        %scatter3A_341 = tpu.memref_squeeze %scatter3A_340 : memref<1x8x1024xf32, #tpu.memory_space<vmem>> -> memref<8x1024xf32, #tpu.memory_space<vmem>>
        tpu.vector_store_idx %scatter3A_341[%shift_right_logical3A_325, %add3A_337], %gather3A_336 : memref<8x1024xf32, #tpu.memory_space<vmem>>[vector<16xi32>, vector<16xi32>], vector<16xf32>,
        %gather3A_342 = arith.constant 2 : i32
        %gather3A_343 = arith.constant 0 : i32
        %gather3A_344 = arith.constant 0 : i32
        %gather3A_345 = tpu.memref_slice %arg6[%gather3A_342, %gather3A_343, %gather3A_344] : memref<4x128x64xf32, #tpu.memory_space<vmem>> -> memref<1x128x64xf32, #tpu.memory_space<vmem>>
        %gather3A_346 = tpu.memref_squeeze %gather3A_345 : memref<1x128x64xf32, #tpu.memory_space<vmem>> -> memref<128x64xf32, #tpu.memory_space<vmem>>
        %gather3A_347 = tpu.vector_load_idx %gather3A_346[%add3A_8, %and3A_323] : memref<128x64xf32, #tpu.memory_space<vmem>>[vector<16xi32>, vector<16xi32>], vector<16xf32>,
        %add3A_348 = arith.addi %mul3A_331, %add3A_8 : vector<16xi32>
        %scatter3A_349 = arith.constant 0 : i32
        %scatter3A_350 = arith.constant 0 : i32
        %scatter3A_351 = arith.constant 0 : i32
        %scatter3A_352 = tpu.memref_slice %arg7[%scatter3A_349, %scatter3A_350, %scatter3A_351] : memref<2x8x1024xf32, #tpu.memory_space<vmem>> -> memref<1x8x1024xf32, #tpu.memory_space<vmem>>
        %scatter3A_353 = tpu.memref_squeeze %scatter3A_352 : memref<1x8x1024xf32, #tpu.memory_space<vmem>> -> memref<8x1024xf32, #tpu.memory_space<vmem>>
        tpu.vector_store_idx %scatter3A_353[%shift_right_logical3A_325, %add3A_348], %gather3A_347 : memref<8x1024xf32, #tpu.memory_space<vmem>>[vector<16xi32>, vector<16xi32>], vector<16xf32>,
        %gather3A_354 = arith.constant 2 : i32
        %gather3A_355 = arith.constant 0 : i32
        %gather3A_356 = arith.constant 0 : i32
        %gather3A_357 = tpu.memref_slice %arg6[%gather3A_354, %gather3A_355, %gather3A_356] : memref<4x128x64xf32, #tpu.memory_space<vmem>> -> memref<1x128x64xf32, #tpu.memory_space<vmem>>
        %gather3A_358 = tpu.memref_squeeze %gather3A_357 : memref<1x128x64xf32, #tpu.memory_space<vmem>> -> memref<128x64xf32, #tpu.memory_space<vmem>>
        %gather3A_359 = tpu.vector_load_idx %gather3A_358[%add3A_11, %and3A_323] : memref<128x64xf32, #tpu.memory_space<vmem>>[vector<16xi32>, vector<16xi32>], vector<16xf32>,
        %add3A_360 = arith.addi %mul3A_331, %add3A_11 : vector<16xi32>
        %scatter3A_361 = arith.constant 0 : i32
        %scatter3A_362 = arith.constant 0 : i32
        %scatter3A_363 = arith.constant 0 : i32
        %scatter3A_364 = tpu.memref_slice %arg7[%scatter3A_361, %scatter3A_362, %scatter3A_363] : memref<2x8x1024xf32, #tpu.memory_space<vmem>> -> memref<1x8x1024xf32, #tpu.memory_space<vmem>>
        %scatter3A_365 = tpu.memref_squeeze %scatter3A_364 : memref<1x8x1024xf32, #tpu.memory_space<vmem>> -> memref<8x1024xf32, #tpu.memory_space<vmem>>
        tpu.vector_store_idx %scatter3A_365[%shift_right_logical3A_325, %add3A_360], %gather3A_359 : memref<8x1024xf32, #tpu.memory_space<vmem>>[vector<16xi32>, vector<16xi32>], vector<16xf32>,
        %gather3A_366 = arith.constant 2 : i32
        %gather3A_367 = arith.constant 0 : i32
        %gather3A_368 = arith.constant 0 : i32
        %gather3A_369 = tpu.memref_slice %arg6[%gather3A_366, %gather3A_367, %gather3A_368] : memref<4x128x64xf32, #tpu.memory_space<vmem>> -> memref<1x128x64xf32, #tpu.memory_space<vmem>>
        %gather3A_370 = tpu.memref_squeeze %gather3A_369 : memref<1x128x64xf32, #tpu.memory_space<vmem>> -> memref<128x64xf32, #tpu.memory_space<vmem>>
        %gather3A_371 = tpu.vector_load_idx %gather3A_370[%add3A_14, %and3A_323] : memref<128x64xf32, #tpu.memory_space<vmem>>[vector<16xi32>, vector<16xi32>], vector<16xf32>,
        %add3A_372 = arith.addi %mul3A_331, %add3A_14 : vector<16xi32>
        %scatter3A_373 = arith.constant 0 : i32
        %scatter3A_374 = arith.constant 0 : i32
        %scatter3A_375 = arith.constant 0 : i32
        %scatter3A_376 = tpu.memref_slice %arg7[%scatter3A_373, %scatter3A_374, %scatter3A_375] : memref<2x8x1024xf32, #tpu.memory_space<vmem>> -> memref<1x8x1024xf32, #tpu.memory_space<vmem>>
        %scatter3A_377 = tpu.memref_squeeze %scatter3A_376 : memref<1x8x1024xf32, #tpu.memory_space<vmem>> -> memref<8x1024xf32, #tpu.memory_space<vmem>>
        tpu.vector_store_idx %scatter3A_377[%shift_right_logical3A_325, %add3A_372], %gather3A_371 : memref<8x1024xf32, #tpu.memory_space<vmem>>[vector<16xi32>, vector<16xi32>], vector<16xf32>,
        %gather3A_378 = arith.constant 2 : i32
        %gather3A_379 = arith.constant 0 : i32
        %gather3A_380 = arith.constant 0 : i32
        %gather3A_381 = tpu.memref_slice %arg6[%gather3A_378, %gather3A_379, %gather3A_380] : memref<4x128x64xf32, #tpu.memory_space<vmem>> -> memref<1x128x64xf32, #tpu.memory_space<vmem>>
        %gather3A_382 = tpu.memref_squeeze %gather3A_381 : memref<1x128x64xf32, #tpu.memory_space<vmem>> -> memref<128x64xf32, #tpu.memory_space<vmem>>
        %gather3A_383 = tpu.vector_load_idx %gather3A_382[%add3A_17, %and3A_323] : memref<128x64xf32, #tpu.memory_space<vmem>>[vector<16xi32>, vector<16xi32>], vector<16xf32>,
        %add3A_384 = arith.addi %mul3A_331, %add3A_17 : vector<16xi32>
        %scatter3A_385 = arith.constant 0 : i32
        %scatter3A_386 = arith.constant 0 : i32
        %scatter3A_387 = arith.constant 0 : i32
        %scatter3A_388 = tpu.memref_slice %arg7[%scatter3A_385, %scatter3A_386, %scatter3A_387] : memref<2x8x1024xf32, #tpu.memory_space<vmem>> -> memref<1x8x1024xf32, #tpu.memory_space<vmem>>
        %scatter3A_389 = tpu.memref_squeeze %scatter3A_388 : memref<1x8x1024xf32, #tpu.memory_space<vmem>> -> memref<8x1024xf32, #tpu.memory_space<vmem>>
        tpu.vector_store_idx %scatter3A_389[%shift_right_logical3A_325, %add3A_384], %gather3A_383 : memref<8x1024xf32, #tpu.memory_space<vmem>>[vector<16xi32>, vector<16xi32>], vector<16xf32>,
        %gather3A_390 = arith.constant 2 : i32
        %gather3A_391 = arith.constant 0 : i32
        %gather3A_392 = arith.constant 0 : i32
        %gather3A_393 = tpu.memref_slice %arg6[%gather3A_390, %gather3A_391, %gather3A_392] : memref<4x128x64xf32, #tpu.memory_space<vmem>> -> memref<1x128x64xf32, #tpu.memory_space<vmem>>
        %gather3A_394 = tpu.memref_squeeze %gather3A_393 : memref<1x128x64xf32, #tpu.memory_space<vmem>> -> memref<128x64xf32, #tpu.memory_space<vmem>>
        %gather3A_395 = tpu.vector_load_idx %gather3A_394[%add3A_20, %and3A_323] : memref<128x64xf32, #tpu.memory_space<vmem>>[vector<16xi32>, vector<16xi32>], vector<16xf32>,
        %add3A_396 = arith.addi %mul3A_331, %add3A_20 : vector<16xi32>
        %scatter3A_397 = arith.constant 0 : i32
        %scatter3A_398 = arith.constant 0 : i32
        %scatter3A_399 = arith.constant 0 : i32
        %scatter3A_400 = tpu.memref_slice %arg7[%scatter3A_397, %scatter3A_398, %scatter3A_399] : memref<2x8x1024xf32, #tpu.memory_space<vmem>> -> memref<1x8x1024xf32, #tpu.memory_space<vmem>>
        %scatter3A_401 = tpu.memref_squeeze %scatter3A_400 : memref<1x8x1024xf32, #tpu.memory_space<vmem>> -> memref<8x1024xf32, #tpu.memory_space<vmem>>
        tpu.vector_store_idx %scatter3A_401[%shift_right_logical3A_325, %add3A_396], %gather3A_395 : memref<8x1024xf32, #tpu.memory_space<vmem>>[vector<16xi32>, vector<16xi32>], vector<16xf32>,
        %gather3A_402 = arith.constant 2 : i32
        %gather3A_403 = arith.constant 0 : i32
        %gather3A_404 = arith.constant 0 : i32
        %gather3A_405 = tpu.memref_slice %arg6[%gather3A_402, %gather3A_403, %gather3A_404] : memref<4x128x64xf32, #tpu.memory_space<vmem>> -> memref<1x128x64xf32, #tpu.memory_space<vmem>>
        %gather3A_406 = tpu.memref_squeeze %gather3A_405 : memref<1x128x64xf32, #tpu.memory_space<vmem>> -> memref<128x64xf32, #tpu.memory_space<vmem>>
        %gather3A_407 = tpu.vector_load_idx %gather3A_406[%add3A_23, %and3A_323] : memref<128x64xf32, #tpu.memory_space<vmem>>[vector<16xi32>, vector<16xi32>], vector<16xf32>,
        %add3A_408 = arith.addi %mul3A_331, %add3A_23 : vector<16xi32>
        %scatter3A_409 = arith.constant 0 : i32
        %scatter3A_410 = arith.constant 0 : i32
        %scatter3A_411 = arith.constant 0 : i32
        %scatter3A_412 = tpu.memref_slice %arg7[%scatter3A_409, %scatter3A_410, %scatter3A_411] : memref<2x8x1024xf32, #tpu.memory_space<vmem>> -> memref<1x8x1024xf32, #tpu.memory_space<vmem>>
        %scatter3A_413 = tpu.memref_squeeze %scatter3A_412 : memref<1x8x1024xf32, #tpu.memory_space<vmem>> -> memref<8x1024xf32, #tpu.memory_space<vmem>>
        tpu.vector_store_idx %scatter3A_413[%shift_right_logical3A_325, %add3A_408], %gather3A_407 : memref<8x1024xf32, #tpu.memory_space<vmem>>[vector<16xi32>, vector<16xi32>], vector<16xf32>,
        %gather3A_414 = arith.constant 2 : i32
        %gather3A_415 = arith.constant 0 : i32
        %gather3A_416 = arith.constant 0 : i32
        %gather3A_417 = tpu.memref_slice %arg6[%gather3A_414, %gather3A_415, %gather3A_416] : memref<4x128x64xf32, #tpu.memory_space<vmem>> -> memref<1x128x64xf32, #tpu.memory_space<vmem>>
        %gather3A_418 = tpu.memref_squeeze %gather3A_417 : memref<1x128x64xf32, #tpu.memory_space<vmem>> -> memref<128x64xf32, #tpu.memory_space<vmem>>
        %gather3A_419 = tpu.vector_load_idx %gather3A_418[%add3A_26, %and3A_323] : memref<128x64xf32, #tpu.memory_space<vmem>>[vector<16xi32>, vector<16xi32>], vector<16xf32>,
        %add3A_420 = arith.addi %mul3A_331, %add3A_26 : vector<16xi32>
        %scatter3A_421 = arith.constant 0 : i32
        %scatter3A_422 = arith.constant 0 : i32
        %scatter3A_423 = arith.constant 0 : i32
        %scatter3A_424 = tpu.memref_slice %arg7[%scatter3A_421, %scatter3A_422, %scatter3A_423] : memref<2x8x1024xf32, #tpu.memory_space<vmem>> -> memref<1x8x1024xf32, #tpu.memory_space<vmem>>
        %scatter3A_425 = tpu.memref_squeeze %scatter3A_424 : memref<1x8x1024xf32, #tpu.memory_space<vmem>> -> memref<8x1024xf32, #tpu.memory_space<vmem>>
        tpu.vector_store_idx %scatter3A_425[%shift_right_logical3A_325, %add3A_420], %gather3A_419 : memref<8x1024xf32, #tpu.memory_space<vmem>>[vector<16xi32>, vector<16xi32>], vector<16xf32>,
      }
      %scan3A_246 = arith.constant 64 : i32
      %dma_start3A_247 = arith.constant 0 : i32
      %dma_start3A_248 = arith.constant 0 : i32
      %dma_start3A_249 = arith.constant 0 : i32
      %dma_start3A_250 = tpu.memref_slice %arg7[%dma_start3A_247, %dma_start3A_248, %dma_start3A_249] : memref<2x8x1024xf32, #tpu.memory_space<vmem>> -> memref<1x8x1024xf32, #tpu.memory_space<vmem>>
      %dma_start3A_251 = tpu.memref_squeeze %dma_start3A_250 : memref<1x8x1024xf32, #tpu.memory_space<vmem>> -> memref<8x1024xf32, #tpu.memory_space<vmem>>
      %dma_start3A_252 = arith.constant 0 : i32
      %dma_start3A_253 = arith.constant 0 : i32
      %dma_start3A_254 = tpu.memref_slice %arg4[%div3A_215, %dma_start3A_252, %rem3A_217, %dma_start3A_253] : memref<50x8x128x1024xf32, #tpu.memory_space<hbm>> -> memref<1x8x1x1024xf32, #tpu.memory_space<hbm>>
      %dma_start3A_255 = tpu.memref_squeeze %dma_start3A_254 : memref<1x8x1x1024xf32, #tpu.memory_space<hbm>> -> memref<8x1024xf32, #tpu.memory_space<hbm>>
      %dma_start3A_256 = arith.constant 0 : i32
      %dma_start3A_257 = arith.constant 0 : i32
      %dma_start3A_258 = tpu.memref_slice %arg4[%div3A_215, %dma_start3A_256, %rem3A_217, %dma_start3A_257] : memref<50x8x128x1024xf32, #tpu.memory_space<hbm>> -> memref<1x8x1x1024xf32, #tpu.memory_space<hbm>>
      %dma_start3A_259 = tpu.memref_squeeze %dma_start3A_258 : memref<1x8x1x1024xf32, #tpu.memory_space<hbm>> -> memref<8x1024xf32, #tpu.memory_space<hbm>>
      %dma_start3A_260 = arith.constant 0 : i32
      %dma_start3A_261 = arith.constant 0 : i32
      %dma_start3A_262 = tpu.memref_slice %arg7[%dma_start3A_247, %dma_start3A_260, %dma_start3A_261] : memref<2x8x1024xf32, #tpu.memory_space<vmem>> -> memref<1x8x1024xf32, #tpu.memory_space<vmem>>
      %dma_start3A_263 = tpu.memref_squeeze %dma_start3A_262 : memref<1x8x1024xf32, #tpu.memory_space<vmem>> -> memref<8x1024xf32, #tpu.memory_space<vmem>>
      tpu.enqueue_dma source(%dma_start3A_263 : memref<8x1024xf32, #tpu.memory_space<vmem>>) target(%dma_start3A_259 : memref<8x1024xf32, #tpu.memory_space<hbm>>) target_semaphore(%arg12 : memref<!tpu.dma_semaphore, #tpu.memory_space<semaphore_mem>>)
      %mul3A_264 = arith.constant 4 : i32
      %mul3A_265 = arith.muli %mul3A_264, %scan3A_104 : i32
      %add3A_266 = arith.constant 3 : i32
      %add3A_267 = arith.addi %mul3A_265, %add3A_266 : i32
      %add3A_268 = arith.addi %mul3A_2, %add3A_267 : i32
      %div3A_269 = arith.constant 128 : i32
      %div3A_270 = arith.divsi %add3A_268, %div3A_269 : i32
      %rem3A_271 = arith.constant 128 : i32
      %rem3A_272 = arith.remsi %add3A_268, %rem3A_271 : i32
      %add3A_273 = arith.constant 3 : i32
      %add3A_274 = arith.addi %add3A_267, %add3A_273 : i32
      %lt3A_275 = arith.constant 200 : i32
      %lt3A_276 = arith.cmpi slt, %add3A_274, %lt3A_275 : i32
      %convert_element_type3A_277 = arith.extui %lt3A_276 : i1 to i32
      %cond3A_278 = arith.constant 0 : i32
      %cond3A_279 = arith.cmpi ne, %convert_element_type3A_277, %cond3A_278 : i32
      scf.if %cond3A_279 {
        %add3A_319 = arith.constant 3 : i32
        %add3A_320 = arith.addi %add3A_267, %add3A_319 : i32
        %dma_start3A_321 = arith.constant 2 : i32
        %dma_start3A_322 = arith.constant 0 : i32
        %dma_start3A_323 = arith.constant 0 : i32
        %dma_start3A_324 = tpu.memref_slice %arg6[%dma_start3A_321, %dma_start3A_322, %dma_start3A_323] : memref<4x128x64xf32, #tpu.memory_space<vmem>> -> memref<1x128x64xf32, #tpu.memory_space<vmem>>
        %dma_start3A_325 = tpu.memref_squeeze %dma_start3A_324 : memref<1x128x64xf32, #tpu.memory_space<vmem>> -> memref<128x64xf32, #tpu.memory_space<vmem>>
        %dma_start3A_326 = arith.constant 0 : i32
        %dma_start3A_327 = tpu.memref_slice %arg5[%add3A_320, %dma_start3A_326] : memref<200x128xi32, #tpu.memory_space<vmem>> -> memref<1x128xi32, #tpu.memory_space<vmem>>
        %dma_start3A_328 = tpu.memref_squeeze %dma_start3A_327 : memref<1x128xi32, #tpu.memory_space<vmem>> -> memref<128xi32, #tpu.memory_space<vmem>>
        %dma_start3A_329 = arith.constant 0 : i32
        %dma_start3A_330 = arith.constant 0 : i32
        %dma_start3A_331 = tpu.memref_slice %arg2[%dma_start3A_329, %dma_start3A_330] : memref<1000000x64xf32, #tpu.memory_space<hbm>> -> memref<1000000x64xf32, #tpu.memory_space<hbm>>
        tpu.enqueue_indirect_dma source(%dma_start3A_331 : memref<1000000x64xf32, #tpu.memory_space<hbm>>) target(%dma_start3A_325 : memref<128x64xf32, #tpu.memory_space<vmem>>) offsets(%dma_start3A_328 : memref<128xi32, #tpu.memory_space<vmem>>) semaphore(%arg10 : memref<!tpu.dma_semaphore, #tpu.memory_space<semaphore_mem>>)
      } else {
      }
      %dma_wait3A_280 = arith.constant 3 : i32
      %dma_wait3A_281 = arith.constant 0 : i32
      %dma_wait3A_282 = arith.constant 0 : i32
      %dma_wait3A_283 = tpu.memref_slice %arg6[%dma_wait3A_280, %dma_wait3A_281, %dma_wait3A_282] : memref<4x128x64xf32, #tpu.memory_space<vmem>> -> memref<1x128x64xf32, #tpu.memory_space<vmem>>
      %dma_wait3A_284 = tpu.memref_squeeze %dma_wait3A_283 : memref<1x128x64xf32, #tpu.memory_space<vmem>> -> memref<128x64xf32, #tpu.memory_space<vmem>>
      %dma_wait3A_285 = arith.constant 0 : i32
      %dma_wait3A_286 = tpu.memref_slice %arg5[%add3A_267, %dma_wait3A_285] : memref<200x128xi32, #tpu.memory_space<vmem>> -> memref<1x128xi32, #tpu.memory_space<vmem>>
      %dma_wait3A_287 = tpu.memref_squeeze %dma_wait3A_286 : memref<1x128xi32, #tpu.memory_space<vmem>> -> memref<128xi32, #tpu.memory_space<vmem>>
      %dma_wait3A_288 = arith.constant 0 : i32
      %dma_wait3A_289 = arith.constant 0 : i32
      %dma_wait3A_290 = tpu.memref_slice %arg2[%dma_wait3A_288, %dma_wait3A_289] : memref<1000000x64xf32, #tpu.memory_space<hbm>> -> memref<1000000x64xf32, #tpu.memory_space<hbm>>
      tpu.wait_indirect_dma semaphore(%arg11 : memref<!tpu.dma_semaphore, #tpu.memory_space<semaphore_mem>>) src(%dma_wait3A_290 : memref<1000000x64xf32, #tpu.memory_space<hbm>>) dst(%dma_wait3A_284 : memref<128x64xf32, #tpu.memory_space<vmem>>)
      %ge3A_291 = arith.constant 2 : i32
      %ge3A_292 = arith.cmpi sge, %add3A_267, %ge3A_291 : i32
      %convert_element_type3A_293 = arith.extui %ge3A_292 : i1 to i32
      %cond3A_294 = arith.constant 0 : i32
      %cond3A_295 = arith.cmpi ne, %convert_element_type3A_293, %cond3A_294 : i32
      scf.if %cond3A_295 {
        %dma_wait3A_319 = arith.constant 1 : i32
        %dma_wait3A_320 = arith.constant 0 : i32
        %dma_wait3A_321 = arith.constant 0 : i32
        %dma_wait3A_322 = arith.constant 0 : i32
        %dma_wait3A_323 = arith.constant 0 : i32
        %dma_wait3A_324 = tpu.memref_slice %arg7[%dma_wait3A_319, %dma_wait3A_322, %dma_wait3A_323] : memref<2x8x1024xf32, #tpu.memory_space<vmem>> -> memref<1x8x1024xf32, #tpu.memory_space<vmem>>
        %dma_wait3A_325 = tpu.memref_squeeze %dma_wait3A_324 : memref<1x8x1024xf32, #tpu.memory_space<vmem>> -> memref<8x1024xf32, #tpu.memory_space<vmem>>
        %dma_wait3A_326 = arith.constant 0 : i32
        %dma_wait3A_327 = arith.constant 0 : i32
        %dma_wait3A_328 = tpu.memref_slice %arg4[%dma_wait3A_320, %dma_wait3A_326, %dma_wait3A_321, %dma_wait3A_327] : memref<50x8x128x1024xf32, #tpu.memory_space<hbm>> -> memref<1x8x1x1024xf32, #tpu.memory_space<hbm>>
        %dma_wait3A_329 = tpu.memref_squeeze %dma_wait3A_328 : memref<1x8x1x1024xf32, #tpu.memory_space<hbm>> -> memref<8x1024xf32, #tpu.memory_space<hbm>>
        %dma_wait3A_330 = arith.constant 0 : i32
        %dma_wait3A_331 = arith.constant 0 : i32
        %dma_wait3A_332 = tpu.memref_slice %arg4[%dma_wait3A_320, %dma_wait3A_330, %dma_wait3A_321, %dma_wait3A_331] : memref<50x8x128x1024xf32, #tpu.memory_space<hbm>> -> memref<1x8x1x1024xf32, #tpu.memory_space<hbm>>
        %dma_wait3A_333 = tpu.memref_squeeze %dma_wait3A_332 : memref<1x8x1x1024xf32, #tpu.memory_space<hbm>> -> memref<8x1024xf32, #tpu.memory_space<hbm>>
        %dma_wait3A_334 = arith.constant 0 : i32
        %dma_wait3A_335 = arith.constant 0 : i32
        %dma_wait3A_336 = tpu.memref_slice %arg7[%dma_wait3A_319, %dma_wait3A_334, %dma_wait3A_335] : memref<2x8x1024xf32, #tpu.memory_space<vmem>> -> memref<1x8x1024xf32, #tpu.memory_space<vmem>>
        %dma_wait3A_337 = tpu.memref_squeeze %dma_wait3A_336 : memref<1x8x1024xf32, #tpu.memory_space<vmem>> -> memref<8x1024xf32, #tpu.memory_space<vmem>>
        tpu.wait_dma2 semaphore(%arg13 : memref<!tpu.dma_semaphore, #tpu.memory_space<semaphore_mem>>) src(%dma_wait3A_337 : memref<8x1024xf32, #tpu.memory_space<vmem>>) dst(%dma_wait3A_333 : memref<8x1024xf32, #tpu.memory_space<hbm>>)
      } else {
      }
      %scan3A_296 = arith.constant 0 : i32
      %scan3A_297 = arith.constant 0 : i32
      %scan3A_298 = arith.constant 64 : i32
      %scan3A_299 = arith.addi %scan3A_297, %scan3A_298 : i32
      %scan3A_300 = arith.constant 1 : i32
      scf.for %scan3A_319 = %scan3A_297 to %scan3A_299 step %scan3A_300  : i32 {
        %add3A_320 = vector.broadcast %scan3A_319 : i32 to vector<16xi32>
        %add3A_321 = arith.addi %iota3A, %add3A_320 : vector<16xi32>
        %and3A = arith.constant 63 : i32
        %and3A_322 = vector.broadcast %and3A : i32 to vector<16xi32>
        %and3A_323 = arith.andi %add3A_321, %and3A_322 : vector<16xi32>
        %shift_right_logical3A = arith.constant 3 : i32
        %shift_right_logical3A_324 = vector.broadcast %shift_right_logical3A : i32 to vector<16xi32>
        %shift_right_logical3A_325 = arith.shrui %and3A_323, %shift_right_logical3A_324 : vector<16xi32>
        %and3A_326 = arith.constant 7 : i32
        %and3A_327 = vector.broadcast %and3A_326 : i32 to vector<16xi32>
        %and3A_328 = arith.andi %and3A_323, %and3A_327 : vector<16xi32>
        %mul3A_329 = arith.constant 128 : i32
        %mul3A_330 = vector.broadcast %mul3A_329 : i32 to vector<16xi32>
        %mul3A_331 = arith.muli %and3A_328, %mul3A_330 : vector<16xi32>
        %gather3A = arith.constant 3 : i32
        %gather3A_332 = arith.constant 0 : i32
        %gather3A_333 = arith.constant 0 : i32
        %gather3A_334 = tpu.memref_slice %arg6[%gather3A, %gather3A_332, %gather3A_333] : memref<4x128x64xf32, #tpu.memory_space<vmem>> -> memref<1x128x64xf32, #tpu.memory_space<vmem>>
        %gather3A_335 = tpu.memref_squeeze %gather3A_334 : memref<1x128x64xf32, #tpu.memory_space<vmem>> -> memref<128x64xf32, #tpu.memory_space<vmem>>
        %gather3A_336 = tpu.vector_load_idx %gather3A_335[%add3A_5, %and3A_323] : memref<128x64xf32, #tpu.memory_space<vmem>>[vector<16xi32>, vector<16xi32>], vector<16xf32>,
        %add3A_337 = arith.addi %mul3A_331, %add3A_5 : vector<16xi32>
        %scatter3A = arith.constant 1 : i32
        %scatter3A_338 = arith.constant 0 : i32
        %scatter3A_339 = arith.constant 0 : i32
        %scatter3A_340 = tpu.memref_slice %arg7[%scatter3A, %scatter3A_338, %scatter3A_339] : memref<2x8x1024xf32, #tpu.memory_space<vmem>> -> memref<1x8x1024xf32, #tpu.memory_space<vmem>>
        %scatter3A_341 = tpu.memref_squeeze %scatter3A_340 : memref<1x8x1024xf32, #tpu.memory_space<vmem>> -> memref<8x1024xf32, #tpu.memory_space<vmem>>
        tpu.vector_store_idx %scatter3A_341[%shift_right_logical3A_325, %add3A_337], %gather3A_336 : memref<8x1024xf32, #tpu.memory_space<vmem>>[vector<16xi32>, vector<16xi32>], vector<16xf32>,
        %gather3A_342 = arith.constant 3 : i32
        %gather3A_343 = arith.constant 0 : i32
        %gather3A_344 = arith.constant 0 : i32
        %gather3A_345 = tpu.memref_slice %arg6[%gather3A_342, %gather3A_343, %gather3A_344] : memref<4x128x64xf32, #tpu.memory_space<vmem>> -> memref<1x128x64xf32, #tpu.memory_space<vmem>>
        %gather3A_346 = tpu.memref_squeeze %gather3A_345 : memref<1x128x64xf32, #tpu.memory_space<vmem>> -> memref<128x64xf32, #tpu.memory_space<vmem>>
        %gather3A_347 = tpu.vector_load_idx %gather3A_346[%add3A_8, %and3A_323] : memref<128x64xf32, #tpu.memory_space<vmem>>[vector<16xi32>, vector<16xi32>], vector<16xf32>,
        %add3A_348 = arith.addi %mul3A_331, %add3A_8 : vector<16xi32>
        %scatter3A_349 = arith.constant 1 : i32
        %scatter3A_350 = arith.constant 0 : i32
        %scatter3A_351 = arith.constant 0 : i32
        %scatter3A_352 = tpu.memref_slice %arg7[%scatter3A_349, %scatter3A_350, %scatter3A_351] : memref<2x8x1024xf32, #tpu.memory_space<vmem>> -> memref<1x8x1024xf32, #tpu.memory_space<vmem>>
        %scatter3A_353 = tpu.memref_squeeze %scatter3A_352 : memref<1x8x1024xf32, #tpu.memory_space<vmem>> -> memref<8x1024xf32, #tpu.memory_space<vmem>>
        tpu.vector_store_idx %scatter3A_353[%shift_right_logical3A_325, %add3A_348], %gather3A_347 : memref<8x1024xf32, #tpu.memory_space<vmem>>[vector<16xi32>, vector<16xi32>], vector<16xf32>,
        %gather3A_354 = arith.constant 3 : i32
        %gather3A_355 = arith.constant 0 : i32
        %gather3A_356 = arith.constant 0 : i32
        %gather3A_357 = tpu.memref_slice %arg6[%gather3A_354, %gather3A_355, %gather3A_356] : memref<4x128x64xf32, #tpu.memory_space<vmem>> -> memref<1x128x64xf32, #tpu.memory_space<vmem>>
        %gather3A_358 = tpu.memref_squeeze %gather3A_357 : memref<1x128x64xf32, #tpu.memory_space<vmem>> -> memref<128x64xf32, #tpu.memory_space<vmem>>
        %gather3A_359 = tpu.vector_load_idx %gather3A_358[%add3A_11, %and3A_323] : memref<128x64xf32, #tpu.memory_space<vmem>>[vector<16xi32>, vector<16xi32>], vector<16xf32>,
        %add3A_360 = arith.addi %mul3A_331, %add3A_11 : vector<16xi32>
        %scatter3A_361 = arith.constant 1 : i32
        %scatter3A_362 = arith.constant 0 : i32
        %scatter3A_363 = arith.constant 0 : i32
        %scatter3A_364 = tpu.memref_slice %arg7[%scatter3A_361, %scatter3A_362, %scatter3A_363] : memref<2x8x1024xf32, #tpu.memory_space<vmem>> -> memref<1x8x1024xf32, #tpu.memory_space<vmem>>
        %scatter3A_365 = tpu.memref_squeeze %scatter3A_364 : memref<1x8x1024xf32, #tpu.memory_space<vmem>> -> memref<8x1024xf32, #tpu.memory_space<vmem>>
        tpu.vector_store_idx %scatter3A_365[%shift_right_logical3A_325, %add3A_360], %gather3A_359 : memref<8x1024xf32, #tpu.memory_space<vmem>>[vector<16xi32>, vector<16xi32>], vector<16xf32>,
        %gather3A_366 = arith.constant 3 : i32
        %gather3A_367 = arith.constant 0 : i32
        %gather3A_368 = arith.constant 0 : i32
        %gather3A_369 = tpu.memref_slice %arg6[%gather3A_366, %gather3A_367, %gather3A_368] : memref<4x128x64xf32, #tpu.memory_space<vmem>> -> memref<1x128x64xf32, #tpu.memory_space<vmem>>
        %gather3A_370 = tpu.memref_squeeze %gather3A_369 : memref<1x128x64xf32, #tpu.memory_space<vmem>> -> memref<128x64xf32, #tpu.memory_space<vmem>>
        %gather3A_371 = tpu.vector_load_idx %gather3A_370[%add3A_14, %and3A_323] : memref<128x64xf32, #tpu.memory_space<vmem>>[vector<16xi32>, vector<16xi32>], vector<16xf32>,
        %add3A_372 = arith.addi %mul3A_331, %add3A_14 : vector<16xi32>
        %scatter3A_373 = arith.constant 1 : i32
        %scatter3A_374 = arith.constant 0 : i32
        %scatter3A_375 = arith.constant 0 : i32
        %scatter3A_376 = tpu.memref_slice %arg7[%scatter3A_373, %scatter3A_374, %scatter3A_375] : memref<2x8x1024xf32, #tpu.memory_space<vmem>> -> memref<1x8x1024xf32, #tpu.memory_space<vmem>>
        %scatter3A_377 = tpu.memref_squeeze %scatter3A_376 : memref<1x8x1024xf32, #tpu.memory_space<vmem>> -> memref<8x1024xf32, #tpu.memory_space<vmem>>
        tpu.vector_store_idx %scatter3A_377[%shift_right_logical3A_325, %add3A_372], %gather3A_371 : memref<8x1024xf32, #tpu.memory_space<vmem>>[vector<16xi32>, vector<16xi32>], vector<16xf32>,
        %gather3A_378 = arith.constant 3 : i32
        %gather3A_379 = arith.constant 0 : i32
        %gather3A_380 = arith.constant 0 : i32
        %gather3A_381 = tpu.memref_slice %arg6[%gather3A_378, %gather3A_379, %gather3A_380] : memref<4x128x64xf32, #tpu.memory_space<vmem>> -> memref<1x128x64xf32, #tpu.memory_space<vmem>>
        %gather3A_382 = tpu.memref_squeeze %gather3A_381 : memref<1x128x64xf32, #tpu.memory_space<vmem>> -> memref<128x64xf32, #tpu.memory_space<vmem>>
        %gather3A_383 = tpu.vector_load_idx %gather3A_382[%add3A_17, %and3A_323] : memref<128x64xf32, #tpu.memory_space<vmem>>[vector<16xi32>, vector<16xi32>], vector<16xf32>,
        %add3A_384 = arith.addi %mul3A_331, %add3A_17 : vector<16xi32>
        %scatter3A_385 = arith.constant 1 : i32
        %scatter3A_386 = arith.constant 0 : i32
        %scatter3A_387 = arith.constant 0 : i32
        %scatter3A_388 = tpu.memref_slice %arg7[%scatter3A_385, %scatter3A_386, %scatter3A_387] : memref<2x8x1024xf32, #tpu.memory_space<vmem>> -> memref<1x8x1024xf32, #tpu.memory_space<vmem>>
        %scatter3A_389 = tpu.memref_squeeze %scatter3A_388 : memref<1x8x1024xf32, #tpu.memory_space<vmem>> -> memref<8x1024xf32, #tpu.memory_space<vmem>>
        tpu.vector_store_idx %scatter3A_389[%shift_right_logical3A_325, %add3A_384], %gather3A_383 : memref<8x1024xf32, #tpu.memory_space<vmem>>[vector<16xi32>, vector<16xi32>], vector<16xf32>,
        %gather3A_390 = arith.constant 3 : i32
        %gather3A_391 = arith.constant 0 : i32
        %gather3A_392 = arith.constant 0 : i32
        %gather3A_393 = tpu.memref_slice %arg6[%gather3A_390, %gather3A_391, %gather3A_392] : memref<4x128x64xf32, #tpu.memory_space<vmem>> -> memref<1x128x64xf32, #tpu.memory_space<vmem>>
        %gather3A_394 = tpu.memref_squeeze %gather3A_393 : memref<1x128x64xf32, #tpu.memory_space<vmem>> -> memref<128x64xf32, #tpu.memory_space<vmem>>
        %gather3A_395 = tpu.vector_load_idx %gather3A_394[%add3A_20, %and3A_323] : memref<128x64xf32, #tpu.memory_space<vmem>>[vector<16xi32>, vector<16xi32>], vector<16xf32>,
        %add3A_396 = arith.addi %mul3A_331, %add3A_20 : vector<16xi32>
        %scatter3A_397 = arith.constant 1 : i32
        %scatter3A_398 = arith.constant 0 : i32
        %scatter3A_399 = arith.constant 0 : i32
        %scatter3A_400 = tpu.memref_slice %arg7[%scatter3A_397, %scatter3A_398, %scatter3A_399] : memref<2x8x1024xf32, #tpu.memory_space<vmem>> -> memref<1x8x1024xf32, #tpu.memory_space<vmem>>
        %scatter3A_401 = tpu.memref_squeeze %scatter3A_400 : memref<1x8x1024xf32, #tpu.memory_space<vmem>> -> memref<8x1024xf32, #tpu.memory_space<vmem>>
        tpu.vector_store_idx %scatter3A_401[%shift_right_logical3A_325, %add3A_396], %gather3A_395 : memref<8x1024xf32, #tpu.memory_space<vmem>>[vector<16xi32>, vector<16xi32>], vector<16xf32>,
        %gather3A_402 = arith.constant 3 : i32
        %gather3A_403 = arith.constant 0 : i32
        %gather3A_404 = arith.constant 0 : i32
        %gather3A_405 = tpu.memref_slice %arg6[%gather3A_402, %gather3A_403, %gather3A_404] : memref<4x128x64xf32, #tpu.memory_space<vmem>> -> memref<1x128x64xf32, #tpu.memory_space<vmem>>
        %gather3A_406 = tpu.memref_squeeze %gather3A_405 : memref<1x128x64xf32, #tpu.memory_space<vmem>> -> memref<128x64xf32, #tpu.memory_space<vmem>>
        %gather3A_407 = tpu.vector_load_idx %gather3A_406[%add3A_23, %and3A_323] : memref<128x64xf32, #tpu.memory_space<vmem>>[vector<16xi32>, vector<16xi32>], vector<16xf32>,
        %add3A_408 = arith.addi %mul3A_331, %add3A_23 : vector<16xi32>
        %scatter3A_409 = arith.constant 1 : i32
        %scatter3A_410 = arith.constant 0 : i32
        %scatter3A_411 = arith.constant 0 : i32
        %scatter3A_412 = tpu.memref_slice %arg7[%scatter3A_409, %scatter3A_410, %scatter3A_411] : memref<2x8x1024xf32, #tpu.memory_space<vmem>> -> memref<1x8x1024xf32, #tpu.memory_space<vmem>>
        %scatter3A_413 = tpu.memref_squeeze %scatter3A_412 : memref<1x8x1024xf32, #tpu.memory_space<vmem>> -> memref<8x1024xf32, #tpu.memory_space<vmem>>
        tpu.vector_store_idx %scatter3A_413[%shift_right_logical3A_325, %add3A_408], %gather3A_407 : memref<8x1024xf32, #tpu.memory_space<vmem>>[vector<16xi32>, vector<16xi32>], vector<16xf32>,
        %gather3A_414 = arith.constant 3 : i32
        %gather3A_415 = arith.constant 0 : i32
        %gather3A_416 = arith.constant 0 : i32
        %gather3A_417 = tpu.memref_slice %arg6[%gather3A_414, %gather3A_415, %gather3A_416] : memref<4x128x64xf32, #tpu.memory_space<vmem>> -> memref<1x128x64xf32, #tpu.memory_space<vmem>>
        %gather3A_418 = tpu.memref_squeeze %gather3A_417 : memref<1x128x64xf32, #tpu.memory_space<vmem>> -> memref<128x64xf32, #tpu.memory_space<vmem>>
        %gather3A_419 = tpu.vector_load_idx %gather3A_418[%add3A_26, %and3A_323] : memref<128x64xf32, #tpu.memory_space<vmem>>[vector<16xi32>, vector<16xi32>], vector<16xf32>,
        %add3A_420 = arith.addi %mul3A_331, %add3A_26 : vector<16xi32>
        %scatter3A_421 = arith.constant 1 : i32
        %scatter3A_422 = arith.constant 0 : i32
        %scatter3A_423 = arith.constant 0 : i32
        %scatter3A_424 = tpu.memref_slice %arg7[%scatter3A_421, %scatter3A_422, %scatter3A_423] : memref<2x8x1024xf32, #tpu.memory_space<vmem>> -> memref<1x8x1024xf32, #tpu.memory_space<vmem>>
        %scatter3A_425 = tpu.memref_squeeze %scatter3A_424 : memref<1x8x1024xf32, #tpu.memory_space<vmem>> -> memref<8x1024xf32, #tpu.memory_space<vmem>>
        tpu.vector_store_idx %scatter3A_425[%shift_right_logical3A_325, %add3A_420], %gather3A_419 : memref<8x1024xf32, #tpu.memory_space<vmem>>[vector<16xi32>, vector<16xi32>], vector<16xf32>,
      }
      %scan3A_301 = arith.constant 64 : i32
      %dma_start3A_302 = arith.constant 1 : i32
      %dma_start3A_303 = arith.constant 0 : i32
      %dma_start3A_304 = arith.constant 0 : i32
      %dma_start3A_305 = tpu.memref_slice %arg7[%dma_start3A_302, %dma_start3A_303, %dma_start3A_304] : memref<2x8x1024xf32, #tpu.memory_space<vmem>> -> memref<1x8x1024xf32, #tpu.memory_space<vmem>>
      %dma_start3A_306 = tpu.memref_squeeze %dma_start3A_305 : memref<1x8x1024xf32, #tpu.memory_space<vmem>> -> memref<8x1024xf32, #tpu.memory_space<vmem>>
      %dma_start3A_307 = arith.constant 0 : i32
      %dma_start3A_308 = arith.constant 0 : i32
      %dma_start3A_309 = tpu.memref_slice %arg4[%div3A_270, %dma_start3A_307, %rem3A_272, %dma_start3A_308] : memref<50x8x128x1024xf32, #tpu.memory_space<hbm>> -> memref<1x8x1x1024xf32, #tpu.memory_space<hbm>>
      %dma_start3A_310 = tpu.memref_squeeze %dma_start3A_309 : memref<1x8x1x1024xf32, #tpu.memory_space<hbm>> -> memref<8x1024xf32, #tpu.memory_space<hbm>>
      %dma_start3A_311 = arith.constant 0 : i32
      %dma_start3A_312 = arith.constant 0 : i32
      %dma_start3A_313 = tpu.memref_slice %arg4[%div3A_270, %dma_start3A_311, %rem3A_272, %dma_start3A_312] : memref<50x8x128x1024xf32, #tpu.memory_space<hbm>> -> memref<1x8x1x1024xf32, #tpu.memory_space<hbm>>
      %dma_start3A_314 = tpu.memref_squeeze %dma_start3A_313 : memref<1x8x1x1024xf32, #tpu.memory_space<hbm>> -> memref<8x1024xf32, #tpu.memory_space<hbm>>
      %dma_start3A_315 = arith.constant 0 : i32
      %dma_start3A_316 = arith.constant 0 : i32
      %dma_start3A_317 = tpu.memref_slice %arg7[%dma_start3A_302, %dma_start3A_315, %dma_start3A_316] : memref<2x8x1024xf32, #tpu.memory_space<vmem>> -> memref<1x8x1024xf32, #tpu.memory_space<vmem>>
      %dma_start3A_318 = tpu.memref_squeeze %dma_start3A_317 : memref<1x8x1024xf32, #tpu.memory_space<vmem>> -> memref<8x1024xf32, #tpu.memory_space<vmem>>
      tpu.enqueue_dma source(%dma_start3A_318 : memref<8x1024xf32, #tpu.memory_space<vmem>>) target(%dma_start3A_314 : memref<8x1024xf32, #tpu.memory_space<hbm>>) target_semaphore(%arg13 : memref<!tpu.dma_semaphore, #tpu.memory_space<semaphore_mem>>)
    }
    %scan3A_66 = arith.constant 50 : i32
    %dma_wait3A = arith.constant 0 : i32
    %dma_wait3A_67 = arith.constant 0 : i32
    %dma_wait3A_68 = arith.constant 0 : i32
    %dma_wait3A_69 = arith.constant 0 : i32
    %dma_wait3A_70 = arith.constant 0 : i32
    %dma_wait3A_71 = tpu.memref_slice %arg7[%dma_wait3A, %dma_wait3A_69, %dma_wait3A_70] : memref<2x8x1024xf32, #tpu.memory_space<vmem>> -> memref<1x8x1024xf32, #tpu.memory_space<vmem>>
    %dma_wait3A_72 = tpu.memref_squeeze %dma_wait3A_71 : memref<1x8x1024xf32, #tpu.memory_space<vmem>> -> memref<8x1024xf32, #tpu.memory_space<vmem>>
    %dma_wait3A_73 = arith.constant 0 : i32
    %dma_wait3A_74 = arith.constant 0 : i32
    %dma_wait3A_75 = tpu.memref_slice %arg4[%dma_wait3A_67, %dma_wait3A_73, %dma_wait3A_68, %dma_wait3A_74] : memref<50x8x128x1024xf32, #tpu.memory_space<hbm>> -> memref<1x8x1x1024xf32, #tpu.memory_space<hbm>>
    %dma_wait3A_76 = tpu.memref_squeeze %dma_wait3A_75 : memref<1x8x1x1024xf32, #tpu.memory_space<hbm>> -> memref<8x1024xf32, #tpu.memory_space<hbm>>
    %dma_wait3A_77 = arith.constant 0 : i32
    %dma_wait3A_78 = arith.constant 0 : i32
    %dma_wait3A_79 = tpu.memref_slice %arg4[%dma_wait3A_67, %dma_wait3A_77, %dma_wait3A_68, %dma_wait3A_78] : memref<50x8x128x1024xf32, #tpu.memory_space<hbm>> -> memref<1x8x1x1024xf32, #tpu.memory_space<hbm>>
    %dma_wait3A_80 = tpu.memref_squeeze %dma_wait3A_79 : memref<1x8x1x1024xf32, #tpu.memory_space<hbm>> -> memref<8x1024xf32, #tpu.memory_space<hbm>>
    %dma_wait3A_81 = arith.constant 0 : i32
    %dma_wait3A_82 = arith.constant 0 : i32
    %dma_wait3A_83 = tpu.memref_slice %arg7[%dma_wait3A, %dma_wait3A_81, %dma_wait3A_82] : memref<2x8x1024xf32, #tpu.memory_space<vmem>> -> memref<1x8x1024xf32, #tpu.memory_space<vmem>>
    %dma_wait3A_84 = tpu.memref_squeeze %dma_wait3A_83 : memref<1x8x1024xf32, #tpu.memory_space<vmem>> -> memref<8x1024xf32, #tpu.memory_space<vmem>>
    tpu.wait_dma2 semaphore(%arg12 : memref<!tpu.dma_semaphore, #tpu.memory_space<semaphore_mem>>) src(%dma_wait3A_84 : memref<8x1024xf32, #tpu.memory_space<vmem>>) dst(%dma_wait3A_80 : memref<8x1024xf32, #tpu.memory_space<hbm>>)
    %dma_wait3A_85 = arith.constant 1 : i32
    %dma_wait3A_86 = arith.constant 0 : i32
    %dma_wait3A_87 = arith.constant 0 : i32
    %dma_wait3A_88 = arith.constant 0 : i32
    %dma_wait3A_89 = arith.constant 0 : i32
    %dma_wait3A_90 = tpu.memref_slice %arg7[%dma_wait3A_85, %dma_wait3A_88, %dma_wait3A_89] : memref<2x8x1024xf32, #tpu.memory_space<vmem>> -> memref<1x8x1024xf32, #tpu.memory_space<vmem>>
    %dma_wait3A_91 = tpu.memref_squeeze %dma_wait3A_90 : memref<1x8x1024xf32, #tpu.memory_space<vmem>> -> memref<8x1024xf32, #tpu.memory_space<vmem>>
    %dma_wait3A_92 = arith.constant 0 : i32
    %dma_wait3A_93 = arith.constant 0 : i32
    %dma_wait3A_94 = tpu.memref_slice %arg4[%dma_wait3A_86, %dma_wait3A_92, %dma_wait3A_87, %dma_wait3A_93] : memref<50x8x128x1024xf32, #tpu.memory_space<hbm>> -> memref<1x8x1x1024xf32, #tpu.memory_space<hbm>>
    %dma_wait3A_95 = tpu.memref_squeeze %dma_wait3A_94 : memref<1x8x1x1024xf32, #tpu.memory_space<hbm>> -> memref<8x1024xf32, #tpu.memory_space<hbm>>
    %dma_wait3A_96 = arith.constant 0 : i32
    %dma_wait3A_97 = arith.constant 0 : i32
    %dma_wait3A_98 = tpu.memref_slice %arg4[%dma_wait3A_86, %dma_wait3A_96, %dma_wait3A_87, %dma_wait3A_97] : memref<50x8x128x1024xf32, #tpu.memory_space<hbm>> -> memref<1x8x1x1024xf32, #tpu.memory_space<hbm>>
    %dma_wait3A_99 = tpu.memref_squeeze %dma_wait3A_98 : memref<1x8x1x1024xf32, #tpu.memory_space<hbm>> -> memref<8x1024xf32, #tpu.memory_space<hbm>>
    %dma_wait3A_100 = arith.constant 0 : i32
    %dma_wait3A_101 = arith.constant 0 : i32
    %dma_wait3A_102 = tpu.memref_slice %arg7[%dma_wait3A_85, %dma_wait3A_100, %dma_wait3A_101] : memref<2x8x1024xf32, #tpu.memory_space<vmem>> -> memref<1x8x1024xf32, #tpu.memory_space<vmem>>
    %dma_wait3A_103 = tpu.memref_squeeze %dma_wait3A_102 : memref<1x8x1024xf32, #tpu.memory_space<vmem>> -> memref<8x1024xf32, #tpu.memory_space<vmem>>
    tpu.wait_dma2 semaphore(%arg13 : memref<!tpu.dma_semaphore, #tpu.memory_space<semaphore_mem>>) src(%dma_wait3A_103 : memref<8x1024xf32, #tpu.memory_space<vmem>>) dst(%dma_wait3A_99 : memref<8x1024xf32, #tpu.memory_space<hbm>>)
    return
  }
}

#map = affine_map<(d0, d1) -> (0, 0)>
#map1 = affine_map<(d0, d1) -> (0)>
module attributes {stable_mosaic.version = 14 : i64} {
  func.func @_transpose_w(%arg0: i32, %arg1: i32, %arg2: memref<64x1000000xf32, #tpu.memory_space<hbm>>, %arg3: memref<4096xf32, #tpu.memory_space<hbm>>, %arg4: memref<64000000xf32, #tpu.memory_space<hbm>>, %arg5: memref<64x256xf32, #tpu.memory_space<vmem>>, %arg6: memref<64x256xf32, #tpu.memory_space<vmem>>, %arg7: memref<16384xf32, #tpu.memory_space<vmem>>, %arg8: memref<16384xf32, #tpu.memory_space<vmem>>, %arg9: memref<4096xf32, #tpu.memory_space<vmem>>, %arg10: memref<!tpu.dma_semaphore, #tpu.memory_space<semaphore_mem>>, %arg11: memref<!tpu.dma_semaphore, #tpu.memory_space<semaphore_mem>>, %arg12: memref<!tpu.dma_semaphore, #tpu.memory_space<semaphore_mem>>, %arg13: memref<!tpu.dma_semaphore, #tpu.memory_space<semaphore_mem>>) attributes {dimension_semantics = [#tpu.dimension_semantics<core_parallel>, #tpu.dimension_semantics<subcore_parallel>], iteration_bounds = array<i64: 2, 16>, scalar_prefetch = 0 : i64, scratch_operands = 9 : i64, tpu.core_type = #tpu.core_type<sc_vector_subcore>, window_params = [{transform_indices = #map}, {transform_indices = #map1}, {transform_indices = #map1}]} {
    %mul3A = arith.constant 2 : i32
    %mul3A_0 = arith.muli %arg1, %mul3A : i32
    %add3A = arith.addi %mul3A_0, %arg0 : i32
    %mul3A_1 = arith.constant 122 : i32
    %mul3A_2 = arith.muli %add3A, %mul3A_1 : i32
    %iota3A = tpu.iota {dimensions = array<i32: 0>} : vector<16xi32>
    %add3A_3 = arith.constant 0 : i32
    %add3A_4 = vector.broadcast %add3A_3 : i32 to vector<16xi32>
    %add3A_5 = arith.addi %iota3A, %add3A_4 : vector<16xi32>
    %add3A_6 = arith.constant 16 : i32
    %add3A_7 = vector.broadcast %add3A_6 : i32 to vector<16xi32>
    %add3A_8 = arith.addi %iota3A, %add3A_7 : vector<16xi32>
    %add3A_9 = arith.constant 32 : i32
    %add3A_10 = vector.broadcast %add3A_9 : i32 to vector<16xi32>
    %add3A_11 = arith.addi %iota3A, %add3A_10 : vector<16xi32>
    %add3A_12 = arith.constant 48 : i32
    %add3A_13 = vector.broadcast %add3A_12 : i32 to vector<16xi32>
    %add3A_14 = arith.addi %iota3A, %add3A_13 : vector<16xi32>
    %add3A_15 = arith.constant 64 : i32
    %add3A_16 = vector.broadcast %add3A_15 : i32 to vector<16xi32>
    %add3A_17 = arith.addi %iota3A, %add3A_16 : vector<16xi32>
    %add3A_18 = arith.constant 80 : i32
    %add3A_19 = vector.broadcast %add3A_18 : i32 to vector<16xi32>
    %add3A_20 = arith.addi %iota3A, %add3A_19 : vector<16xi32>
    %add3A_21 = arith.constant 96 : i32
    %add3A_22 = vector.broadcast %add3A_21 : i32 to vector<16xi32>
    %add3A_23 = arith.addi %iota3A, %add3A_22 : vector<16xi32>
    %add3A_24 = arith.constant 112 : i32
    %add3A_25 = vector.broadcast %add3A_24 : i32 to vector<16xi32>
    %add3A_26 = arith.addi %iota3A, %add3A_25 : vector<16xi32>
    %add3A_27 = arith.constant 128 : i32
    %add3A_28 = vector.broadcast %add3A_27 : i32 to vector<16xi32>
    %add3A_29 = arith.addi %iota3A, %add3A_28 : vector<16xi32>
    %add3A_30 = arith.constant 144 : i32
    %add3A_31 = vector.broadcast %add3A_30 : i32 to vector<16xi32>
    %add3A_32 = arith.addi %iota3A, %add3A_31 : vector<16xi32>
    %add3A_33 = arith.constant 160 : i32
    %add3A_34 = vector.broadcast %add3A_33 : i32 to vector<16xi32>
    %add3A_35 = arith.addi %iota3A, %add3A_34 : vector<16xi32>
    %add3A_36 = arith.constant 176 : i32
    %add3A_37 = vector.broadcast %add3A_36 : i32 to vector<16xi32>
    %add3A_38 = arith.addi %iota3A, %add3A_37 : vector<16xi32>
    %add3A_39 = arith.constant 192 : i32
    %add3A_40 = vector.broadcast %add3A_39 : i32 to vector<16xi32>
    %add3A_41 = arith.addi %iota3A, %add3A_40 : vector<16xi32>
    %add3A_42 = arith.constant 208 : i32
    %add3A_43 = vector.broadcast %add3A_42 : i32 to vector<16xi32>
    %add3A_44 = arith.addi %iota3A, %add3A_43 : vector<16xi32>
    %add3A_45 = arith.constant 224 : i32
    %add3A_46 = vector.broadcast %add3A_45 : i32 to vector<16xi32>
    %add3A_47 = arith.addi %iota3A, %add3A_46 : vector<16xi32>
    %add3A_48 = arith.constant 240 : i32
    %add3A_49 = vector.broadcast %add3A_48 : i32 to vector<16xi32>
    %add3A_50 = arith.addi %iota3A, %add3A_49 : vector<16xi32>
    %add3A_51 = arith.constant 0 : i32
    %add3A_52 = vector.broadcast %add3A_51 : i32 to vector<16xi32>
    %add3A_53 = arith.addi %iota3A, %add3A_52 : vector<16xi32>
    %mul3A_54 = arith.constant 64 : i32
    %mul3A_55 = vector.broadcast %mul3A_54 : i32 to vector<16xi32>
    %mul3A_56 = arith.muli %add3A_53, %mul3A_55 : vector<16xi32>
    %add3A_57 = arith.constant 16 : i32
    %add3A_58 = vector.broadcast %add3A_57 : i32 to vector<16xi32>
    %add3A_59 = arith.addi %iota3A, %add3A_58 : vector<16xi32>
    %mul3A_60 = arith.constant 64 : i32
    %mul3A_61 = vector.broadcast %mul3A_60 : i32 to vector<16xi32>
    %mul3A_62 = arith.muli %add3A_59, %mul3A_61 : vector<16xi32>
    %add3A_63 = arith.constant 32 : i32
    %add3A_64 = vector.broadcast %add3A_63 : i32 to vector<16xi32>
    %add3A_65 = arith.addi %iota3A, %add3A_64 : vector<16xi32>
    %mul3A_66 = arith.constant 64 : i32
    %mul3A_67 = vector.broadcast %mul3A_66 : i32 to vector<16xi32>
    %mul3A_68 = arith.muli %add3A_65, %mul3A_67 : vector<16xi32>
    %add3A_69 = arith.constant 48 : i32
    %add3A_70 = vector.broadcast %add3A_69 : i32 to vector<16xi32>
    %add3A_71 = arith.addi %iota3A, %add3A_70 : vector<16xi32>
    %mul3A_72 = arith.constant 64 : i32
    %mul3A_73 = vector.broadcast %mul3A_72 : i32 to vector<16xi32>
    %mul3A_74 = arith.muli %add3A_71, %mul3A_73 : vector<16xi32>
    %add3A_75 = arith.constant 64 : i32
    %add3A_76 = vector.broadcast %add3A_75 : i32 to vector<16xi32>
    %add3A_77 = arith.addi %iota3A, %add3A_76 : vector<16xi32>
    %mul3A_78 = arith.constant 64 : i32
    %mul3A_79 = vector.broadcast %mul3A_78 : i32 to vector<16xi32>
    %mul3A_80 = arith.muli %add3A_77, %mul3A_79 : vector<16xi32>
    %add3A_81 = arith.constant 80 : i32
    %add3A_82 = vector.broadcast %add3A_81 : i32 to vector<16xi32>
    %add3A_83 = arith.addi %iota3A, %add3A_82 : vector<16xi32>
    %mul3A_84 = arith.constant 64 : i32
    %mul3A_85 = vector.broadcast %mul3A_84 : i32 to vector<16xi32>
    %mul3A_86 = arith.muli %add3A_83, %mul3A_85 : vector<16xi32>
    %add3A_87 = arith.constant 96 : i32
    %add3A_88 = vector.broadcast %add3A_87 : i32 to vector<16xi32>
    %add3A_89 = arith.addi %iota3A, %add3A_88 : vector<16xi32>
    %mul3A_90 = arith.constant 64 : i32
    %mul3A_91 = vector.broadcast %mul3A_90 : i32 to vector<16xi32>
    %mul3A_92 = arith.muli %add3A_89, %mul3A_91 : vector<16xi32>
    %add3A_93 = arith.constant 112 : i32
    %add3A_94 = vector.broadcast %add3A_93 : i32 to vector<16xi32>
    %add3A_95 = arith.addi %iota3A, %add3A_94 : vector<16xi32>
    %mul3A_96 = arith.constant 64 : i32
    %mul3A_97 = vector.broadcast %mul3A_96 : i32 to vector<16xi32>
    %mul3A_98 = arith.muli %add3A_95, %mul3A_97 : vector<16xi32>
    %add3A_99 = arith.constant 128 : i32
    %add3A_100 = vector.broadcast %add3A_99 : i32 to vector<16xi32>
    %add3A_101 = arith.addi %iota3A, %add3A_100 : vector<16xi32>
    %mul3A_102 = arith.constant 64 : i32
    %mul3A_103 = vector.broadcast %mul3A_102 : i32 to vector<16xi32>
    %mul3A_104 = arith.muli %add3A_101, %mul3A_103 : vector<16xi32>
    %add3A_105 = arith.constant 144 : i32
    %add3A_106 = vector.broadcast %add3A_105 : i32 to vector<16xi32>
    %add3A_107 = arith.addi %iota3A, %add3A_106 : vector<16xi32>
    %mul3A_108 = arith.constant 64 : i32
    %mul3A_109 = vector.broadcast %mul3A_108 : i32 to vector<16xi32>
    %mul3A_110 = arith.muli %add3A_107, %mul3A_109 : vector<16xi32>
    %add3A_111 = arith.constant 160 : i32
    %add3A_112 = vector.broadcast %add3A_111 : i32 to vector<16xi32>
    %add3A_113 = arith.addi %iota3A, %add3A_112 : vector<16xi32>
    %mul3A_114 = arith.constant 64 : i32
    %mul3A_115 = vector.broadcast %mul3A_114 : i32 to vector<16xi32>
    %mul3A_116 = arith.muli %add3A_113, %mul3A_115 : vector<16xi32>
    %add3A_117 = arith.constant 176 : i32
    %add3A_118 = vector.broadcast %add3A_117 : i32 to vector<16xi32>
    %add3A_119 = arith.addi %iota3A, %add3A_118 : vector<16xi32>
    %mul3A_120 = arith.constant 64 : i32
    %mul3A_121 = vector.broadcast %mul3A_120 : i32 to vector<16xi32>
    %mul3A_122 = arith.muli %add3A_119, %mul3A_121 : vector<16xi32>
    %add3A_123 = arith.constant 192 : i32
    %add3A_124 = vector.broadcast %add3A_123 : i32 to vector<16xi32>
    %add3A_125 = arith.addi %iota3A, %add3A_124 : vector<16xi32>
    %mul3A_126 = arith.constant 64 : i32
    %mul3A_127 = vector.broadcast %mul3A_126 : i32 to vector<16xi32>
    %mul3A_128 = arith.muli %add3A_125, %mul3A_127 : vector<16xi32>
    %add3A_129 = arith.constant 208 : i32
    %add3A_130 = vector.broadcast %add3A_129 : i32 to vector<16xi32>
    %add3A_131 = arith.addi %iota3A, %add3A_130 : vector<16xi32>
    %mul3A_132 = arith.constant 64 : i32
    %mul3A_133 = vector.broadcast %mul3A_132 : i32 to vector<16xi32>
    %mul3A_134 = arith.muli %add3A_131, %mul3A_133 : vector<16xi32>
    %add3A_135 = arith.constant 224 : i32
    %add3A_136 = vector.broadcast %add3A_135 : i32 to vector<16xi32>
    %add3A_137 = arith.addi %iota3A, %add3A_136 : vector<16xi32>
    %mul3A_138 = arith.constant 64 : i32
    %mul3A_139 = vector.broadcast %mul3A_138 : i32 to vector<16xi32>
    %mul3A_140 = arith.muli %add3A_137, %mul3A_139 : vector<16xi32>
    %add3A_141 = arith.constant 240 : i32
    %add3A_142 = vector.broadcast %add3A_141 : i32 to vector<16xi32>
    %add3A_143 = arith.addi %iota3A, %add3A_142 : vector<16xi32>
    %mul3A_144 = arith.constant 64 : i32
    %mul3A_145 = vector.broadcast %mul3A_144 : i32 to vector<16xi32>
    %mul3A_146 = arith.muli %add3A_143, %mul3A_145 : vector<16xi32>
    %mul3A_147 = arith.constant 256 : i32
    %mul3A_148 = arith.muli %mul3A_2, %mul3A_147 : i32
    %dma_start3A = arith.constant 0 : i32
    %dma_start3A_149 = tpu.memref_slice %arg2[%dma_start3A, %mul3A_148] : memref<64x1000000xf32, #tpu.memory_space<hbm>> -> memref<64x256xf32, #tpu.memory_space<hbm>>
    %dma_start3A_150 = arith.constant 0 : i32
    %dma_start3A_151 = tpu.memref_slice %arg2[%dma_start3A_150, %mul3A_148] : memref<64x1000000xf32, #tpu.memory_space<hbm>> -> memref<64x256xf32, #tpu.memory_space<hbm>>
    tpu.enqueue_dma source(%dma_start3A_151 : memref<64x256xf32, #tpu.memory_space<hbm>>) target(%arg5 : memref<64x256xf32, #tpu.memory_space<vmem>>) target_semaphore(%arg10 : memref<!tpu.dma_semaphore, #tpu.memory_space<semaphore_mem>>)
    %scan3A = arith.constant 0 : i32
    %scan3A_152 = arith.constant 0 : i32
    %scan3A_153 = arith.constant 61 : i32
    %scan3A_154 = arith.addi %scan3A_152, %scan3A_153 : i32
    %scan3A_155 = arith.constant 1 : i32
    scf.for %scan3A_170 = %scan3A_152 to %scan3A_154 step %scan3A_155  : i32 {
      %mul3A_171 = arith.constant 2 : i32
      %mul3A_172 = arith.muli %mul3A_171, %scan3A_170 : i32
      %add3A_173 = arith.constant 1 : i32
      %add3A_174 = arith.addi %mul3A_172, %add3A_173 : i32
      %lt3A_175 = arith.constant 122 : i32
      %lt3A_176 = arith.cmpi slt, %add3A_174, %lt3A_175 : i32
      %convert_element_type3A_177 = arith.extui %lt3A_176 : i1 to i32
      %cond3A_178 = arith.constant 0 : i32
      %cond3A_179 = arith.cmpi ne, %convert_element_type3A_177, %cond3A_178 : i32
      scf.if %cond3A_179 {
        %add3A_234 = arith.addi %mul3A_2, %mul3A_172 : i32
        %add3A_235 = arith.constant 1 : i32
        %add3A_236 = arith.addi %add3A_234, %add3A_235 : i32
        %mul3A_237 = arith.constant 256 : i32
        %mul3A_238 = arith.muli %add3A_236, %mul3A_237 : i32
        %dma_start3A_239 = arith.constant 0 : i32
        %dma_start3A_240 = tpu.memref_slice %arg2[%dma_start3A_239, %mul3A_238] : memref<64x1000000xf32, #tpu.memory_space<hbm>> -> memref<64x256xf32, #tpu.memory_space<hbm>>
        %dma_start3A_241 = arith.constant 0 : i32
        %dma_start3A_242 = tpu.memref_slice %arg2[%dma_start3A_241, %mul3A_238] : memref<64x1000000xf32, #tpu.memory_space<hbm>> -> memref<64x256xf32, #tpu.memory_space<hbm>>
        tpu.enqueue_dma source(%dma_start3A_242 : memref<64x256xf32, #tpu.memory_space<hbm>>) target(%arg6 : memref<64x256xf32, #tpu.memory_space<vmem>>) target_semaphore(%arg11 : memref<!tpu.dma_semaphore, #tpu.memory_space<semaphore_mem>>)
      } else {
      }
      %dma_wait3A_180 = arith.constant 0 : i32
      %dma_wait3A_181 = arith.constant 0 : i32
      %dma_wait3A_182 = tpu.memref_slice %arg2[%dma_wait3A_180, %dma_wait3A_181] : memref<64x1000000xf32, #tpu.memory_space<hbm>> -> memref<64x256xf32, #tpu.memory_space<hbm>>
      %dma_wait3A_183 = arith.constant 0 : i32
      %dma_wait3A_184 = arith.constant 0 : i32
      %dma_wait3A_185 = tpu.memref_slice %arg2[%dma_wait3A_183, %dma_wait3A_184] : memref<64x1000000xf32, #tpu.memory_space<hbm>> -> memref<64x256xf32, #tpu.memory_space<hbm>>
      tpu.wait_dma2 semaphore(%arg10 : memref<!tpu.dma_semaphore, #tpu.memory_space<semaphore_mem>>) src(%dma_wait3A_185 : memref<64x256xf32, #tpu.memory_space<hbm>>) dst(%arg5 : memref<64x256xf32, #tpu.memory_space<vmem>>)
      %ge3A = arith.constant 2 : i32
      %ge3A_186 = arith.cmpi sge, %mul3A_172, %ge3A : i32
      %convert_element_type3A_187 = arith.extui %ge3A_186 : i1 to i32
      %cond3A_188 = arith.constant 0 : i32
      %cond3A_189 = arith.cmpi ne, %convert_element_type3A_187, %cond3A_188 : i32
      scf.if %cond3A_189 {
        %dma_wait3A_234 = arith.constant 0 : i32
        %dma_wait3A_235 = tpu.memref_slice %arg4[%dma_wait3A_234] : memref<64000000xf32, #tpu.memory_space<hbm>> -> memref<16384xf32, #tpu.memory_space<hbm>>
        %dma_wait3A_236 = arith.constant 0 : i32
        %dma_wait3A_237 = tpu.memref_slice %arg4[%dma_wait3A_236] : memref<64000000xf32, #tpu.memory_space<hbm>> -> memref<16384xf32, #tpu.memory_space<hbm>>
        tpu.wait_dma2 semaphore(%arg12 : memref<!tpu.dma_semaphore, #tpu.memory_space<semaphore_mem>>) src(%arg7 : memref<16384xf32, #tpu.memory_space<vmem>>) dst(%dma_wait3A_237 : memref<16384xf32, #tpu.memory_space<hbm>>)
      } else {
      }
      %scan3A_190 = arith.constant 0 : i32
      %scan3A_191 = arith.constant 0 : i32
      %scan3A_192 = arith.constant 64 : i32
      %scan3A_193 = arith.addi %scan3A_191, %scan3A_192 : i32
      %scan3A_194 = arith.constant 1 : i32
      scf.for %scan3A_234 = %scan3A_191 to %scan3A_193 step %scan3A_194  : i32 {
        %add3A_235 = vector.broadcast %scan3A_234 : i32 to vector<16xi32>
        %add3A_236 = arith.addi %iota3A, %add3A_235 : vector<16xi32>
        %and3A = arith.constant 63 : i32
        %and3A_237 = vector.broadcast %and3A : i32 to vector<16xi32>
        %and3A_238 = arith.andi %add3A_236, %and3A_237 : vector<16xi32>
        %gather3A = tpu.vector_load_idx %arg5[%and3A_238, %add3A_5] : memref<64x256xf32, #tpu.memory_space<vmem>>[vector<16xi32>, vector<16xi32>], vector<16xf32>,
        %add3A_239 = arith.addi %mul3A_56, %and3A_238 : vector<16xi32>
        tpu.vector_store_idx %arg7[%add3A_239], %gather3A : memref<16384xf32, #tpu.memory_space<vmem>>[vector<16xi32>], vector<16xf32>,
        %gather3A_240 = tpu.vector_load_idx %arg5[%and3A_238, %add3A_8] : memref<64x256xf32, #tpu.memory_space<vmem>>[vector<16xi32>, vector<16xi32>], vector<16xf32>,
        %add3A_241 = arith.addi %mul3A_62, %and3A_238 : vector<16xi32>
        tpu.vector_store_idx %arg7[%add3A_241], %gather3A_240 : memref<16384xf32, #tpu.memory_space<vmem>>[vector<16xi32>], vector<16xf32>,
        %gather3A_242 = tpu.vector_load_idx %arg5[%and3A_238, %add3A_11] : memref<64x256xf32, #tpu.memory_space<vmem>>[vector<16xi32>, vector<16xi32>], vector<16xf32>,
        %add3A_243 = arith.addi %mul3A_68, %and3A_238 : vector<16xi32>
        tpu.vector_store_idx %arg7[%add3A_243], %gather3A_242 : memref<16384xf32, #tpu.memory_space<vmem>>[vector<16xi32>], vector<16xf32>,
        %gather3A_244 = tpu.vector_load_idx %arg5[%and3A_238, %add3A_14] : memref<64x256xf32, #tpu.memory_space<vmem>>[vector<16xi32>, vector<16xi32>], vector<16xf32>,
        %add3A_245 = arith.addi %mul3A_74, %and3A_238 : vector<16xi32>
        tpu.vector_store_idx %arg7[%add3A_245], %gather3A_244 : memref<16384xf32, #tpu.memory_space<vmem>>[vector<16xi32>], vector<16xf32>,
        %gather3A_246 = tpu.vector_load_idx %arg5[%and3A_238, %add3A_17] : memref<64x256xf32, #tpu.memory_space<vmem>>[vector<16xi32>, vector<16xi32>], vector<16xf32>,
        %add3A_247 = arith.addi %mul3A_80, %and3A_238 : vector<16xi32>
        tpu.vector_store_idx %arg7[%add3A_247], %gather3A_246 : memref<16384xf32, #tpu.memory_space<vmem>>[vector<16xi32>], vector<16xf32>,
        %gather3A_248 = tpu.vector_load_idx %arg5[%and3A_238, %add3A_20] : memref<64x256xf32, #tpu.memory_space<vmem>>[vector<16xi32>, vector<16xi32>], vector<16xf32>,
        %add3A_249 = arith.addi %mul3A_86, %and3A_238 : vector<16xi32>
        tpu.vector_store_idx %arg7[%add3A_249], %gather3A_248 : memref<16384xf32, #tpu.memory_space<vmem>>[vector<16xi32>], vector<16xf32>,
        %gather3A_250 = tpu.vector_load_idx %arg5[%and3A_238, %add3A_23] : memref<64x256xf32, #tpu.memory_space<vmem>>[vector<16xi32>, vector<16xi32>], vector<16xf32>,
        %add3A_251 = arith.addi %mul3A_92, %and3A_238 : vector<16xi32>
        tpu.vector_store_idx %arg7[%add3A_251], %gather3A_250 : memref<16384xf32, #tpu.memory_space<vmem>>[vector<16xi32>], vector<16xf32>,
        %gather3A_252 = tpu.vector_load_idx %arg5[%and3A_238, %add3A_26] : memref<64x256xf32, #tpu.memory_space<vmem>>[vector<16xi32>, vector<16xi32>], vector<16xf32>,
        %add3A_253 = arith.addi %mul3A_98, %and3A_238 : vector<16xi32>
        tpu.vector_store_idx %arg7[%add3A_253], %gather3A_252 : memref<16384xf32, #tpu.memory_space<vmem>>[vector<16xi32>], vector<16xf32>,
        %gather3A_254 = tpu.vector_load_idx %arg5[%and3A_238, %add3A_29] : memref<64x256xf32, #tpu.memory_space<vmem>>[vector<16xi32>, vector<16xi32>], vector<16xf32>,
        %add3A_255 = arith.addi %mul3A_104, %and3A_238 : vector<16xi32>
        tpu.vector_store_idx %arg7[%add3A_255], %gather3A_254 : memref<16384xf32, #tpu.memory_space<vmem>>[vector<16xi32>], vector<16xf32>,
        %gather3A_256 = tpu.vector_load_idx %arg5[%and3A_238, %add3A_32] : memref<64x256xf32, #tpu.memory_space<vmem>>[vector<16xi32>, vector<16xi32>], vector<16xf32>,
        %add3A_257 = arith.addi %mul3A_110, %and3A_238 : vector<16xi32>
        tpu.vector_store_idx %arg7[%add3A_257], %gather3A_256 : memref<16384xf32, #tpu.memory_space<vmem>>[vector<16xi32>], vector<16xf32>,
        %gather3A_258 = tpu.vector_load_idx %arg5[%and3A_238, %add3A_35] : memref<64x256xf32, #tpu.memory_space<vmem>>[vector<16xi32>, vector<16xi32>], vector<16xf32>,
        %add3A_259 = arith.addi %mul3A_116, %and3A_238 : vector<16xi32>
        tpu.vector_store_idx %arg7[%add3A_259], %gather3A_258 : memref<16384xf32, #tpu.memory_space<vmem>>[vector<16xi32>], vector<16xf32>,
        %gather3A_260 = tpu.vector_load_idx %arg5[%and3A_238, %add3A_38] : memref<64x256xf32, #tpu.memory_space<vmem>>[vector<16xi32>, vector<16xi32>], vector<16xf32>,
        %add3A_261 = arith.addi %mul3A_122, %and3A_238 : vector<16xi32>
        tpu.vector_store_idx %arg7[%add3A_261], %gather3A_260 : memref<16384xf32, #tpu.memory_space<vmem>>[vector<16xi32>], vector<16xf32>,
        %gather3A_262 = tpu.vector_load_idx %arg5[%and3A_238, %add3A_41] : memref<64x256xf32, #tpu.memory_space<vmem>>[vector<16xi32>, vector<16xi32>], vector<16xf32>,
        %add3A_263 = arith.addi %mul3A_128, %and3A_238 : vector<16xi32>
        tpu.vector_store_idx %arg7[%add3A_263], %gather3A_262 : memref<16384xf32, #tpu.memory_space<vmem>>[vector<16xi32>], vector<16xf32>,
        %gather3A_264 = tpu.vector_load_idx %arg5[%and3A_238, %add3A_44] : memref<64x256xf32, #tpu.memory_space<vmem>>[vector<16xi32>, vector<16xi32>], vector<16xf32>,
        %add3A_265 = arith.addi %mul3A_134, %and3A_238 : vector<16xi32>
        tpu.vector_store_idx %arg7[%add3A_265], %gather3A_264 : memref<16384xf32, #tpu.memory_space<vmem>>[vector<16xi32>], vector<16xf32>,
        %gather3A_266 = tpu.vector_load_idx %arg5[%and3A_238, %add3A_47] : memref<64x256xf32, #tpu.memory_space<vmem>>[vector<16xi32>, vector<16xi32>], vector<16xf32>,
        %add3A_267 = arith.addi %mul3A_140, %and3A_238 : vector<16xi32>
        tpu.vector_store_idx %arg7[%add3A_267], %gather3A_266 : memref<16384xf32, #tpu.memory_space<vmem>>[vector<16xi32>], vector<16xf32>,
        %gather3A_268 = tpu.vector_load_idx %arg5[%and3A_238, %add3A_50] : memref<64x256xf32, #tpu.memory_space<vmem>>[vector<16xi32>, vector<16xi32>], vector<16xf32>,
        %add3A_269 = arith.addi %mul3A_146, %and3A_238 : vector<16xi32>
        tpu.vector_store_idx %arg7[%add3A_269], %gather3A_268 : memref<16384xf32, #tpu.memory_space<vmem>>[vector<16xi32>], vector<16xf32>,
      }
      %scan3A_195 = arith.constant 64 : i32
      %add3A_196 = arith.addi %mul3A_2, %mul3A_172 : i32
      %mul3A_197 = arith.constant 16384 : i32
      %mul3A_198 = arith.muli %add3A_196, %mul3A_197 : i32
      %dma_start3A_199 = tpu.memref_slice %arg4[%mul3A_198] : memref<64000000xf32, #tpu.memory_space<hbm>> -> memref<16384xf32, #tpu.memory_space<hbm>>
      %dma_start3A_200 = tpu.memref_slice %arg4[%mul3A_198] : memref<64000000xf32, #tpu.memory_space<hbm>> -> memref<16384xf32, #tpu.memory_space<hbm>>
      tpu.enqueue_dma source(%arg7 : memref<16384xf32, #tpu.memory_space<vmem>>) target(%dma_start3A_200 : memref<16384xf32, #tpu.memory_space<hbm>>) target_semaphore(%arg12 : memref<!tpu.dma_semaphore, #tpu.memory_space<semaphore_mem>>)
      %mul3A_201 = arith.constant 2 : i32
      %mul3A_202 = arith.muli %mul3A_201, %scan3A_170 : i32
      %add3A_203 = arith.constant 1 : i32
      %add3A_204 = arith.addi %mul3A_202, %add3A_203 : i32
      %add3A_205 = arith.constant 1 : i32
      %add3A_206 = arith.addi %add3A_204, %add3A_205 : i32
      %lt3A_207 = arith.constant 122 : i32
      %lt3A_208 = arith.cmpi slt, %add3A_206, %lt3A_207 : i32
      %convert_element_type3A_209 = arith.extui %lt3A_208 : i1 to i32
      %cond3A_210 = arith.constant 0 : i32
      %cond3A_211 = arith.cmpi ne, %convert_element_type3A_209, %cond3A_210 : i32
      scf.if %cond3A_211 {
        %add3A_234 = arith.addi %mul3A_2, %add3A_204 : i32
        %add3A_235 = arith.constant 1 : i32
        %add3A_236 = arith.addi %add3A_234, %add3A_235 : i32
        %mul3A_237 = arith.constant 256 : i32
        %mul3A_238 = arith.muli %add3A_236, %mul3A_237 : i32
        %dma_start3A_239 = arith.constant 0 : i32
        %dma_start3A_240 = tpu.memref_slice %arg2[%dma_start3A_239, %mul3A_238] : memref<64x1000000xf32, #tpu.memory_space<hbm>> -> memref<64x256xf32, #tpu.memory_space<hbm>>
        %dma_start3A_241 = arith.constant 0 : i32
        %dma_start3A_242 = tpu.memref_slice %arg2[%dma_start3A_241, %mul3A_238] : memref<64x1000000xf32, #tpu.memory_space<hbm>> -> memref<64x256xf32, #tpu.memory_space<hbm>>
        tpu.enqueue_dma source(%dma_start3A_242 : memref<64x256xf32, #tpu.memory_space<hbm>>) target(%arg5 : memref<64x256xf32, #tpu.memory_space<vmem>>) target_semaphore(%arg10 : memref<!tpu.dma_semaphore, #tpu.memory_space<semaphore_mem>>)
      } else {
      }
      %dma_wait3A_212 = arith.constant 0 : i32
      %dma_wait3A_213 = arith.constant 0 : i32
      %dma_wait3A_214 = tpu.memref_slice %arg2[%dma_wait3A_212, %dma_wait3A_213] : memref<64x1000000xf32, #tpu.memory_space<hbm>> -> memref<64x256xf32, #tpu.memory_space<hbm>>
      %dma_wait3A_215 = arith.constant 0 : i32
      %dma_wait3A_216 = arith.constant 0 : i32
      %dma_wait3A_217 = tpu.memref_slice %arg2[%dma_wait3A_215, %dma_wait3A_216] : memref<64x1000000xf32, #tpu.memory_space<hbm>> -> memref<64x256xf32, #tpu.memory_space<hbm>>
      tpu.wait_dma2 semaphore(%arg11 : memref<!tpu.dma_semaphore, #tpu.memory_space<semaphore_mem>>) src(%dma_wait3A_217 : memref<64x256xf32, #tpu.memory_space<hbm>>) dst(%arg6 : memref<64x256xf32, #tpu.memory_space<vmem>>)
      %ge3A_218 = arith.constant 2 : i32
      %ge3A_219 = arith.cmpi sge, %add3A_204, %ge3A_218 : i32
      %convert_element_type3A_220 = arith.extui %ge3A_219 : i1 to i32
      %cond3A_221 = arith.constant 0 : i32
      %cond3A_222 = arith.cmpi ne, %convert_element_type3A_220, %cond3A_221 : i32
      scf.if %cond3A_222 {
        %dma_wait3A_234 = arith.constant 0 : i32
        %dma_wait3A_235 = tpu.memref_slice %arg4[%dma_wait3A_234] : memref<64000000xf32, #tpu.memory_space<hbm>> -> memref<16384xf32, #tpu.memory_space<hbm>>
        %dma_wait3A_236 = arith.constant 0 : i32
        %dma_wait3A_237 = tpu.memref_slice %arg4[%dma_wait3A_236] : memref<64000000xf32, #tpu.memory_space<hbm>> -> memref<16384xf32, #tpu.memory_space<hbm>>
        tpu.wait_dma2 semaphore(%arg13 : memref<!tpu.dma_semaphore, #tpu.memory_space<semaphore_mem>>) src(%arg8 : memref<16384xf32, #tpu.memory_space<vmem>>) dst(%dma_wait3A_237 : memref<16384xf32, #tpu.memory_space<hbm>>)
      } else {
      }
      %scan3A_223 = arith.constant 0 : i32
      %scan3A_224 = arith.constant 0 : i32
      %scan3A_225 = arith.constant 64 : i32
      %scan3A_226 = arith.addi %scan3A_224, %scan3A_225 : i32
      %scan3A_227 = arith.constant 1 : i32
      scf.for %scan3A_234 = %scan3A_224 to %scan3A_226 step %scan3A_227  : i32 {
        %add3A_235 = vector.broadcast %scan3A_234 : i32 to vector<16xi32>
        %add3A_236 = arith.addi %iota3A, %add3A_235 : vector<16xi32>
        %and3A = arith.constant 63 : i32
        %and3A_237 = vector.broadcast %and3A : i32 to vector<16xi32>
        %and3A_238 = arith.andi %add3A_236, %and3A_237 : vector<16xi32>
        %gather3A = tpu.vector_load_idx %arg6[%and3A_238, %add3A_5] : memref<64x256xf32, #tpu.memory_space<vmem>>[vector<16xi32>, vector<16xi32>], vector<16xf32>,
        %add3A_239 = arith.addi %mul3A_56, %and3A_238 : vector<16xi32>
        tpu.vector_store_idx %arg8[%add3A_239], %gather3A : memref<16384xf32, #tpu.memory_space<vmem>>[vector<16xi32>], vector<16xf32>,
        %gather3A_240 = tpu.vector_load_idx %arg6[%and3A_238, %add3A_8] : memref<64x256xf32, #tpu.memory_space<vmem>>[vector<16xi32>, vector<16xi32>], vector<16xf32>,
        %add3A_241 = arith.addi %mul3A_62, %and3A_238 : vector<16xi32>
        tpu.vector_store_idx %arg8[%add3A_241], %gather3A_240 : memref<16384xf32, #tpu.memory_space<vmem>>[vector<16xi32>], vector<16xf32>,
        %gather3A_242 = tpu.vector_load_idx %arg6[%and3A_238, %add3A_11] : memref<64x256xf32, #tpu.memory_space<vmem>>[vector<16xi32>, vector<16xi32>], vector<16xf32>,
        %add3A_243 = arith.addi %mul3A_68, %and3A_238 : vector<16xi32>
        tpu.vector_store_idx %arg8[%add3A_243], %gather3A_242 : memref<16384xf32, #tpu.memory_space<vmem>>[vector<16xi32>], vector<16xf32>,
        %gather3A_244 = tpu.vector_load_idx %arg6[%and3A_238, %add3A_14] : memref<64x256xf32, #tpu.memory_space<vmem>>[vector<16xi32>, vector<16xi32>], vector<16xf32>,
        %add3A_245 = arith.addi %mul3A_74, %and3A_238 : vector<16xi32>
        tpu.vector_store_idx %arg8[%add3A_245], %gather3A_244 : memref<16384xf32, #tpu.memory_space<vmem>>[vector<16xi32>], vector<16xf32>,
        %gather3A_246 = tpu.vector_load_idx %arg6[%and3A_238, %add3A_17] : memref<64x256xf32, #tpu.memory_space<vmem>>[vector<16xi32>, vector<16xi32>], vector<16xf32>,
        %add3A_247 = arith.addi %mul3A_80, %and3A_238 : vector<16xi32>
        tpu.vector_store_idx %arg8[%add3A_247], %gather3A_246 : memref<16384xf32, #tpu.memory_space<vmem>>[vector<16xi32>], vector<16xf32>,
        %gather3A_248 = tpu.vector_load_idx %arg6[%and3A_238, %add3A_20] : memref<64x256xf32, #tpu.memory_space<vmem>>[vector<16xi32>, vector<16xi32>], vector<16xf32>,
        %add3A_249 = arith.addi %mul3A_86, %and3A_238 : vector<16xi32>
        tpu.vector_store_idx %arg8[%add3A_249], %gather3A_248 : memref<16384xf32, #tpu.memory_space<vmem>>[vector<16xi32>], vector<16xf32>,
        %gather3A_250 = tpu.vector_load_idx %arg6[%and3A_238, %add3A_23] : memref<64x256xf32, #tpu.memory_space<vmem>>[vector<16xi32>, vector<16xi32>], vector<16xf32>,
        %add3A_251 = arith.addi %mul3A_92, %and3A_238 : vector<16xi32>
        tpu.vector_store_idx %arg8[%add3A_251], %gather3A_250 : memref<16384xf32, #tpu.memory_space<vmem>>[vector<16xi32>], vector<16xf32>,
        %gather3A_252 = tpu.vector_load_idx %arg6[%and3A_238, %add3A_26] : memref<64x256xf32, #tpu.memory_space<vmem>>[vector<16xi32>, vector<16xi32>], vector<16xf32>,
        %add3A_253 = arith.addi %mul3A_98, %and3A_238 : vector<16xi32>
        tpu.vector_store_idx %arg8[%add3A_253], %gather3A_252 : memref<16384xf32, #tpu.memory_space<vmem>>[vector<16xi32>], vector<16xf32>,
        %gather3A_254 = tpu.vector_load_idx %arg6[%and3A_238, %add3A_29] : memref<64x256xf32, #tpu.memory_space<vmem>>[vector<16xi32>, vector<16xi32>], vector<16xf32>,
        %add3A_255 = arith.addi %mul3A_104, %and3A_238 : vector<16xi32>
        tpu.vector_store_idx %arg8[%add3A_255], %gather3A_254 : memref<16384xf32, #tpu.memory_space<vmem>>[vector<16xi32>], vector<16xf32>,
        %gather3A_256 = tpu.vector_load_idx %arg6[%and3A_238, %add3A_32] : memref<64x256xf32, #tpu.memory_space<vmem>>[vector<16xi32>, vector<16xi32>], vector<16xf32>,
        %add3A_257 = arith.addi %mul3A_110, %and3A_238 : vector<16xi32>
        tpu.vector_store_idx %arg8[%add3A_257], %gather3A_256 : memref<16384xf32, #tpu.memory_space<vmem>>[vector<16xi32>], vector<16xf32>,
        %gather3A_258 = tpu.vector_load_idx %arg6[%and3A_238, %add3A_35] : memref<64x256xf32, #tpu.memory_space<vmem>>[vector<16xi32>, vector<16xi32>], vector<16xf32>,
        %add3A_259 = arith.addi %mul3A_116, %and3A_238 : vector<16xi32>
        tpu.vector_store_idx %arg8[%add3A_259], %gather3A_258 : memref<16384xf32, #tpu.memory_space<vmem>>[vector<16xi32>], vector<16xf32>,
        %gather3A_260 = tpu.vector_load_idx %arg6[%and3A_238, %add3A_38] : memref<64x256xf32, #tpu.memory_space<vmem>>[vector<16xi32>, vector<16xi32>], vector<16xf32>,
        %add3A_261 = arith.addi %mul3A_122, %and3A_238 : vector<16xi32>
        tpu.vector_store_idx %arg8[%add3A_261], %gather3A_260 : memref<16384xf32, #tpu.memory_space<vmem>>[vector<16xi32>], vector<16xf32>,
        %gather3A_262 = tpu.vector_load_idx %arg6[%and3A_238, %add3A_41] : memref<64x256xf32, #tpu.memory_space<vmem>>[vector<16xi32>, vector<16xi32>], vector<16xf32>,
        %add3A_263 = arith.addi %mul3A_128, %and3A_238 : vector<16xi32>
        tpu.vector_store_idx %arg8[%add3A_263], %gather3A_262 : memref<16384xf32, #tpu.memory_space<vmem>>[vector<16xi32>], vector<16xf32>,
        %gather3A_264 = tpu.vector_load_idx %arg6[%and3A_238, %add3A_44] : memref<64x256xf32, #tpu.memory_space<vmem>>[vector<16xi32>, vector<16xi32>], vector<16xf32>,
        %add3A_265 = arith.addi %mul3A_134, %and3A_238 : vector<16xi32>
        tpu.vector_store_idx %arg8[%add3A_265], %gather3A_264 : memref<16384xf32, #tpu.memory_space<vmem>>[vector<16xi32>], vector<16xf32>,
        %gather3A_266 = tpu.vector_load_idx %arg6[%and3A_238, %add3A_47] : memref<64x256xf32, #tpu.memory_space<vmem>>[vector<16xi32>, vector<16xi32>], vector<16xf32>,
        %add3A_267 = arith.addi %mul3A_140, %and3A_238 : vector<16xi32>
        tpu.vector_store_idx %arg8[%add3A_267], %gather3A_266 : memref<16384xf32, #tpu.memory_space<vmem>>[vector<16xi32>], vector<16xf32>,
        %gather3A_268 = tpu.vector_load_idx %arg6[%and3A_238, %add3A_50] : memref<64x256xf32, #tpu.memory_space<vmem>>[vector<16xi32>, vector<16xi32>], vector<16xf32>,
        %add3A_269 = arith.addi %mul3A_146, %and3A_238 : vector<16xi32>
        tpu.vector_store_idx %arg8[%add3A_269], %gather3A_268 : memref<16384xf32, #tpu.memory_space<vmem>>[vector<16xi32>], vector<16xf32>,
      }
      %scan3A_228 = arith.constant 64 : i32
      %add3A_229 = arith.addi %mul3A_2, %add3A_204 : i32
      %mul3A_230 = arith.constant 16384 : i32
      %mul3A_231 = arith.muli %add3A_229, %mul3A_230 : i32
      %dma_start3A_232 = tpu.memref_slice %arg4[%mul3A_231] : memref<64000000xf32, #tpu.memory_space<hbm>> -> memref<16384xf32, #tpu.memory_space<hbm>>
      %dma_start3A_233 = tpu.memref_slice %arg4[%mul3A_231] : memref<64000000xf32, #tpu.memory_space<hbm>> -> memref<16384xf32, #tpu.memory_space<hbm>>
      tpu.enqueue_dma source(%arg8 : memref<16384xf32, #tpu.memory_space<vmem>>) target(%dma_start3A_233 : memref<16384xf32, #tpu.memory_space<hbm>>) target_semaphore(%arg13 : memref<!tpu.dma_semaphore, #tpu.memory_space<semaphore_mem>>)
    }
    %scan3A_156 = arith.constant 61 : i32
    %dma_wait3A = arith.constant 0 : i32
    %dma_wait3A_157 = tpu.memref_slice %arg4[%dma_wait3A] : memref<64000000xf32, #tpu.memory_space<hbm>> -> memref<16384xf32, #tpu.memory_space<hbm>>
    %dma_wait3A_158 = arith.constant 0 : i32
    %dma_wait3A_159 = tpu.memref_slice %arg4[%dma_wait3A_158] : memref<64000000xf32, #tpu.memory_space<hbm>> -> memref<16384xf32, #tpu.memory_space<hbm>>
    tpu.wait_dma2 semaphore(%arg12 : memref<!tpu.dma_semaphore, #tpu.memory_space<semaphore_mem>>) src(%arg7 : memref<16384xf32, #tpu.memory_space<vmem>>) dst(%dma_wait3A_159 : memref<16384xf32, #tpu.memory_space<hbm>>)
    %dma_wait3A_160 = arith.constant 0 : i32
    %dma_wait3A_161 = tpu.memref_slice %arg4[%dma_wait3A_160] : memref<64000000xf32, #tpu.memory_space<hbm>> -> memref<16384xf32, #tpu.memory_space<hbm>>
    %dma_wait3A_162 = arith.constant 0 : i32
    %dma_wait3A_163 = tpu.memref_slice %arg4[%dma_wait3A_162] : memref<64000000xf32, #tpu.memory_space<hbm>> -> memref<16384xf32, #tpu.memory_space<hbm>>
    tpu.wait_dma2 semaphore(%arg13 : memref<!tpu.dma_semaphore, #tpu.memory_space<semaphore_mem>>) src(%arg8 : memref<16384xf32, #tpu.memory_space<vmem>>) dst(%dma_wait3A_163 : memref<16384xf32, #tpu.memory_space<hbm>>)
    %lt3A = arith.constant 2 : i32
    %lt3A_164 = arith.cmpi slt, %add3A, %lt3A : i32
    %convert_element_type3A = arith.extui %lt3A_164 : i1 to i32
    %cond3A = arith.constant 0 : i32
    %cond3A_165 = arith.cmpi ne, %convert_element_type3A, %cond3A : i32
    scf.if %cond3A_165 {
      %add3A_170 = arith.constant 3904 : i32
      %add3A_171 = arith.addi %add3A_170, %add3A : i32
      %mul3A_172 = arith.constant 256 : i32
      %mul3A_173 = arith.muli %add3A_171, %mul3A_172 : i32
      %dma_start3A_174 = arith.constant 0 : i32
      %dma_start3A_175 = tpu.memref_slice %arg2[%dma_start3A_174, %mul3A_173] : memref<64x1000000xf32, #tpu.memory_space<hbm>> -> memref<64x256xf32, #tpu.memory_space<hbm>>
      %dma_start3A_176 = arith.constant 0 : i32
      %dma_start3A_177 = tpu.memref_slice %arg2[%dma_start3A_176, %mul3A_173] : memref<64x1000000xf32, #tpu.memory_space<hbm>> -> memref<64x256xf32, #tpu.memory_space<hbm>>
      tpu.enqueue_dma source(%dma_start3A_177 : memref<64x256xf32, #tpu.memory_space<hbm>>) target(%arg5 : memref<64x256xf32, #tpu.memory_space<vmem>>) target_semaphore(%arg10 : memref<!tpu.dma_semaphore, #tpu.memory_space<semaphore_mem>>)
      %dma_wait3A_178 = arith.constant 0 : i32
      %dma_wait3A_179 = arith.constant 0 : i32
      %dma_wait3A_180 = tpu.memref_slice %arg2[%dma_wait3A_178, %dma_wait3A_179] : memref<64x1000000xf32, #tpu.memory_space<hbm>> -> memref<64x256xf32, #tpu.memory_space<hbm>>
      %dma_wait3A_181 = arith.constant 0 : i32
      %dma_wait3A_182 = arith.constant 0 : i32
      %dma_wait3A_183 = tpu.memref_slice %arg2[%dma_wait3A_181, %dma_wait3A_182] : memref<64x1000000xf32, #tpu.memory_space<hbm>> -> memref<64x256xf32, #tpu.memory_space<hbm>>
      tpu.wait_dma2 semaphore(%arg10 : memref<!tpu.dma_semaphore, #tpu.memory_space<semaphore_mem>>) src(%dma_wait3A_183 : memref<64x256xf32, #tpu.memory_space<hbm>>) dst(%arg5 : memref<64x256xf32, #tpu.memory_space<vmem>>)
      %scan3A_184 = arith.constant 0 : i32
      %scan3A_185 = arith.constant 0 : i32
      %scan3A_186 = arith.constant 64 : i32
      %scan3A_187 = arith.addi %scan3A_185, %scan3A_186 : i32
      %scan3A_188 = arith.constant 1 : i32
      scf.for %scan3A_198 = %scan3A_185 to %scan3A_187 step %scan3A_188  : i32 {
        %add3A_199 = vector.broadcast %scan3A_198 : i32 to vector<16xi32>
        %add3A_200 = arith.addi %iota3A, %add3A_199 : vector<16xi32>
        %and3A = arith.constant 63 : i32
        %and3A_201 = vector.broadcast %and3A : i32 to vector<16xi32>
        %and3A_202 = arith.andi %add3A_200, %and3A_201 : vector<16xi32>
        %gather3A = tpu.vector_load_idx %arg5[%and3A_202, %add3A_5] : memref<64x256xf32, #tpu.memory_space<vmem>>[vector<16xi32>, vector<16xi32>], vector<16xf32>,
        %add3A_203 = arith.addi %mul3A_56, %and3A_202 : vector<16xi32>
        tpu.vector_store_idx %arg7[%add3A_203], %gather3A : memref<16384xf32, #tpu.memory_space<vmem>>[vector<16xi32>], vector<16xf32>,
        %gather3A_204 = tpu.vector_load_idx %arg5[%and3A_202, %add3A_8] : memref<64x256xf32, #tpu.memory_space<vmem>>[vector<16xi32>, vector<16xi32>], vector<16xf32>,
        %add3A_205 = arith.addi %mul3A_62, %and3A_202 : vector<16xi32>
        tpu.vector_store_idx %arg7[%add3A_205], %gather3A_204 : memref<16384xf32, #tpu.memory_space<vmem>>[vector<16xi32>], vector<16xf32>,
        %gather3A_206 = tpu.vector_load_idx %arg5[%and3A_202, %add3A_11] : memref<64x256xf32, #tpu.memory_space<vmem>>[vector<16xi32>, vector<16xi32>], vector<16xf32>,
        %add3A_207 = arith.addi %mul3A_68, %and3A_202 : vector<16xi32>
        tpu.vector_store_idx %arg7[%add3A_207], %gather3A_206 : memref<16384xf32, #tpu.memory_space<vmem>>[vector<16xi32>], vector<16xf32>,
        %gather3A_208 = tpu.vector_load_idx %arg5[%and3A_202, %add3A_14] : memref<64x256xf32, #tpu.memory_space<vmem>>[vector<16xi32>, vector<16xi32>], vector<16xf32>,
        %add3A_209 = arith.addi %mul3A_74, %and3A_202 : vector<16xi32>
        tpu.vector_store_idx %arg7[%add3A_209], %gather3A_208 : memref<16384xf32, #tpu.memory_space<vmem>>[vector<16xi32>], vector<16xf32>,
        %gather3A_210 = tpu.vector_load_idx %arg5[%and3A_202, %add3A_17] : memref<64x256xf32, #tpu.memory_space<vmem>>[vector<16xi32>, vector<16xi32>], vector<16xf32>,
        %add3A_211 = arith.addi %mul3A_80, %and3A_202 : vector<16xi32>
        tpu.vector_store_idx %arg7[%add3A_211], %gather3A_210 : memref<16384xf32, #tpu.memory_space<vmem>>[vector<16xi32>], vector<16xf32>,
        %gather3A_212 = tpu.vector_load_idx %arg5[%and3A_202, %add3A_20] : memref<64x256xf32, #tpu.memory_space<vmem>>[vector<16xi32>, vector<16xi32>], vector<16xf32>,
        %add3A_213 = arith.addi %mul3A_86, %and3A_202 : vector<16xi32>
        tpu.vector_store_idx %arg7[%add3A_213], %gather3A_212 : memref<16384xf32, #tpu.memory_space<vmem>>[vector<16xi32>], vector<16xf32>,
        %gather3A_214 = tpu.vector_load_idx %arg5[%and3A_202, %add3A_23] : memref<64x256xf32, #tpu.memory_space<vmem>>[vector<16xi32>, vector<16xi32>], vector<16xf32>,
        %add3A_215 = arith.addi %mul3A_92, %and3A_202 : vector<16xi32>
        tpu.vector_store_idx %arg7[%add3A_215], %gather3A_214 : memref<16384xf32, #tpu.memory_space<vmem>>[vector<16xi32>], vector<16xf32>,
        %gather3A_216 = tpu.vector_load_idx %arg5[%and3A_202, %add3A_26] : memref<64x256xf32, #tpu.memory_space<vmem>>[vector<16xi32>, vector<16xi32>], vector<16xf32>,
        %add3A_217 = arith.addi %mul3A_98, %and3A_202 : vector<16xi32>
        tpu.vector_store_idx %arg7[%add3A_217], %gather3A_216 : memref<16384xf32, #tpu.memory_space<vmem>>[vector<16xi32>], vector<16xf32>,
        %gather3A_218 = tpu.vector_load_idx %arg5[%and3A_202, %add3A_29] : memref<64x256xf32, #tpu.memory_space<vmem>>[vector<16xi32>, vector<16xi32>], vector<16xf32>,
        %add3A_219 = arith.addi %mul3A_104, %and3A_202 : vector<16xi32>
        tpu.vector_store_idx %arg7[%add3A_219], %gather3A_218 : memref<16384xf32, #tpu.memory_space<vmem>>[vector<16xi32>], vector<16xf32>,
        %gather3A_220 = tpu.vector_load_idx %arg5[%and3A_202, %add3A_32] : memref<64x256xf32, #tpu.memory_space<vmem>>[vector<16xi32>, vector<16xi32>], vector<16xf32>,
        %add3A_221 = arith.addi %mul3A_110, %and3A_202 : vector<16xi32>
        tpu.vector_store_idx %arg7[%add3A_221], %gather3A_220 : memref<16384xf32, #tpu.memory_space<vmem>>[vector<16xi32>], vector<16xf32>,
        %gather3A_222 = tpu.vector_load_idx %arg5[%and3A_202, %add3A_35] : memref<64x256xf32, #tpu.memory_space<vmem>>[vector<16xi32>, vector<16xi32>], vector<16xf32>,
        %add3A_223 = arith.addi %mul3A_116, %and3A_202 : vector<16xi32>
        tpu.vector_store_idx %arg7[%add3A_223], %gather3A_222 : memref<16384xf32, #tpu.memory_space<vmem>>[vector<16xi32>], vector<16xf32>,
        %gather3A_224 = tpu.vector_load_idx %arg5[%and3A_202, %add3A_38] : memref<64x256xf32, #tpu.memory_space<vmem>>[vector<16xi32>, vector<16xi32>], vector<16xf32>,
        %add3A_225 = arith.addi %mul3A_122, %and3A_202 : vector<16xi32>
        tpu.vector_store_idx %arg7[%add3A_225], %gather3A_224 : memref<16384xf32, #tpu.memory_space<vmem>>[vector<16xi32>], vector<16xf32>,
        %gather3A_226 = tpu.vector_load_idx %arg5[%and3A_202, %add3A_41] : memref<64x256xf32, #tpu.memory_space<vmem>>[vector<16xi32>, vector<16xi32>], vector<16xf32>,
        %add3A_227 = arith.addi %mul3A_128, %and3A_202 : vector<16xi32>
        tpu.vector_store_idx %arg7[%add3A_227], %gather3A_226 : memref<16384xf32, #tpu.memory_space<vmem>>[vector<16xi32>], vector<16xf32>,
        %gather3A_228 = tpu.vector_load_idx %arg5[%and3A_202, %add3A_44] : memref<64x256xf32, #tpu.memory_space<vmem>>[vector<16xi32>, vector<16xi32>], vector<16xf32>,
        %add3A_229 = arith.addi %mul3A_134, %and3A_202 : vector<16xi32>
        tpu.vector_store_idx %arg7[%add3A_229], %gather3A_228 : memref<16384xf32, #tpu.memory_space<vmem>>[vector<16xi32>], vector<16xf32>,
        %gather3A_230 = tpu.vector_load_idx %arg5[%and3A_202, %add3A_47] : memref<64x256xf32, #tpu.memory_space<vmem>>[vector<16xi32>, vector<16xi32>], vector<16xf32>,
        %add3A_231 = arith.addi %mul3A_140, %and3A_202 : vector<16xi32>
        tpu.vector_store_idx %arg7[%add3A_231], %gather3A_230 : memref<16384xf32, #tpu.memory_space<vmem>>[vector<16xi32>], vector<16xf32>,
        %gather3A_232 = tpu.vector_load_idx %arg5[%and3A_202, %add3A_50] : memref<64x256xf32, #tpu.memory_space<vmem>>[vector<16xi32>, vector<16xi32>], vector<16xf32>,
        %add3A_233 = arith.addi %mul3A_146, %and3A_202 : vector<16xi32>
        tpu.vector_store_idx %arg7[%add3A_233], %gather3A_232 : memref<16384xf32, #tpu.memory_space<vmem>>[vector<16xi32>], vector<16xf32>,
      }
      %scan3A_189 = arith.constant 64 : i32
      %mul3A_190 = arith.constant 16384 : i32
      %mul3A_191 = arith.muli %add3A_171, %mul3A_190 : i32
      %dma_start3A_192 = tpu.memref_slice %arg4[%mul3A_191] : memref<64000000xf32, #tpu.memory_space<hbm>> -> memref<16384xf32, #tpu.memory_space<hbm>>
      %dma_start3A_193 = tpu.memref_slice %arg4[%mul3A_191] : memref<64000000xf32, #tpu.memory_space<hbm>> -> memref<16384xf32, #tpu.memory_space<hbm>>
      tpu.enqueue_dma source(%arg7 : memref<16384xf32, #tpu.memory_space<vmem>>) target(%dma_start3A_193 : memref<16384xf32, #tpu.memory_space<hbm>>) target_semaphore(%arg12 : memref<!tpu.dma_semaphore, #tpu.memory_space<semaphore_mem>>)
      %dma_wait3A_194 = arith.constant 0 : i32
      %dma_wait3A_195 = tpu.memref_slice %arg4[%dma_wait3A_194] : memref<64000000xf32, #tpu.memory_space<hbm>> -> memref<16384xf32, #tpu.memory_space<hbm>>
      %dma_wait3A_196 = arith.constant 0 : i32
      %dma_wait3A_197 = tpu.memref_slice %arg4[%dma_wait3A_196] : memref<64000000xf32, #tpu.memory_space<hbm>> -> memref<16384xf32, #tpu.memory_space<hbm>>
      tpu.wait_dma2 semaphore(%arg12 : memref<!tpu.dma_semaphore, #tpu.memory_space<semaphore_mem>>) src(%arg7 : memref<16384xf32, #tpu.memory_space<vmem>>) dst(%dma_wait3A_197 : memref<16384xf32, #tpu.memory_space<hbm>>)
    } else {
    }
    %eq3A = arith.constant 31 : i32
    %eq3A_166 = arith.cmpi eq, %add3A, %eq3A : i32
    %convert_element_type3A_167 = arith.extui %eq3A_166 : i1 to i32
    %cond3A_168 = arith.constant 0 : i32
    %cond3A_169 = arith.cmpi ne, %convert_element_type3A_167, %cond3A_168 : i32
    scf.if %cond3A_169 {
      "tpu.region"() ({
        %run_scoped3A = tpu.sem_alloc : memref<!tpu.dma_semaphore, #tpu.memory_space<semaphore_mem>>
        tpu.enqueue_dma source(%arg3 : memref<4096xf32, #tpu.memory_space<hbm>>) target(%arg9 : memref<4096xf32, #tpu.memory_space<vmem>>) target_semaphore(%run_scoped3A : memref<!tpu.dma_semaphore, #tpu.memory_space<semaphore_mem>>)
        tpu.wait_dma2 semaphore(%run_scoped3A : memref<!tpu.dma_semaphore, #tpu.memory_space<semaphore_mem>>) src(%arg3 : memref<4096xf32, #tpu.memory_space<hbm>>) dst(%arg9 : memref<4096xf32, #tpu.memory_space<vmem>>)
        tpu.yield
      }) : () -> ()
      "tpu.region"() ({
        %run_scoped3A = tpu.sem_alloc : memref<!tpu.dma_semaphore, #tpu.memory_space<semaphore_mem>>
        %dma_start3A_170 = arith.constant 63995904 : i32
        %dma_start3A_171 = tpu.memref_slice %arg4[%dma_start3A_170] : memref<64000000xf32, #tpu.memory_space<hbm>> -> memref<4096xf32, #tpu.memory_space<hbm>>
        %dma_start3A_172 = arith.constant 63995904 : i32
        %dma_start3A_173 = tpu.memref_slice %arg4[%dma_start3A_172] : memref<64000000xf32, #tpu.memory_space<hbm>> -> memref<4096xf32, #tpu.memory_space<hbm>>
        tpu.enqueue_dma source(%arg9 : memref<4096xf32, #tpu.memory_space<vmem>>) target(%dma_start3A_173 : memref<4096xf32, #tpu.memory_space<hbm>>) target_semaphore(%run_scoped3A : memref<!tpu.dma_semaphore, #tpu.memory_space<semaphore_mem>>)
        %dma_wait3A_174 = arith.constant 63995904 : i32
        %dma_wait3A_175 = tpu.memref_slice %arg4[%dma_wait3A_174] : memref<64000000xf32, #tpu.memory_space<hbm>> -> memref<4096xf32, #tpu.memory_space<hbm>>
        %dma_wait3A_176 = arith.constant 63995904 : i32
        %dma_wait3A_177 = tpu.memref_slice %arg4[%dma_wait3A_176] : memref<64000000xf32, #tpu.memory_space<hbm>> -> memref<4096xf32, #tpu.memory_space<hbm>>
        tpu.wait_dma2 semaphore(%run_scoped3A : memref<!tpu.dma_semaphore, #tpu.memory_space<semaphore_mem>>) src(%arg9 : memref<4096xf32, #tpu.memory_space<vmem>>) dst(%dma_wait3A_177 : memref<4096xf32, #tpu.memory_space<hbm>>)
        tpu.yield
      }) : () -> ()
    } else {
    }
    return
  }
}

</mosaic_0001>

<sc_bundles>
// kernel: kernel.4.cloned.1.call-start
scs
__scs_entry_jumppad:
0x0: {  	(pc) =	sbr.rel $0x88, $3  }
0x1: {  	(tag) =	ssettag $0x0;
	lr =	simm.s32 $0x1  }
0x2: {  	[smem:$0x3F9F] =	sst lr;
	_ =	strace $0xD0000000  }
0x3: {  	_ = 	snop  }
0x4: {  	_ = 	snop  }
0x5: {  	_ = 	snop  }
0x6: {  	_ = 	snop  }
0x7: {  	_ = 	snop  }
__scs_overlays_trampoline_lowered:
0x8: {  	[smem:$0x3FAE] =	sst s0  }
0x9: {  	[smem:$0x3FAF] =	sst s1  }
0xa: {  	[smem:$0x3FB0] =	sst s2  }
0xb: {  	[smem:$0x3FB1] =	sst s3  }
0xc: {  	[smem:$0x3FB2] =	sst s4  }
0xd: {  	[smem:$0x3FB3] =	sst s5  }
0xe: {  	[smem:$0x3FB4] =	sst s6  }
0xf: {  	[smem:$0x3FB5] =	sst s7  }
0x10: {  	[smem:$0x3FB6] =	sst s8  }
0x11: {  	[smem:$0x3FB7] =	sst s9;
	s0 =	simm.s32 @!p0 $0x0  }
0x12: {  	s1 =	sld [smem:$0x3F9D];
	s0 =	simm.s32 @p0 $0x1  }
0x13: {  	[smem:$0x3FB8] =	sst s0;
	s0 =	simm.s32 @!p1 $0x0  }
0x14: {  	s2 =	sld [smem:$0x3F9C];
	s0 =	simm.s32 @p1 $0x1  }
0x15: {  	[smem:$0x3FB9] =	sst s0;
	s0 =	simm.s32 @!p2 $0x0  }
0x16: {  	s3 =	sld [smem:$0x3FDB];
	s0 =	simm.s32 @p2 $0x1  }
0x17: {  	s4 =	simm.s32 $0x1BF5;
	[smem:$0x3FBB] =	sst s0  }
0x18: {  	s0 =	sld [smem:$0x3F9E];
	_ =	swait.ge [sflag:s4], $0x0  }
0x19: {  	s7 =	sld [smem:$0x3F9F]  }
0x1a: {  	s8 =	sadd.s32 $0xFFFFE003, lr  }
0x1b: {  	s9 =	sadd.s32 $0xFFFFFEF7, lr;
	s5 =	simm.s32 $0xFFFFFFFF;
	p2 =	slt.u32 s8, $0xFFFFF086  }
0x1c: {  	p1 =	slt.u32 s9, $0xF7A;
	s5 =	simm.s32 @!p2 $0x0  }
0x1d: {  	s5 =	simm.s32 @p1 $0x1;
	p0 =	seq.s32 s7, s2  }
0x1e: {  	s7 =	smul.u32 @!p0 $0xF7A, s2;
	p2 =	seq.s32 @!p0 s5, $0x0  }
0x1f: {  	s9 =	smul.u32 $0xF7A, s1;
	s8 =	simm.s32 @!p0 $0x1BF5;
	p2 =	por !p2, p0  }
0x20: {  	[sflag:s8] =	ssyncset.s32 @!p0 $0xFFFFF086;
	s6 =	sadd.s32 @!p0 s3, s7;
	s7 =	simm.s32 @!p0 $0x108  }
0x21: {  	s3 =	sadd.s32 s3, s9;
	s6 =	sadd.s32 @!p0 $0x88, s6;
	s7 =	simm.s32 @p2 $0x1082  }
0x22: {  	[simem:s7], [sflag:s8] =	dma.local @!p0 [hbm:s6], $0xF7A  }
0x23: {  	s9 =	sor.u32 $0xD0000000, s2;
	s6 =	simm.s32 $0x108;
	_ =	swait.ge @!p0 [sflag:s8], $0x0  }
0x24: {  	s3 =	sadd.s32 $0x88, s3;
	s6 =	simm.s32 @!p1 $0x1082;
	[sflag:s4] =	ssyncset.s32 $0xFFFFF086  }
0x25: {  	[simem:s6], [sflag:s4] =	dma.local [hbm:s3], $0xF7A  }
0x26: {  	[smem:$0x3F9F] =	sst s1;
	(tag) =	ssettag s2;
	_ =	strace s9  }
0x27: {  	s1 =	sld [smem:$0x3FAF]  }
0x28: {  	s2 =	sld [smem:$0x3FB0]  }
0x29: {  	s4 =	sld [smem:$0x3FB2]  }
0x2a: {  	p0 =	seq.s32 s5, $0x0;
	s5 =	sld [smem:$0x3FB3]  }
0x2b: {  	s6 =	sld [smem:$0x3FB4]  }
0x2c: {  	s7 =	sld [smem:$0x3FB5]  }
0x2d: {  	s3 =	simm.s32 $0x108;
	s8 =	sld [smem:$0x3FB6]  }
0x2e: {  	s3 =	simm.s32 @!p0 $0x1082;
	s9 =	sld [smem:$0x3FB7]  }
0x2f: {  	lr =	sadd.s32 s0, s3;
	s0 =	sld [smem:$0x3FAE]  }
0x30: {  	s3 =	sld [smem:$0x3FB1]  }
0x31: {  	[smem:$0x3FBA] =	sst s10  }
0x32: {  	s10 =	sld [smem:$0x3FB8];
	_ =	sdelay $0x3  }
0x33: {  	p0 =	seq.s32 s10, $0x1;
	s10 =	sld [smem:$0x3FBA];
	_ =	sdelay $0x3  }
0x34: {  	[smem:$0x3FBA] =	sst s10  }
0x35: {  	s10 =	sld [smem:$0x3FB9];
	_ =	sdelay $0x3  }
0x36: {  	p1 =	seq.s32 s10, $0x1;
	s10 =	sld [smem:$0x3FBA];
	_ =	sdelay $0x3  }
0x37: {  	[smem:$0x3FBA] =	sst s10  }
0x38: {  	s10 =	sld [smem:$0x3FBB]  }
0x39: {  	_ = 	snop;
	(pc) =	sbr.ind lr, $3  }
0x3a: {  	_ = 	snop  }
0x3b: {  	_ = 	snop  }
0x3c: {  	p2 =	seq.s32 s10, $0x1;
	s10 =	sld [smem:$0x3FBA]  }
0x3d: {  	_ =	shalt  }
0x3e: {  	_ =	shalt  }
0x3f: {  	_ =	shalt  }
0x40: {  	_ =	shalt  }
0x41: {  	_ =	shalt  }
0x42: {  	_ =	shalt  }
0x43: {  	_ =	shalt  }
0x44: {  	_ =	shalt  }
0x45: {  	_ =	shalt  }
0x46: {  	_ =	shalt  }
0x47: {  	_ =	shalt  }
0x48: {  	_ =	shalt  }
0x49: {  	_ =	shalt  }
0x4a: {  	_ =	shalt  }
0x4b: {  	_ =	shalt  }
0x4c: {  	_ =	shalt  }
0x4d: {  	_ =	shalt  }
0x4e: {  	_ =	shalt  }
0x4f: {  	_ =	shalt  }
0x50: {  	_ =	shalt  }
0x51: {  	_ =	shalt  }
0x52: {  	_ =	shalt  }
0x53: {  	_ =	shalt  }
0x54: {  	_ =	shalt  }
0x55: {  	_ =	shalt  }
0x56: {  	_ =	shalt  }
0x57: {  	_ =	shalt  }
0x58: {  	_ =	shalt  }
0x59: {  	_ =	shalt  }
0x5a: {  	_ =	shalt  }
0x5b: {  	_ =	shalt  }
0x5c: {  	_ =	shalt  }
0x5d: {  	_ =	shalt  }
0x5e: {  	_ =	shalt  }
0x5f: {  	_ =	shalt  }
0x60: {  	_ =	shalt  }
0x61: {  	_ =	shalt  }
0x62: {  	_ =	shalt  }
0x63: {  	_ =	shalt  }
0x64: {  	_ =	shalt  }
0x65: {  	_ =	shalt  }
0x66: {  	_ =	shalt  }
0x67: {  	_ =	shalt  }
0x68: {  	_ =	shalt  }
0x69: {  	_ =	shalt  }
0x6a: {  	_ =	shalt  }
0x6b: {  	_ =	shalt  }
0x6c: {  	_ =	shalt  }
0x6d: {  	_ =	shalt  }
0x6e: {  	_ =	shalt  }
0x6f: {  	_ =	shalt  }
0x70: {  	_ =	shalt  }
0x71: {  	_ =	shalt  }
0x72: {  	_ =	shalt  }
0x73: {  	_ =	shalt  }
0x74: {  	_ =	shalt  }
0x75: {  	_ =	shalt  }
0x76: {  	_ =	shalt  }
0x77: {  	_ =	shalt  }
0x78: {  	_ =	shalt  }
0x79: {  	_ =	shalt  }
0x7a: {  	_ =	shalt  }
0x7b: {  	_ =	shalt  }
0x7c: {  	_ =	shalt  }
0x7d: {  	_ =	shalt  }
0x7e: {  	_ =	shalt  }
0x7f: {  	_ =	shalt  }
0x80: {  	_ =	shalt  }
0x81: {  	_ =	shalt  }
0x82: {  	_ =	shalt  }
0x83: {  	_ =	shalt  }
0x84: {  	_ =	shalt  }
0x85: {  	_ =	shalt  }
0x86: {  	_ =	shalt  }
0x87: {  	_ =	shalt  }
.Lfunc_end0:
.L_simem_size_0:
called_computation_lowered:
.L_overlay_start_0:
0x88: {  	s2 =	sld [smem:$0x3FD9]  }
0x89: {  	s3 =	sld [smem:$0x3FFE];
	_ =	sdelay $0x1  }
0x8a: {  	s1 =	srdreg.scid  }
0x8b: {  	s0 =	sand.u32 $0x1, s1  }
0x8c: {  	s17 =	sshll.u32 s0, $0xA;
	s2 =	sadd.s32 s3, s2  }
0x8d: {  	s2 =	sadd.s32 s2, s17  }
0x8e: {  	[smem:$0x3FC6] =	sst s2  }
0x8f: {  	_ = 	snop  }
0x90: {  	s2 =	sld [smem:$0x3FC8]  }
0x91: {  	s18 =	sld [smem:$0x3FD0];
	(tm) =	ssettm $0x1  }
0x92: {  	s4 =	sld [smem:$0x3FFB];
	_ =	sdelay $0x3  }
0x93: {  	_ =	strace s4  }
0x94: {  	s4 =	sld [smem:$0x3FFC];
	_ =	sdelay $0x3  }
0x95: {  	_ =	strace s4  }
0x96: {  	s4 =	sld [smem:$0x3FFD];
	_ =	sdelay $0x3  }
0x97: {  	_ =	strace s4  }
0x98: {  	_ =	strace $0x8FFFFFFF  }
0x99: {  	s19 =	sld [smem:$0x3FDB];
	_ =	sdelay $0x1  }
0x9a: {  	s5 =	simm.s32 $_scs_section_size  }
0x9b: {  	s6 =	simm.s32 $_size__tile_overlayer_lowered;
	s7 =	simm.s32 $_tile_overlayer_lowered  }
0x9c: {  	s22 =	simm.s32 $0x1BFF;
	s21 =	sshll.u32 s7, $0x1;
	s4 =	sadd.s32 s5, s19  }
0x9d: {  	s8 =	simm.s32 $0x0;
	s20 =	sshll.u32 s6, $0x1;
	s6 =	sadd.s32 s21, s4  }
0x9e: {  	[timem:s8], [sflag:s22] =	dma.local [hbm:s6], s20  }
0x9f: {  	_ =	swait.ge [sflag:s22], s20  }
0xa0: {  	s5 =	ssub.s32 $0x0, s20;
	[sflag:s22] =	ssyncset.done $0x0  }
0xa1: {  	[sflag:s22] =	ssyncadd.s32 s5;
	_ =	sdelay $0x1  }
0xa2: {  	s23 =	simm.s32 $0x1B8B  }
0xa3: {  	_ =	swait.ge [sflag:s23], $0x1  }
0xa4: {  	[sflag:s23] =	ssyncset.done $0x0  }
0xa5: {  	s25 =	simm.s32 $0x1B8E;
	s24 =	sld [smem:$0x3FFE];
	[sflag:s23] =	ssyncadd.s32 $0xFFFFFFFF  }
0xa6: {  	s26 =	simm.s32 $execute0_lowered;
	[smem:$0x3FD2] =	sst s25  }
0xa7: {  	s6 =	sshll.u32 s26, $0x1;
	_ =	strace $0x80000046;
	[dreg:$0x1] =	wrdreg $0xFFFFFFFF  }
0xa8: {  	s28 =	simm.s32 $_size_execute0_lowered;
	s4 =	sadd.s32 s4, s6;
	[dreg:$0x0] =	wrdreg $0x0  }
0xa9: {  	s6 =	sshll.u32 s28, $0x1;
	[dreg:$0x2] =	wrdreg s4  }
0xaa: {  	[dreg:$0x3] =	wrdreg s6  }
0xab: {  	[dreg:$0x4] =	wrdreg $0xC0  }
0xac: {  	_ =	task [dreg:s8], $0x5FFFF  }
0xad: {  	[dreg:$0x1] =	wrdreg $0xFFFFFFFF  }
0xae: {  	[dreg:$0x0] =	wrdreg $0x60  }
0xaf: {  	[dreg:$0x2] =	wrdreg s2  }
0xb0: {  	[dreg:$0x3] =	wrdreg s18  }
0xb1: {  	[dreg:$0x4] =	wrdreg s24  }
0xb2: {  	[dreg:$0x5] =	wrdreg $0x9  }
0xb3: {  	_ =	task.clear_ibuf [dreg:s8], $0x6FFFF;
	_ =	strace $0x90000046  }
0xb4: {  	s29 =	simm.s32 $0x9;
	_ =	strace $0x80000048  }
0xb5: {  	_ =	swait.ge [sflag:s29], $0x1  }
0xb6: {  	[sflag:s29] =	ssyncadd.s32 $0xFFFFFFFF  }
0xb7: {  	_ =	strace $0x90000048  }
0xb8: {  	_ =	sfence  }
0xb9: {  	s30 =	sld [smem:$0x0];
	_ =	sdelay $0x2  }
0xba: {  	s31 =	sshll.u32 s1, $0xD;
	s1 =	sshrl.u32 s1, $0x2  }
0xbb: {  	s3 =	sand.u32 $0x4000, s31;
	s1 =	sadd.s32 s1, s30  }
0xbc: {  	s0 =	sor.u32 s3, s0;
	s1 =	sshll.u32 s1, $0x11  }
0xbd: {  	s0 =	sor.u32 s1, s0  }
0xbe: {  	s0 =	sadd.s32 $0x8F2B, s0  }
0xbf: {  	[sflag:s0] =	ssyncadd.remote.s32 $0x1  }
0xc0: {  	_ =	sfence.sel $0xFFFF  }
0xc1: {  	[dreg:$0x0] =	wrdreg $0xFFFFFFFF;
	(pc) =	sbr.abs _section_cstart, $3  }
0xc2: {  	[dreg:$0x1] =	wrdreg $0xFFFFFFFF  }
0xc3: {  	_ =	task.clear_ibuf [dreg:s8], $0x2FFFF;
	_ =	strace $0x9FFFFFFF  }
0xc4: {  	(tm) =	ssettm $0x7FFFFFFF  }
0xc5: {  	_ =	shalt  }
tec
execute0_lowered:
.L_overlay_start_1:
0x0: {  	(tag) =	ssettag $0x1  }
0x1: {  	s7 =	rddreg [dreg:$0x0]  }
0x2: {  	s1 =	rddreg [dreg:$0x1]  }
0x3: {  	s9 =	rddreg [dreg:$0x2]  }
0x4: {  	s0 =	rddreg [dreg:$0x3]  }
0x5: {  	v0 =	vlaneseq.u32;
	s3 =	srdreg.scid;
	s19 =	stileid.u32;
	s2 =	simm.s32 $0x0  }
0x6: {  	s12 =	simm.s32 $0x7A1400;
	s13 =	simm.s32 $0x4000;
	s14 =	simm.s32 $0x1;
	v1 =	vmul.u32 $0x40, v0  }
0x7: {  	s15 =	simm.s32 $0x8000;
	s16 =	simm.s32 $0x2;
	s17 =	simm.s32 $0x4;
	v2 =	vor.u32 $0x10, v0;
	v4 =	vor.u32 $0x20, v0;
	v6 =	vor.u32 $0x30, v0  }
0x8: {  	s18 =	simm.s32 $0xC000;
	s4 =	sand.u32 $0x1, s3;
	[smem:$0x7FF] =	sst s2;
	v8 =	vor.u32 $0x40, v0;
	v10 =	vor.u32 $0x50, v0;
	v12 =	vor.u32 $0x60, v0  }
0x9: {  	s29 =	sshll.u32 s19, $0x1;
	s3 =	sadd.s32 $0xA00, s9;
	v14 =	vor.u32 $0x70, v0;
	v16 =	vor.u32 $0x400, v0;
	s9 =	sadd.s32 $0x7A1A00, s9;
	v18 =	vor.u32 $0x410, v0  }
0xa: {  	v20 =	vor.u32 $0x420, v0;
	v22 =	vor.u32 $0x430, v0;
	v24 =	vor.u32 $0x440, v0;
	p0 =	sne.s32 s19, $0x0;
	s19 =	simm.s32 $0x3;
	s20 =	sor.u32 s4, s29  }
0xb: {  	v26 =	vor.u32 $0x450, v0;
	v28 =	vor.u32 $0x460, v0;
	v30 =	vor.u32 $0x470, v0;
	s5 =	ssub.s32 $0x2, s4;
	_ =	strace $0x80000047;
	s8 =	smul.u32 $0x7A00, s20  }
.Ltmp0:
0xc: {  	s10 =	sor.u32 $0xF40, s4;
	v3 =	vor.u32 $0x400, v1;
	s6 =	sshrl.u32 s5, $0x1;
	v5 =	vor.u32 $0x800, v1;
	v7 =	vor.u32 $0xC00, v1;
	(pc) =	sbr.rel .LBB2_1-.Ltmp0, $4  }
0xd: {  	v9 =	vor.u32 $0x1000, v1;
	s4 =	smul.u32 $0x7A, s20;
	s30 =	sshll.u32 s10, $0x8;
	v11 =	vor.u32 $0x1400, v1;
	v13 =	vor.u32 $0x1800, v1;
	s31 =	sshll.u32 s10, $0xB  }
0xe: {  	v15 =	vor.u32 $0x1C00, v1;
	s10 =	simm.s32 $0x800;
	v17 =	vor.u32 $0x2000, v1;
	v19 =	vor.u32 $0x2400, v1;
	p1 =	sne.s32 s20, $0x1F;
	s20 =	simm.s32 $0x0  }
0xf: {  	v21 =	vor.u32 $0x2800, v1;
	v23 =	vor.u32 $0x2C00, v1;
	v25 =	vor.u32 $0x3000, v1;
	s11 =	ssub.s32 s5, s6;
	s6 =	sadd.s32 $0x100, s7;
	s5 =	sadd.s32 s7, s8  }
0x10: {  	v27 =	vor.u32 $0x3400, v1;
	v29 =	vor.u32 $0x3800, v1;
	v31 =	vor.u32 $0x3C00, v1;
	s7 =	sadd.s32 s7, s30;
	s8 =	sadd.s32 s3, s31;
	s11 =	smax.u32 s11, $0x1  }
.LBB2_15:
0x11: {  	s21 =	simm.s32 @!p1 $0x0;
	s22 =	simm.s32 @!p1 $0x10000;
	s23 =	simm.s32 @!p1 $0x5  }
0x12: {  	[tilespmem:s22], [sflag:$0x5] =	stream.linear.gather @!p1 [hbm4b:s1+s21], $0x1000, $0x38;
	[tilespmem:$0x11000] =	vst v63  }
0x13: {  	s20 =	sadd.s32 $0x1, s20;
	_ =	swait.ge @!p1 [sflag:s23], $0x1000  }
0x14: {  	p2 =	sne.s32 s20, s11;
	[sflag:s23] =	ssyncset.done @!p1 $0x0  }
.Ltmp1:
0x15: {  	[sflag:s23] =	ssyncadd.s32 @!p1 $0xFFFFF000;
	(pc) =	sbr.rel @!p2 .LBB2_16-.Ltmp1, $4  }
0x16: {  	[hbm4b:s9+s21] =	stream.linear.scatter @!p1 [tilespmem:s22], [sflag:$0x5], $0x1000, $0x38;
	[tilespmem:$0x11000] =	vst v63  }
0x17: {  	_ =	swait.ge @!p1 [sflag:s23], $0x1000  }
0x18: {  	[sflag:s23] =	ssyncset.done @!p1 $0x0  }
0x19: {  	[sflag:s23] =	ssyncadd.s32 @!p1 $0xFFFFF000  }
.LBB2_1:
0x1a: {  	[tilespmem:s2], [sflag:$0x1] =	stream.strided.gather [hbm4b:s5+s10], $0x4000, s12, s10, $0x38;
	[tilespmem:$0x11000] =	vst v63  }
0x1b: {  	s21 =	simm.s32 $0x0  }
.LBB2_2:
0x1c: {  	s22 =	sshll.u32 s21, $0x1  }
0x1d: {  	s29 =	simm.s32 $0x0;
	s23 =	sadd.s32 s4, s22  }
0x1e: {  	v32 =	vadd.s32 s29, v0;
	s24 =	sshll.u32 s23, $0x8  }
0x1f: {  	v33 =	vshll.u32 v32, $0x8;
	v34 =	vshll.u32 v32, $0x7;
	s30 =	sadd.s32 s24, s6  }
0x20: {  	v33 =	vand.u32 $0x3800, v33;
	v34 =	vand.u32 $0x380, v34;
	[tilespmem:s13], [sflag:$0x2] =	stream.strided.gather [hbm4b:s30+s10], $0x4000, s12, s10, $0x38;
	[tilespmem:$0x11000] =	vst v63  }
0x21: {  	v33 =	vor.u32 v34, v33;
	_ =	swait.ge [sflag:s14], $0x4000  }
0x22: {  	p2 =	seq.s32 s21, $0x0;
	v34 =	vor.u32 v0, v33;
	[sflag:s14] =	ssyncset.done $0x0  }
0x23: {  	s22 =	simm.s32 @!p2 $0x3;
	[sflag:s14] =	ssyncadd.s32 $0xFFFFC000  }
0x24: {  	_ =	swait.ge @!p2 [sflag:s22], $0x4000  }
0x25: {  	[sflag:s22] =	ssyncset.done @!p2 $0x0  }
0x26: {  	v32 =	vand.u32 $0x3F, v32;
	[sflag:s22] =	ssyncadd.s32 @!p2 $0xFFFFC000  }
0x27: {  	v35 =	vor.u32 v1, v32;
	v34 =	vld.idx.msk [tilespmem:v34+s2+$0x0], $0xffff  }
0x28: {  	v36 =	vor.u32 v2, v33;
	_ =	sdelay $0x3  }
0x29: {  	[tilespmem:v35+s15+$0x0] =	vst.idx.msk $0xffff, v34  }
0x2a: {  	v62 =	vor.u32 v3, v32;
	v34 =	vld.idx.msk [tilespmem:v36+s2+$0x0], $0xffff  }
0x2b: {  	v63 =	vor.u32 v4, v33;
	_ =	sdelay $0x3  }
0x2c: {  	[tilespmem:v62+s15+$0x0] =	vst.idx.msk $0xffff, v34  }
0x2d: {  	v40 =	vor.u32 v5, v32;
	v34 =	vld.idx.msk [tilespmem:v63+s2+$0x0], $0xffff  }
0x2e: {  	v41 =	vor.u32 v6, v33;
	_ =	sdelay $0x3  }
0x2f: {  	[tilespmem:v40+s15+$0x0] =	vst.idx.msk $0xffff, v34  }
0x30: {  	v42 =	vor.u32 v7, v32;
	v34 =	vld.idx.msk [tilespmem:v41+s2+$0x0], $0xffff  }
0x31: {  	v43 =	vor.u32 v8, v33;
	_ =	sdelay $0x3  }
0x32: {  	[tilespmem:v42+s15+$0x0] =	vst.idx.msk $0xffff, v34  }
0x33: {  	v44 =	vor.u32 v9, v32;
	v34 =	vld.idx.msk [tilespmem:v43+s2+$0x0], $0xffff  }
0x34: {  	v45 =	vor.u32 v10, v33;
	_ =	sdelay $0x3  }
0x35: {  	[tilespmem:v44+s15+$0x0] =	vst.idx.msk $0xffff, v34  }
0x36: {  	v46 =	vor.u32 v11, v32;
	v34 =	vld.idx.msk [tilespmem:v45+s2+$0x0], $0xffff  }
0x37: {  	v47 =	vor.u32 v12, v33;
	_ =	sdelay $0x3  }
0x38: {  	[tilespmem:v46+s15+$0x0] =	vst.idx.msk $0xffff, v34  }
0x39: {  	v48 =	vor.u32 v13, v32;
	v34 =	vld.idx.msk [tilespmem:v47+s2+$0x0], $0xffff  }
0x3a: {  	v49 =	vor.u32 v14, v33;
	_ =	sdelay $0x3  }
0x3b: {  	[tilespmem:v48+s15+$0x0] =	vst.idx.msk $0xffff, v34  }
0x3c: {  	v50 =	vor.u32 v15, v32;
	v34 =	vld.idx.msk [tilespmem:v49+s2+$0x0], $0xffff  }
0x3d: {  	v51 =	vor.u32 v16, v33;
	_ =	sdelay $0x3  }
0x3e: {  	[tilespmem:v50+s15+$0x0] =	vst.idx.msk $0xffff, v34  }
0x3f: {  	v52 =	vor.u32 v17, v32;
	v34 =	vld.idx.msk [tilespmem:v51+s2+$0x0], $0xffff  }
0x40: {  	v53 =	vor.u32 v18, v33;
	_ =	sdelay $0x3  }
0x41: {  	[tilespmem:v52+s15+$0x0] =	vst.idx.msk $0xffff, v34  }
0x42: {  	v54 =	vor.u32 v19, v32;
	v34 =	vld.idx.msk [tilespmem:v53+s2+$0x0], $0xffff  }
0x43: {  	v55 =	vor.u32 v20, v33;
	_ =	sdelay $0x3  }
0x44: {  	[tilespmem:v54+s15+$0x0] =	vst.idx.msk $0xffff, v34  }
0x45: {  	v56 =	vor.u32 v21, v32;
	v34 =	vld.idx.msk [tilespmem:v55+s2+$0x0], $0xffff  }
0x46: {  	v57 =	vor.u32 v22, v33;
	_ =	sdelay $0x3  }
0x47: {  	[tilespmem:v56+s15+$0x0] =	vst.idx.msk $0xffff, v34  }
0x48: {  	v58 =	vor.u32 v23, v32;
	v34 =	vld.idx.msk [tilespmem:v57+s2+$0x0], $0xffff  }
0x49: {  	v59 =	vor.u32 v24, v33;
	_ =	sdelay $0x3  }
0x4a: {  	[tilespmem:v58+s15+$0x0] =	vst.idx.msk $0xffff, v34  }
0x4b: {  	v60 =	vor.u32 v25, v32;
	v34 =	vld.idx.msk [tilespmem:v59+s2+$0x0], $0xffff  }
0x4c: {  	v61 =	vor.u32 v26, v33;
	_ =	sdelay $0x3  }
0x4d: {  	[tilespmem:v60+s15+$0x0] =	vst.idx.msk $0xffff, v34  }
0x4e: {  	v62 =	vor.u32 v27, v32;
	v34 =	vld.idx.msk [tilespmem:v61+s2+$0x0], $0xffff  }
0x4f: {  	v63 =	vor.u32 v28, v33;
	_ =	sdelay $0x3  }
0x50: {  	[tilespmem:v62+s15+$0x0] =	vst.idx.msk $0xffff, v34  }
0x51: {  	v36 =	vor.u32 v29, v32;
	v35 =	vld.idx.msk [tilespmem:v63+s2+$0x0], $0xffff  }
0x52: {  	v33 =	vor.u32 v30, v33;
	_ =	sdelay $0x1  }
0x53: {  	s31 =	simm.s32 $0x1  }
0x54: {  	s24 =	simm.s32 $0x2;
	s22 =	sshllo.u32 s21, $0x1;
	v34 =	vadd.s32 s31, v0  }
.LBB2_3:
0x55: {  	p3 =	sne.s32 s24, $0x3F;
	v37 =	vshll.u32 v34, $0x8;
	v38 =	vshll.u32 v34, $0x7;
	[tilespmem:v36+s15+$0x0] =	vst.idx.msk $0xffff, v35  }
0x56: {  	v35 =	vand.u32 $0x3800, v37;
	v36 =	vand.u32 $0x380, v38;
	v37 =	vld.idx.msk [tilespmem:v33+s2+$0x0], $0xffff  }
0x57: {  	v32 =	vor.u32 v31, v32;
	v33 =	vor.u32 v36, v35  }
0x58: {  	v35 =	vor.u32 v0, v33;
	_ =	sdelay $0x3  }
0x59: {  	[tilespmem:v32+s15+$0x0] =	vst.idx.msk $0xffff, v37  }
0x5a: {  	v32 =	vand.u32 $0x3F, v34;
	v34 =	vld.idx.msk [tilespmem:v35+s2+$0x0], $0xffff  }
0x5b: {  	v35 =	vor.u32 v1, v32  }
0x5c: {  	v36 =	vor.u32 v2, v33;
	_ =	sdelay $0x3  }
0x5d: {  	[tilespmem:v35+s15+$0x0] =	vst.idx.msk $0xffff, v34  }
0x5e: {  	v34 =	vld.idx.msk [tilespmem:v36+s2+$0x0], $0xffff  }
0x5f: {  	v35 =	vor.u32 v3, v32  }
0x60: {  	v36 =	vor.u32 v4, v33;
	_ =	sdelay $0x3  }
0x61: {  	[tilespmem:v35+s15+$0x0] =	vst.idx.msk $0xffff, v34  }
0x62: {  	v34 =	vld.idx.msk [tilespmem:v36+s2+$0x0], $0xffff  }
0x63: {  	v35 =	vor.u32 v5, v32  }
0x64: {  	v36 =	vor.u32 v6, v33;
	_ =	sdelay $0x3  }
0x65: {  	[tilespmem:v35+s15+$0x0] =	vst.idx.msk $0xffff, v34  }
0x66: {  	v34 =	vld.idx.msk [tilespmem:v36+s2+$0x0], $0xffff  }
0x67: {  	v35 =	vor.u32 v7, v32  }
0x68: {  	v36 =	vor.u32 v8, v33;
	_ =	sdelay $0x3  }
0x69: {  	[tilespmem:v35+s15+$0x0] =	vst.idx.msk $0xffff, v34  }
0x6a: {  	v34 =	vld.idx.msk [tilespmem:v36+s2+$0x0], $0xffff  }
0x6b: {  	v35 =	vor.u32 v9, v32  }
0x6c: {  	v36 =	vor.u32 v10, v33;
	_ =	sdelay $0x3  }
0x6d: {  	[tilespmem:v35+s15+$0x0] =	vst.idx.msk $0xffff, v34  }
0x6e: {  	v34 =	vld.idx.msk [tilespmem:v36+s2+$0x0], $0xffff  }
0x6f: {  	v35 =	vor.u32 v11, v32  }
0x70: {  	v36 =	vor.u32 v12, v33;
	_ =	sdelay $0x3  }
0x71: {  	[tilespmem:v35+s15+$0x0] =	vst.idx.msk $0xffff, v34  }
0x72: {  	v34 =	vld.idx.msk [tilespmem:v36+s2+$0x0], $0xffff  }
0x73: {  	v35 =	vor.u32 v13, v32  }
0x74: {  	v36 =	vor.u32 v14, v33;
	_ =	sdelay $0x3  }
0x75: {  	[tilespmem:v35+s15+$0x0] =	vst.idx.msk $0xffff, v34  }
0x76: {  	v34 =	vld.idx.msk [tilespmem:v36+s2+$0x0], $0xffff  }
0x77: {  	v35 =	vor.u32 v15, v32  }
0x78: {  	v36 =	vor.u32 v16, v33;
	_ =	sdelay $0x3  }
0x79: {  	[tilespmem:v35+s15+$0x0] =	vst.idx.msk $0xffff, v34  }
0x7a: {  	v34 =	vld.idx.msk [tilespmem:v36+s2+$0x0], $0xffff  }
0x7b: {  	v35 =	vor.u32 v17, v32  }
0x7c: {  	v36 =	vor.u32 v18, v33;
	_ =	sdelay $0x3  }
0x7d: {  	[tilespmem:v35+s15+$0x0] =	vst.idx.msk $0xffff, v34  }
0x7e: {  	v34 =	vld.idx.msk [tilespmem:v36+s2+$0x0], $0xffff  }
0x7f: {  	v35 =	vor.u32 v19, v32  }
0x80: {  	v36 =	vor.u32 v20, v33;
	_ =	sdelay $0x3  }
0x81: {  	[tilespmem:v35+s15+$0x0] =	vst.idx.msk $0xffff, v34  }
0x82: {  	v34 =	vld.idx.msk [tilespmem:v36+s2+$0x0], $0xffff  }
0x83: {  	v35 =	vor.u32 v21, v32  }
0x84: {  	v36 =	vor.u32 v22, v33;
	_ =	sdelay $0x3  }
0x85: {  	[tilespmem:v35+s15+$0x0] =	vst.idx.msk $0xffff, v34  }
0x86: {  	v34 =	vld.idx.msk [tilespmem:v36+s2+$0x0], $0xffff  }
0x87: {  	v35 =	vor.u32 v23, v32  }
0x88: {  	v36 =	vor.u32 v24, v33;
	_ =	sdelay $0x3  }
0x89: {  	[tilespmem:v35+s15+$0x0] =	vst.idx.msk $0xffff, v34  }
0x8a: {  	v34 =	vld.idx.msk [tilespmem:v36+s2+$0x0], $0xffff  }
0x8b: {  	v35 =	vor.u32 v25, v32  }
0x8c: {  	v36 =	vor.u32 v26, v33;
	_ =	sdelay $0x3  }
0x8d: {  	[tilespmem:v35+s15+$0x0] =	vst.idx.msk $0xffff, v34  }
0x8e: {  	v34 =	vld.idx.msk [tilespmem:v36+s2+$0x0], $0xffff  }
0x8f: {  	v35 =	vor.u32 v27, v32  }
0x90: {  	v36 =	vor.u32 v28, v33;
	_ =	sdelay $0x3  }
0x91: {  	[tilespmem:v35+s15+$0x0] =	vst.idx.msk $0xffff, v34  }
0x92: {  	v35 =	vld.idx.msk [tilespmem:v36+s2+$0x0], $0xffff  }
.Ltmp2:
0x93: {  	v36 =	vor.u32 v29, v32;
	(pc) =	sbr.rel @p3 .LBB2_3-.Ltmp2, $2  }
0x94: {  	v33 =	vor.u32 v30, v33;
	_ =	sdelay $0x2  }
0x95: {  	v34 =	vadd.s32 s24, v0;
	s24 =	sadd.s32 $0x1, s24  }
0x96: {  	_ =	sdelay $0x2  }
0x97: {  	v37 =	vshll.u32 v34, $0x8;
	v38 =	vshll.u32 v34, $0x7  }
0x98: {  	[tilespmem:v36+s15+$0x0] =	vst.idx.msk $0xffff, v35;
	v58 =	vand.u32 $0x3800, v37;
	v59 =	vand.u32 $0x380, v38  }
0x99: {  	v32 =	vor.u32 v31, v32;
	v33 =	vld.idx.msk [tilespmem:v33+s2+$0x0], $0xffff;
	v35 =	vor.u32 v59, v58  }
0x9a: {  	v36 =	vor.u32 v0, v35;
	_ =	sdelay $0x3  }
0x9b: {  	[tilespmem:v32+s15+$0x0] =	vst.idx.msk $0xffff, v33;
	v32 =	vand.u32 $0x3F, v34  }
0x9c: {  	v34 =	vor.u32 v1, v32;
	v33 =	vld.idx.msk [tilespmem:v36+s2+$0x0], $0xffff  }
0x9d: {  	v60 =	vor.u32 v2, v35;
	_ =	sdelay $0x3  }
0x9e: {  	[tilespmem:v34+s15+$0x0] =	vst.idx.msk $0xffff, v33  }
0x9f: {  	v61 =	vor.u32 v3, v32;
	v33 =	vld.idx.msk [tilespmem:v60+s2+$0x0], $0xffff  }
0xa0: {  	v62 =	vor.u32 v4, v35;
	_ =	sdelay $0x3  }
0xa1: {  	[tilespmem:v61+s15+$0x0] =	vst.idx.msk $0xffff, v33  }
0xa2: {  	v63 =	vor.u32 v5, v32;
	v33 =	vld.idx.msk [tilespmem:v62+s2+$0x0], $0xffff  }
0xa3: {  	v40 =	vor.u32 v6, v35;
	_ =	sdelay $0x3  }
0xa4: {  	[tilespmem:v63+s15+$0x0] =	vst.idx.msk $0xffff, v33  }
0xa5: {  	v41 =	vor.u32 v7, v32;
	v33 =	vld.idx.msk [tilespmem:v40+s2+$0x0], $0xffff  }
0xa6: {  	v42 =	vor.u32 v8, v35;
	_ =	sdelay $0x3  }
0xa7: {  	[tilespmem:v41+s15+$0x0] =	vst.idx.msk $0xffff, v33  }
0xa8: {  	v43 =	vor.u32 v9, v32;
	v33 =	vld.idx.msk [tilespmem:v42+s2+$0x0], $0xffff  }
0xa9: {  	v44 =	vor.u32 v10, v35;
	_ =	sdelay $0x3  }
0xaa: {  	[tilespmem:v43+s15+$0x0] =	vst.idx.msk $0xffff, v33  }
0xab: {  	v45 =	vor.u32 v11, v32;
	v33 =	vld.idx.msk [tilespmem:v44+s2+$0x0], $0xffff  }
0xac: {  	v46 =	vor.u32 v12, v35;
	_ =	sdelay $0x3  }
0xad: {  	[tilespmem:v45+s15+$0x0] =	vst.idx.msk $0xffff, v33  }
0xae: {  	v47 =	vor.u32 v13, v32;
	v33 =	vld.idx.msk [tilespmem:v46+s2+$0x0], $0xffff  }
0xaf: {  	v48 =	vor.u32 v14, v35;
	_ =	sdelay $0x3  }
0xb0: {  	[tilespmem:v47+s15+$0x0] =	vst.idx.msk $0xffff, v33  }
0xb1: {  	v49 =	vor.u32 v15, v32;
	v33 =	vld.idx.msk [tilespmem:v48+s2+$0x0], $0xffff  }
0xb2: {  	v50 =	vor.u32 v16, v35;
	_ =	sdelay $0x3  }
0xb3: {  	[tilespmem:v49+s15+$0x0] =	vst.idx.msk $0xffff, v33  }
0xb4: {  	v51 =	vor.u32 v17, v32;
	v33 =	vld.idx.msk [tilespmem:v50+s2+$0x0], $0xffff  }
0xb5: {  	v52 =	vor.u32 v18, v35;
	_ =	sdelay $0x3  }
0xb6: {  	[tilespmem:v51+s15+$0x0] =	vst.idx.msk $0xffff, v33  }
0xb7: {  	v53 =	vor.u32 v19, v32;
	v33 =	vld.idx.msk [tilespmem:v52+s2+$0x0], $0xffff  }
0xb8: {  	v54 =	vor.u32 v20, v35;
	_ =	sdelay $0x3  }
0xb9: {  	[tilespmem:v53+s15+$0x0] =	vst.idx.msk $0xffff, v33  }
0xba: {  	v55 =	vor.u32 v21, v32;
	v33 =	vld.idx.msk [tilespmem:v54+s2+$0x0], $0xffff  }
0xbb: {  	v56 =	vor.u32 v22, v35;
	_ =	sdelay $0x3  }
0xbc: {  	[tilespmem:v55+s15+$0x0] =	vst.idx.msk $0xffff, v33  }
0xbd: {  	v57 =	vor.u32 v23, v32;
	v33 =	vld.idx.msk [tilespmem:v56+s2+$0x0], $0xffff  }
0xbe: {  	v58 =	vor.u32 v24, v35;
	_ =	sdelay $0x3  }
0xbf: {  	[tilespmem:v57+s15+$0x0] =	vst.idx.msk $0xffff, v33  }
0xc0: {  	v59 =	vor.u32 v25, v32;
	v33 =	vld.idx.msk [tilespmem:v58+s2+$0x0], $0xffff  }
0xc1: {  	v60 =	vor.u32 v26, v35;
	_ =	sdelay $0x3  }
0xc2: {  	[tilespmem:v59+s15+$0x0] =	vst.idx.msk $0xffff, v33  }
0xc3: {  	v61 =	vor.u32 v27, v32;
	v33 =	vld.idx.msk [tilespmem:v60+s2+$0x0], $0xffff  }
0xc4: {  	v62 =	vor.u32 v28, v35;
	_ =	sdelay $0x3  }
0xc5: {  	[tilespmem:v61+s15+$0x0] =	vst.idx.msk $0xffff, v33  }
0xc6: {  	v63 =	vor.u32 v29, v32;
	v33 =	vld.idx.msk [tilespmem:v62+s2+$0x0], $0xffff  }
0xc7: {  	v35 =	vor.u32 v30, v35;
	_ =	sdelay $0x3  }
0xc8: {  	[tilespmem:v63+s15+$0x0] =	vst.idx.msk $0xffff, v33  }
0xc9: {  	v32 =	vor.u32 v31, v32;
	v33 =	vld.idx.msk [tilespmem:v35+s2+$0x0], $0xffff  }
0xca: {  	p3 =	sne.s32 s21, $0x3C  }
.Ltmp3:
0xcb: {  	_ = 	snop;
	(pc) =	sbr.rel @p3 .LBB2_6-.Ltmp3, $4  }
0xcc: {  	_ = 	snop  }
0xcd: {  	s23 =	sshll.u32 s23, $0xB  }
0xce: {  	s23 =	sadd.s32 s3, s23;
	[tilespmem:v32+s15+$0x0] =	vst.idx.msk $0xffff, v33  }
0xcf: {  	[hbm4b:s23+s2] =	stream.linear.scatter [tilespmem:s15], [sflag:$0x3], $0x4000, $0x38;
	[tilespmem:$0x11000] =	vst v63  }
.Ltmp4:
0xd0: {  	(pc) =	sbr.rel .LBB2_7-.Ltmp4, $4  }
0xd1: {  	_ = 	snop  }
0xd2: {  	_ =	swait.ge [sflag:s16], $0x4000  }
0xd3: {  	[sflag:s16] =	ssyncset.done $0x0  }
0xd4: {  	[sflag:s16] =	ssyncadd.s32 $0xFFFFC000  }
.LBB2_6:
0xd5: {  	s23 =	sadd.s32 s4, s22  }
0xd6: {  	s23 =	sshll.u32 s23, $0x8  }
.Ltmp5:
0xd7: {  	s23 =	sadd.s32 s23, s6;
	(pc) =	sbr.rel @p2 .LBB2_8-.Ltmp5, $4  }
0xd8: {  	[tilespmem:s2], [sflag:$0x1] =	stream.strided.gather [hbm4b:s23+s10], $0x4000, s12, s10, $0x38;
	[tilespmem:$0x11000] =	vst v63  }
0xd9: {  	_ =	swait.ge [sflag:s16], $0x4000  }
0xda: {  	[sflag:s16] =	ssyncset.done $0x0  }
0xdb: {  	[sflag:s16] =	ssyncadd.s32 $0xFFFFC000  }
.LBB2_7:
0xdc: {  	_ =	swait.ge [sflag:s17], $0x4000  }
0xdd: {  	[sflag:s17] =	ssyncset.done $0x0  }
0xde: {  	[sflag:s17] =	ssyncadd.s32 $0xFFFFC000  }
.LBB2_8:
0xdf: {  	s23 =	simm.s32 $0x0  }
0xe0: {  	v32 =	vadd.s32 s23, v0  }
0xe1: {  	v33 =	vshll.u32 v32, $0x8;
	v34 =	vshll.u32 v32, $0x7  }
0xe2: {  	v33 =	vand.u32 $0x3800, v33;
	v34 =	vand.u32 $0x380, v34  }
0xe3: {  	v33 =	vor.u32 v34, v33  }
0xe4: {  	v34 =	vor.u32 v0, v33;
	_ =	sdelay $0x3  }
0xe5: {  	v32 =	vand.u32 $0x3F, v32  }
0xe6: {  	v35 =	vor.u32 v1, v32;
	v34 =	vld.idx.msk [tilespmem:v34+s13+$0x0], $0xffff  }
0xe7: {  	v36 =	vor.u32 v2, v33;
	_ =	sdelay $0x3  }
0xe8: {  	[tilespmem:v35+s18+$0x0] =	vst.idx.msk $0xffff, v34  }
0xe9: {  	v62 =	vor.u32 v3, v32;
	v34 =	vld.idx.msk [tilespmem:v36+s13+$0x0], $0xffff  }
0xea: {  	v63 =	vor.u32 v4, v33;
	_ =	sdelay $0x3  }
0xeb: {  	[tilespmem:v62+s18+$0x0] =	vst.idx.msk $0xffff, v34  }
0xec: {  	v40 =	vor.u32 v5, v32;
	v34 =	vld.idx.msk [tilespmem:v63+s13+$0x0], $0xffff  }
0xed: {  	v41 =	vor.u32 v6, v33;
	_ =	sdelay $0x3  }
0xee: {  	[tilespmem:v40+s18+$0x0] =	vst.idx.msk $0xffff, v34  }
0xef: {  	v42 =	vor.u32 v7, v32;
	v34 =	vld.idx.msk [tilespmem:v41+s13+$0x0], $0xffff  }
0xf0: {  	v43 =	vor.u32 v8, v33;
	_ =	sdelay $0x3  }
0xf1: {  	[tilespmem:v42+s18+$0x0] =	vst.idx.msk $0xffff, v34  }
0xf2: {  	v44 =	vor.u32 v9, v32;
	v34 =	vld.idx.msk [tilespmem:v43+s13+$0x0], $0xffff  }
0xf3: {  	v45 =	vor.u32 v10, v33;
	_ =	sdelay $0x3  }
0xf4: {  	[tilespmem:v44+s18+$0x0] =	vst.idx.msk $0xffff, v34  }
0xf5: {  	v46 =	vor.u32 v11, v32;
	v34 =	vld.idx.msk [tilespmem:v45+s13+$0x0], $0xffff  }
0xf6: {  	v47 =	vor.u32 v12, v33;
	_ =	sdelay $0x3  }
0xf7: {  	[tilespmem:v46+s18+$0x0] =	vst.idx.msk $0xffff, v34  }
0xf8: {  	v48 =	vor.u32 v13, v32;
	v34 =	vld.idx.msk [tilespmem:v47+s13+$0x0], $0xffff  }
0xf9: {  	v49 =	vor.u32 v14, v33;
	_ =	sdelay $0x3  }
0xfa: {  	[tilespmem:v48+s18+$0x0] =	vst.idx.msk $0xffff, v34  }
0xfb: {  	v50 =	vor.u32 v15, v32;
	v34 =	vld.idx.msk [tilespmem:v49+s13+$0x0], $0xffff  }
0xfc: {  	v51 =	vor.u32 v16, v33;
	_ =	sdelay $0x3  }
0xfd: {  	[tilespmem:v50+s18+$0x0] =	vst.idx.msk $0xffff, v34  }
0xfe: {  	v52 =	vor.u32 v17, v32;
	v34 =	vld.idx.msk [tilespmem:v51+s13+$0x0], $0xffff  }
0xff: {  	v53 =	vor.u32 v18, v33;
	_ =	sdelay $0x3  }
0x100: {  	[tilespmem:v52+s18+$0x0] =	vst.idx.msk $0xffff, v34  }
0x101: {  	v54 =	vor.u32 v19, v32;
	v34 =	vld.idx.msk [tilespmem:v53+s13+$0x0], $0xffff  }
0x102: {  	v55 =	vor.u32 v20, v33;
	_ =	sdelay $0x3  }
0x103: {  	[tilespmem:v54+s18+$0x0] =	vst.idx.msk $0xffff, v34  }
0x104: {  	v56 =	vor.u32 v21, v32;
	v34 =	vld.idx.msk [tilespmem:v55+s13+$0x0], $0xffff  }
0x105: {  	v57 =	vor.u32 v22, v33;
	_ =	sdelay $0x3  }
0x106: {  	[tilespmem:v56+s18+$0x0] =	vst.idx.msk $0xffff, v34  }
0x107: {  	v58 =	vor.u32 v23, v32;
	v34 =	vld.idx.msk [tilespmem:v57+s13+$0x0], $0xffff  }
0x108: {  	v59 =	vor.u32 v24, v33;
	_ =	sdelay $0x3  }
0x109: {  	[tilespmem:v58+s18+$0x0] =	vst.idx.msk $0xffff, v34  }
0x10a: {  	v60 =	vor.u32 v25, v32;
	v34 =	vld.idx.msk [tilespmem:v59+s13+$0x0], $0xffff  }
0x10b: {  	v61 =	vor.u32 v26, v33;
	_ =	sdelay $0x3  }
0x10c: {  	[tilespmem:v60+s18+$0x0] =	vst.idx.msk $0xffff, v34  }
0x10d: {  	v62 =	vor.u32 v27, v32;
	v34 =	vld.idx.msk [tilespmem:v61+s13+$0x0], $0xffff  }
0x10e: {  	v63 =	vor.u32 v28, v33;
	_ =	sdelay $0x3  }
0x10f: {  	[tilespmem:v62+s18+$0x0] =	vst.idx.msk $0xffff, v34  }
0x110: {  	v36 =	vor.u32 v29, v32;
	v35 =	vld.idx.msk [tilespmem:v63+s13+$0x0], $0xffff  }
0x111: {  	v33 =	vor.u32 v30, v33;
	_ =	sdelay $0x1  }
0x112: {  	s31 =	simm.s32 $0x1  }
0x113: {  	s23 =	simm.s32 $0x2;
	v34 =	vadd.s32 s31, v0  }
.LBB2_9:
0x114: {  	p2 =	sne.s32 s23, $0x3F;
	v37 =	vshll.u32 v34, $0x8;
	v38 =	vshll.u32 v34, $0x7;
	[tilespmem:v36+s18+$0x0] =	vst.idx.msk $0xffff, v35  }
0x115: {  	v35 =	vand.u32 $0x3800, v37;
	v36 =	vand.u32 $0x380, v38;
	v37 =	vld.idx.msk [tilespmem:v33+s13+$0x0], $0xffff  }
0x116: {  	v32 =	vor.u32 v31, v32;
	v33 =	vor.u32 v36, v35  }
0x117: {  	v35 =	vor.u32 v0, v33;
	_ =	sdelay $0x3  }
0x118: {  	[tilespmem:v32+s18+$0x0] =	vst.idx.msk $0xffff, v37  }
0x119: {  	v32 =	vand.u32 $0x3F, v34;
	v34 =	vld.idx.msk [tilespmem:v35+s13+$0x0], $0xffff  }
0x11a: {  	v35 =	vor.u32 v1, v32  }
0x11b: {  	v36 =	vor.u32 v2, v33;
	_ =	sdelay $0x3  }
0x11c: {  	[tilespmem:v35+s18+$0x0] =	vst.idx.msk $0xffff, v34  }
0x11d: {  	v34 =	vld.idx.msk [tilespmem:v36+s13+$0x0], $0xffff  }
0x11e: {  	v35 =	vor.u32 v3, v32  }
0x11f: {  	v36 =	vor.u32 v4, v33;
	_ =	sdelay $0x3  }
0x120: {  	[tilespmem:v35+s18+$0x0] =	vst.idx.msk $0xffff, v34  }
0x121: {  	v34 =	vld.idx.msk [tilespmem:v36+s13+$0x0], $0xffff  }
0x122: {  	v35 =	vor.u32 v5, v32  }
0x123: {  	v36 =	vor.u32 v6, v33;
	_ =	sdelay $0x3  }
0x124: {  	[tilespmem:v35+s18+$0x0] =	vst.idx.msk $0xffff, v34  }
0x125: {  	v34 =	vld.idx.msk [tilespmem:v36+s13+$0x0], $0xffff  }
0x126: {  	v35 =	vor.u32 v7, v32  }
0x127: {  	v36 =	vor.u32 v8, v33;
	_ =	sdelay $0x3  }
0x128: {  	[tilespmem:v35+s18+$0x0] =	vst.idx.msk $0xffff, v34  }
0x129: {  	v34 =	vld.idx.msk [tilespmem:v36+s13+$0x0], $0xffff  }
0x12a: {  	v35 =	vor.u32 v9, v32  }
0x12b: {  	v36 =	vor.u32 v10, v33;
	_ =	sdelay $0x3  }
0x12c: {  	[tilespmem:v35+s18+$0x0] =	vst.idx.msk $0xffff, v34  }
0x12d: {  	v34 =	vld.idx.msk [tilespmem:v36+s13+$0x0], $0xffff  }
0x12e: {  	v35 =	vor.u32 v11, v32  }
0x12f: {  	v36 =	vor.u32 v12, v33;
	_ =	sdelay $0x3  }
0x130: {  	[tilespmem:v35+s18+$0x0] =	vst.idx.msk $0xffff, v34  }
0x131: {  	v34 =	vld.idx.msk [tilespmem:v36+s13+$0x0], $0xffff  }
0x132: {  	v35 =	vor.u32 v13, v32  }
0x133: {  	v36 =	vor.u32 v14, v33;
	_ =	sdelay $0x3  }
0x134: {  	[tilespmem:v35+s18+$0x0] =	vst.idx.msk $0xffff, v34  }
0x135: {  	v34 =	vld.idx.msk [tilespmem:v36+s13+$0x0], $0xffff  }
0x136: {  	v35 =	vor.u32 v15, v32  }
0x137: {  	v36 =	vor.u32 v16, v33;
	_ =	sdelay $0x3  }
0x138: {  	[tilespmem:v35+s18+$0x0] =	vst.idx.msk $0xffff, v34  }
0x139: {  	v34 =	vld.idx.msk [tilespmem:v36+s13+$0x0], $0xffff  }
0x13a: {  	v35 =	vor.u32 v17, v32  }
0x13b: {  	v36 =	vor.u32 v18, v33;
	_ =	sdelay $0x3  }
0x13c: {  	[tilespmem:v35+s18+$0x0] =	vst.idx.msk $0xffff, v34  }
0x13d: {  	v34 =	vld.idx.msk [tilespmem:v36+s13+$0x0], $0xffff  }
0x13e: {  	v35 =	vor.u32 v19, v32  }
0x13f: {  	v36 =	vor.u32 v20, v33;
	_ =	sdelay $0x3  }
0x140: {  	[tilespmem:v35+s18+$0x0] =	vst.idx.msk $0xffff, v34  }
0x141: {  	v34 =	vld.idx.msk [tilespmem:v36+s13+$0x0], $0xffff  }
0x142: {  	v35 =	vor.u32 v21, v32  }
0x143: {  	v36 =	vor.u32 v22, v33;
	_ =	sdelay $0x3  }
0x144: {  	[tilespmem:v35+s18+$0x0] =	vst.idx.msk $0xffff, v34  }
0x145: {  	v34 =	vld.idx.msk [tilespmem:v36+s13+$0x0], $0xffff  }
0x146: {  	v35 =	vor.u32 v23, v32  }
0x147: {  	v36 =	vor.u32 v24, v33;
	_ =	sdelay $0x3  }
0x148: {  	[tilespmem:v35+s18+$0x0] =	vst.idx.msk $0xffff, v34  }
0x149: {  	v34 =	vld.idx.msk [tilespmem:v36+s13+$0x0], $0xffff  }
0x14a: {  	v35 =	vor.u32 v25, v32  }
0x14b: {  	v36 =	vor.u32 v26, v33;
	_ =	sdelay $0x3  }
0x14c: {  	[tilespmem:v35+s18+$0x0] =	vst.idx.msk $0xffff, v34  }
0x14d: {  	v34 =	vld.idx.msk [tilespmem:v36+s13+$0x0], $0xffff  }
0x14e: {  	v35 =	vor.u32 v27, v32  }
0x14f: {  	v36 =	vor.u32 v28, v33;
	_ =	sdelay $0x3  }
0x150: {  	[tilespmem:v35+s18+$0x0] =	vst.idx.msk $0xffff, v34  }
0x151: {  	v35 =	vld.idx.msk [tilespmem:v36+s13+$0x0], $0xffff  }
.Ltmp6:
0x152: {  	v36 =	vor.u32 v29, v32;
	(pc) =	sbr.rel @p2 .LBB2_9-.Ltmp6, $2  }
0x153: {  	v33 =	vor.u32 v30, v33;
	_ =	sdelay $0x2  }
0x154: {  	v34 =	vadd.s32 s23, v0;
	s23 =	sadd.s32 $0x1, s23  }
0x155: {  	_ =	sdelay $0x2  }
0x156: {  	v37 =	vshll.u32 v34, $0x8;
	v38 =	vshll.u32 v34, $0x7  }
0x157: {  	[tilespmem:v36+s18+$0x0] =	vst.idx.msk $0xffff, v35;
	v58 =	vand.u32 $0x3800, v37;
	v59 =	vand.u32 $0x380, v38  }
0x158: {  	v32 =	vor.u32 v31, v32;
	v33 =	vld.idx.msk [tilespmem:v33+s13+$0x0], $0xffff;
	v35 =	vor.u32 v59, v58  }
0x159: {  	v36 =	vor.u32 v0, v35;
	_ =	sdelay $0x3  }
0x15a: {  	[tilespmem:v32+s18+$0x0] =	vst.idx.msk $0xffff, v33;
	v32 =	vand.u32 $0x3F, v34  }
0x15b: {  	v34 =	vor.u32 v1, v32;
	v33 =	vld.idx.msk [tilespmem:v36+s13+$0x0], $0xffff  }
0x15c: {  	v60 =	vor.u32 v2, v35;
	_ =	sdelay $0x3  }
0x15d: {  	[tilespmem:v34+s18+$0x0] =	vst.idx.msk $0xffff, v33  }
0x15e: {  	v61 =	vor.u32 v3, v32;
	v33 =	vld.idx.msk [tilespmem:v60+s13+$0x0], $0xffff  }
0x15f: {  	v62 =	vor.u32 v4, v35;
	_ =	sdelay $0x3  }
0x160: {  	[tilespmem:v61+s18+$0x0] =	vst.idx.msk $0xffff, v33  }
0x161: {  	v63 =	vor.u32 v5, v32;
	v33 =	vld.idx.msk [tilespmem:v62+s13+$0x0], $0xffff  }
0x162: {  	v40 =	vor.u32 v6, v35;
	_ =	sdelay $0x3  }
0x163: {  	[tilespmem:v63+s18+$0x0] =	vst.idx.msk $0xffff, v33  }
0x164: {  	v41 =	vor.u32 v7, v32;
	v33 =	vld.idx.msk [tilespmem:v40+s13+$0x0], $0xffff  }
0x165: {  	v42 =	vor.u32 v8, v35;
	_ =	sdelay $0x3  }
0x166: {  	[tilespmem:v41+s18+$0x0] =	vst.idx.msk $0xffff, v33  }
0x167: {  	v43 =	vor.u32 v9, v32;
	v33 =	vld.idx.msk [tilespmem:v42+s13+$0x0], $0xffff  }
0x168: {  	v44 =	vor.u32 v10, v35;
	_ =	sdelay $0x3  }
0x169: {  	[tilespmem:v43+s18+$0x0] =	vst.idx.msk $0xffff, v33  }
0x16a: {  	v45 =	vor.u32 v11, v32;
	v33 =	vld.idx.msk [tilespmem:v44+s13+$0x0], $0xffff  }
0x16b: {  	v46 =	vor.u32 v12, v35;
	_ =	sdelay $0x3  }
0x16c: {  	[tilespmem:v45+s18+$0x0] =	vst.idx.msk $0xffff, v33  }
0x16d: {  	v47 =	vor.u32 v13, v32;
	v33 =	vld.idx.msk [tilespmem:v46+s13+$0x0], $0xffff  }
0x16e: {  	v48 =	vor.u32 v14, v35;
	_ =	sdelay $0x3  }
0x16f: {  	[tilespmem:v47+s18+$0x0] =	vst.idx.msk $0xffff, v33  }
0x170: {  	v49 =	vor.u32 v15, v32;
	v33 =	vld.idx.msk [tilespmem:v48+s13+$0x0], $0xffff  }
0x171: {  	v50 =	vor.u32 v16, v35;
	_ =	sdelay $0x3  }
0x172: {  	[tilespmem:v49+s18+$0x0] =	vst.idx.msk $0xffff, v33  }
0x173: {  	v51 =	vor.u32 v17, v32;
	v33 =	vld.idx.msk [tilespmem:v50+s13+$0x0], $0xffff  }
0x174: {  	v52 =	vor.u32 v18, v35;
	_ =	sdelay $0x3  }
0x175: {  	[tilespmem:v51+s18+$0x0] =	vst.idx.msk $0xffff, v33  }
0x176: {  	v53 =	vor.u32 v19, v32;
	v33 =	vld.idx.msk [tilespmem:v52+s13+$0x0], $0xffff  }
0x177: {  	v54 =	vor.u32 v20, v35;
	_ =	sdelay $0x3  }
0x178: {  	[tilespmem:v53+s18+$0x0] =	vst.idx.msk $0xffff, v33  }
0x179: {  	v55 =	vor.u32 v21, v32;
	v33 =	vld.idx.msk [tilespmem:v54+s13+$0x0], $0xffff  }
0x17a: {  	v56 =	vor.u32 v22, v35;
	_ =	sdelay $0x3  }
0x17b: {  	[tilespmem:v55+s18+$0x0] =	vst.idx.msk $0xffff, v33  }
0x17c: {  	v57 =	vor.u32 v23, v32;
	v33 =	vld.idx.msk [tilespmem:v56+s13+$0x0], $0xffff  }
0x17d: {  	v58 =	vor.u32 v24, v35;
	_ =	sdelay $0x3  }
0x17e: {  	[tilespmem:v57+s18+$0x0] =	vst.idx.msk $0xffff, v33  }
0x17f: {  	v59 =	vor.u32 v25, v32;
	v33 =	vld.idx.msk [tilespmem:v58+s13+$0x0], $0xffff  }
0x180: {  	v60 =	vor.u32 v26, v35;
	_ =	sdelay $0x3  }
0x181: {  	[tilespmem:v59+s18+$0x0] =	vst.idx.msk $0xffff, v33  }
0x182: {  	v61 =	vor.u32 v27, v32;
	v33 =	vld.idx.msk [tilespmem:v60+s13+$0x0], $0xffff  }
0x183: {  	v62 =	vor.u32 v28, v35;
	_ =	sdelay $0x3  }
0x184: {  	[tilespmem:v61+s18+$0x0] =	vst.idx.msk $0xffff, v33  }
0x185: {  	v63 =	vor.u32 v29, v32;
	v33 =	vld.idx.msk [tilespmem:v62+s13+$0x0], $0xffff  }
0x186: {  	v35 =	vor.u32 v30, v35;
	_ =	sdelay $0x3  }
0x187: {  	[tilespmem:v63+s18+$0x0] =	vst.idx.msk $0xffff, v33  }
0x188: {  	s21 =	sadd.s32 $0x1, s21;
	v32 =	vor.u32 v31, v32;
	v33 =	vld.idx.msk [tilespmem:v35+s13+$0x0], $0xffff  }
0x189: {  	p2 =	sne.s32 s21, $0x3D  }
.Ltmp7:
0x18a: {  	s22 =	sadd.s32 s4, s22;
	(pc) =	sbr.rel @p2 .LBB2_2-.Ltmp7, $4  }
0x18b: {  	s22 =	sshll.u32 s22, $0xB  }
0x18c: {  	s22 =	sand.u32 $0x1FFFF800, s22  }
0x18d: {  	s22 =	sadd.s32 s3, s22;
	[tilespmem:v32+s18+$0x0] =	vst.idx.msk $0xffff, v33  }
0x18e: {  	[hbm4b:s22+s2] =	stream.linear.scatter [tilespmem:s18], [sflag:$0x4], $0x4000, $0x38;
	[tilespmem:$0x11000] =	vst v63  }
0x18f: {  	_ =	swait.ge [sflag:s19], $0x4000  }
.Ltmp8:
0x190: {  	[sflag:s19] =	ssyncset.done $0x0;
	(pc) =	sbr.rel @p0 .LBB2_15-.Ltmp8, $4  }
0x191: {  	[sflag:s19] =	ssyncadd.s32 $0xFFFFC000  }
0x192: {  	_ =	swait.ge [sflag:s17], $0x4000  }
0x193: {  	[sflag:s17] =	ssyncset.done $0x0  }
0x194: {  	[sflag:s17] =	ssyncadd.s32 $0xFFFFC000  }
0x195: {  	s21 =	simm.s32 $0x0  }
0x196: {  	v32 =	vadd.s32 s21, v0  }
0x197: {  	v33 =	vshll.u32 v32, $0x8;
	v34 =	vshll.u32 v32, $0x7  }
0x198: {  	v33 =	vand.u32 $0x3800, v33;
	v34 =	vand.u32 $0x380, v34  }
0x199: {  	v33 =	vor.u32 v34, v33  }
0x19a: {  	v34 =	vor.u32 v0, v33  }
0x19b: {  	[tilespmem:s21], [sflag:$0x1] =	stream.strided.gather [hbm4b:s7+s10], $0x4000, s12, s10, $0x38;
	[tilespmem:$0x11000] =	vst v63  }
0x19c: {  	_ =	swait.ge [sflag:s14], $0x4000  }
0x19d: {  	[sflag:s14] =	ssyncset.done $0x0  }
0x19e: {  	v32 =	vand.u32 $0x3F, v32;
	[sflag:s14] =	ssyncadd.s32 $0xFFFFC000  }
0x19f: {  	v35 =	vor.u32 v1, v32;
	v34 =	vld.idx.msk [tilespmem:v34+s2+$0x0], $0xffff  }
0x1a0: {  	v36 =	vor.u32 v2, v33;
	_ =	sdelay $0x3  }
0x1a1: {  	[tilespmem:v35+s15+$0x0] =	vst.idx.msk $0xffff, v34  }
0x1a2: {  	v62 =	vor.u32 v3, v32;
	v34 =	vld.idx.msk [tilespmem:v36+s2+$0x0], $0xffff  }
0x1a3: {  	v63 =	vor.u32 v4, v33;
	_ =	sdelay $0x3  }
0x1a4: {  	[tilespmem:v62+s15+$0x0] =	vst.idx.msk $0xffff, v34  }
0x1a5: {  	v40 =	vor.u32 v5, v32;
	v34 =	vld.idx.msk [tilespmem:v63+s2+$0x0], $0xffff  }
0x1a6: {  	v41 =	vor.u32 v6, v33;
	_ =	sdelay $0x3  }
0x1a7: {  	[tilespmem:v40+s15+$0x0] =	vst.idx.msk $0xffff, v34  }
0x1a8: {  	v42 =	vor.u32 v7, v32;
	v34 =	vld.idx.msk [tilespmem:v41+s2+$0x0], $0xffff  }
0x1a9: {  	v43 =	vor.u32 v8, v33;
	_ =	sdelay $0x3  }
0x1aa: {  	[tilespmem:v42+s15+$0x0] =	vst.idx.msk $0xffff, v34  }
0x1ab: {  	v44 =	vor.u32 v9, v32;
	v34 =	vld.idx.msk [tilespmem:v43+s2+$0x0], $0xffff  }
0x1ac: {  	v45 =	vor.u32 v10, v33;
	_ =	sdelay $0x3  }
0x1ad: {  	[tilespmem:v44+s15+$0x0] =	vst.idx.msk $0xffff, v34  }
0x1ae: {  	v46 =	vor.u32 v11, v32;
	v34 =	vld.idx.msk [tilespmem:v45+s2+$0x0], $0xffff  }
0x1af: {  	v47 =	vor.u32 v12, v33;
	_ =	sdelay $0x3  }
0x1b0: {  	[tilespmem:v46+s15+$0x0] =	vst.idx.msk $0xffff, v34  }
0x1b1: {  	v48 =	vor.u32 v13, v32;
	v34 =	vld.idx.msk [tilespmem:v47+s2+$0x0], $0xffff  }
0x1b2: {  	v49 =	vor.u32 v14, v33;
	_ =	sdelay $0x3  }
0x1b3: {  	[tilespmem:v48+s15+$0x0] =	vst.idx.msk $0xffff, v34  }
0x1b4: {  	v50 =	vor.u32 v15, v32;
	v34 =	vld.idx.msk [tilespmem:v49+s2+$0x0], $0xffff  }
0x1b5: {  	v51 =	vor.u32 v16, v33;
	_ =	sdelay $0x3  }
0x1b6: {  	[tilespmem:v50+s15+$0x0] =	vst.idx.msk $0xffff, v34  }
0x1b7: {  	v52 =	vor.u32 v17, v32;
	v34 =	vld.idx.msk [tilespmem:v51+s2+$0x0], $0xffff  }
0x1b8: {  	v53 =	vor.u32 v18, v33;
	_ =	sdelay $0x3  }
0x1b9: {  	[tilespmem:v52+s15+$0x0] =	vst.idx.msk $0xffff, v34  }
0x1ba: {  	v54 =	vor.u32 v19, v32;
	v34 =	vld.idx.msk [tilespmem:v53+s2+$0x0], $0xffff  }
0x1bb: {  	v55 =	vor.u32 v20, v33;
	_ =	sdelay $0x3  }
0x1bc: {  	[tilespmem:v54+s15+$0x0] =	vst.idx.msk $0xffff, v34  }
0x1bd: {  	v56 =	vor.u32 v21, v32;
	v34 =	vld.idx.msk [tilespmem:v55+s2+$0x0], $0xffff  }
0x1be: {  	v57 =	vor.u32 v22, v33;
	_ =	sdelay $0x3  }
0x1bf: {  	[tilespmem:v56+s15+$0x0] =	vst.idx.msk $0xffff, v34  }
0x1c0: {  	v58 =	vor.u32 v23, v32;
	v34 =	vld.idx.msk [tilespmem:v57+s2+$0x0], $0xffff  }
0x1c1: {  	v59 =	vor.u32 v24, v33;
	_ =	sdelay $0x3  }
0x1c2: {  	[tilespmem:v58+s15+$0x0] =	vst.idx.msk $0xffff, v34  }
0x1c3: {  	v60 =	vor.u32 v25, v32;
	v34 =	vld.idx.msk [tilespmem:v59+s2+$0x0], $0xffff  }
0x1c4: {  	v61 =	vor.u32 v26, v33;
	_ =	sdelay $0x3  }
0x1c5: {  	[tilespmem:v60+s15+$0x0] =	vst.idx.msk $0xffff, v34  }
0x1c6: {  	v62 =	vor.u32 v27, v32;
	v34 =	vld.idx.msk [tilespmem:v61+s2+$0x0], $0xffff  }
0x1c7: {  	v63 =	vor.u32 v28, v33;
	_ =	sdelay $0x3  }
0x1c8: {  	[tilespmem:v62+s15+$0x0] =	vst.idx.msk $0xffff, v34  }
0x1c9: {  	v36 =	vor.u32 v29, v32;
	v35 =	vld.idx.msk [tilespmem:v63+s2+$0x0], $0xffff  }
0x1ca: {  	v33 =	vor.u32 v30, v33;
	_ =	sdelay $0x1  }
0x1cb: {  	s31 =	simm.s32 $0x1  }
0x1cc: {  	s21 =	simm.s32 $0x2;
	v34 =	vadd.s32 s31, v0  }
.LBB2_13:
0x1cd: {  	p2 =	sne.s32 s21, $0x3F;
	v37 =	vshll.u32 v34, $0x8;
	v38 =	vshll.u32 v34, $0x7;
	[tilespmem:v36+s15+$0x0] =	vst.idx.msk $0xffff, v35  }
0x1ce: {  	v35 =	vand.u32 $0x3800, v37;
	v36 =	vand.u32 $0x380, v38;
	v37 =	vld.idx.msk [tilespmem:v33+s2+$0x0], $0xffff  }
0x1cf: {  	v32 =	vor.u32 v31, v32;
	v33 =	vor.u32 v36, v35  }
0x1d0: {  	v35 =	vor.u32 v0, v33;
	_ =	sdelay $0x3  }
0x1d1: {  	[tilespmem:v32+s15+$0x0] =	vst.idx.msk $0xffff, v37  }
0x1d2: {  	v32 =	vand.u32 $0x3F, v34;
	v34 =	vld.idx.msk [tilespmem:v35+s2+$0x0], $0xffff  }
0x1d3: {  	v35 =	vor.u32 v1, v32  }
0x1d4: {  	v36 =	vor.u32 v2, v33;
	_ =	sdelay $0x3  }
0x1d5: {  	[tilespmem:v35+s15+$0x0] =	vst.idx.msk $0xffff, v34  }
0x1d6: {  	v34 =	vld.idx.msk [tilespmem:v36+s2+$0x0], $0xffff  }
0x1d7: {  	v35 =	vor.u32 v3, v32  }
0x1d8: {  	v36 =	vor.u32 v4, v33;
	_ =	sdelay $0x3  }
0x1d9: {  	[tilespmem:v35+s15+$0x0] =	vst.idx.msk $0xffff, v34  }
0x1da: {  	v34 =	vld.idx.msk [tilespmem:v36+s2+$0x0], $0xffff  }
0x1db: {  	v35 =	vor.u32 v5, v32  }
0x1dc: {  	v36 =	vor.u32 v6, v33;
	_ =	sdelay $0x3  }
0x1dd: {  	[tilespmem:v35+s15+$0x0] =	vst.idx.msk $0xffff, v34  }
0x1de: {  	v34 =	vld.idx.msk [tilespmem:v36+s2+$0x0], $0xffff  }
0x1df: {  	v35 =	vor.u32 v7, v32  }
0x1e0: {  	v36 =	vor.u32 v8, v33;
	_ =	sdelay $0x3  }
0x1e1: {  	[tilespmem:v35+s15+$0x0] =	vst.idx.msk $0xffff, v34  }
0x1e2: {  	v34 =	vld.idx.msk [tilespmem:v36+s2+$0x0], $0xffff  }
0x1e3: {  	v35 =	vor.u32 v9, v32  }
0x1e4: {  	v36 =	vor.u32 v10, v33;
	_ =	sdelay $0x3  }
0x1e5: {  	[tilespmem:v35+s15+$0x0] =	vst.idx.msk $0xffff, v34  }
0x1e6: {  	v34 =	vld.idx.msk [tilespmem:v36+s2+$0x0], $0xffff  }
0x1e7: {  	v35 =	vor.u32 v11, v32  }
0x1e8: {  	v36 =	vor.u32 v12, v33;
	_ =	sdelay $0x3  }
0x1e9: {  	[tilespmem:v35+s15+$0x0] =	vst.idx.msk $0xffff, v34  }
0x1ea: {  	v34 =	vld.idx.msk [tilespmem:v36+s2+$0x0], $0xffff  }
0x1eb: {  	v35 =	vor.u32 v13, v32  }
0x1ec: {  	v36 =	vor.u32 v14, v33;
	_ =	sdelay $0x3  }
0x1ed: {  	[tilespmem:v35+s15+$0x0] =	vst.idx.msk $0xffff, v34  }
0x1ee: {  	v34 =	vld.idx.msk [tilespmem:v36+s2+$0x0], $0xffff  }
0x1ef: {  	v35 =	vor.u32 v15, v32  }
0x1f0: {  	v36 =	vor.u32 v16, v33;
	_ =	sdelay $0x3  }
0x1f1: {  	[tilespmem:v35+s15+$0x0] =	vst.idx.msk $0xffff, v34  }
0x1f2: {  	v34 =	vld.idx.msk [tilespmem:v36+s2+$0x0], $0xffff  }
0x1f3: {  	v35 =	vor.u32 v17, v32  }
0x1f4: {  	v36 =	vor.u32 v18, v33;
	_ =	sdelay $0x3  }
0x1f5: {  	[tilespmem:v35+s15+$0x0] =	vst.idx.msk $0xffff, v34  }
0x1f6: {  	v34 =	vld.idx.msk [tilespmem:v36+s2+$0x0], $0xffff  }
0x1f7: {  	v35 =	vor.u32 v19, v32  }
0x1f8: {  	v36 =	vor.u32 v20, v33;
	_ =	sdelay $0x3  }
0x1f9: {  	[tilespmem:v35+s15+$0x0] =	vst.idx.msk $0xffff, v34  }
0x1fa: {  	v34 =	vld.idx.msk [tilespmem:v36+s2+$0x0], $0xffff  }
0x1fb: {  	v35 =	vor.u32 v21, v32  }
0x1fc: {  	v36 =	vor.u32 v22, v33;
	_ =	sdelay $0x3  }
0x1fd: {  	[tilespmem:v35+s15+$0x0] =	vst.idx.msk $0xffff, v34  }
0x1fe: {  	v34 =	vld.idx.msk [tilespmem:v36+s2+$0x0], $0xffff  }
0x1ff: {  	v35 =	vor.u32 v23, v32  }
0x200: {  	v36 =	vor.u32 v24, v33;
	_ =	sdelay $0x3  }
0x201: {  	[tilespmem:v35+s15+$0x0] =	vst.idx.msk $0xffff, v34  }
0x202: {  	v34 =	vld.idx.msk [tilespmem:v36+s2+$0x0], $0xffff  }
0x203: {  	v35 =	vor.u32 v25, v32  }
0x204: {  	v36 =	vor.u32 v26, v33;
	_ =	sdelay $0x3  }
0x205: {  	[tilespmem:v35+s15+$0x0] =	vst.idx.msk $0xffff, v34  }
0x206: {  	v34 =	vld.idx.msk [tilespmem:v36+s2+$0x0], $0xffff  }
0x207: {  	v35 =	vor.u32 v27, v32  }
0x208: {  	v36 =	vor.u32 v28, v33;
	_ =	sdelay $0x3  }
0x209: {  	[tilespmem:v35+s15+$0x0] =	vst.idx.msk $0xffff, v34  }
0x20a: {  	v35 =	vld.idx.msk [tilespmem:v36+s2+$0x0], $0xffff  }
.Ltmp9:
0x20b: {  	v36 =	vor.u32 v29, v32;
	(pc) =	sbr.rel @p2 .LBB2_13-.Ltmp9, $2  }
0x20c: {  	v33 =	vor.u32 v30, v33;
	_ =	sdelay $0x2  }
0x20d: {  	v34 =	vadd.s32 s21, v0;
	s21 =	sadd.s32 $0x1, s21  }
0x20e: {  	_ =	sdelay $0x2  }
0x20f: {  	v37 =	vshll.u32 v34, $0x8;
	v38 =	vshll.u32 v34, $0x7  }
0x210: {  	[tilespmem:v36+s15+$0x0] =	vst.idx.msk $0xffff, v35;
	v58 =	vand.u32 $0x3800, v37;
	v59 =	vand.u32 $0x380, v38  }
0x211: {  	v32 =	vor.u32 v31, v32;
	v33 =	vld.idx.msk [tilespmem:v33+s2+$0x0], $0xffff;
	v35 =	vor.u32 v59, v58  }
0x212: {  	v36 =	vor.u32 v0, v35;
	_ =	sdelay $0x3  }
0x213: {  	[tilespmem:v32+s15+$0x0] =	vst.idx.msk $0xffff, v33;
	v32 =	vand.u32 $0x3F, v34  }
0x214: {  	v34 =	vor.u32 v1, v32;
	v33 =	vld.idx.msk [tilespmem:v36+s2+$0x0], $0xffff  }
0x215: {  	v60 =	vor.u32 v2, v35;
	_ =	sdelay $0x3  }
0x216: {  	[tilespmem:v34+s15+$0x0] =	vst.idx.msk $0xffff, v33  }
0x217: {  	v61 =	vor.u32 v3, v32;
	v33 =	vld.idx.msk [tilespmem:v60+s2+$0x0], $0xffff  }
0x218: {  	v62 =	vor.u32 v4, v35;
	_ =	sdelay $0x3  }
0x219: {  	[tilespmem:v61+s15+$0x0] =	vst.idx.msk $0xffff, v33  }
0x21a: {  	v63 =	vor.u32 v5, v32;
	v33 =	vld.idx.msk [tilespmem:v62+s2+$0x0], $0xffff  }
0x21b: {  	v40 =	vor.u32 v6, v35;
	_ =	sdelay $0x3  }
0x21c: {  	[tilespmem:v63+s15+$0x0] =	vst.idx.msk $0xffff, v33  }
0x21d: {  	v41 =	vor.u32 v7, v32;
	v33 =	vld.idx.msk [tilespmem:v40+s2+$0x0], $0xffff  }
0x21e: {  	v42 =	vor.u32 v8, v35;
	_ =	sdelay $0x3  }
0x21f: {  	[tilespmem:v41+s15+$0x0] =	vst.idx.msk $0xffff, v33  }
0x220: {  	v43 =	vor.u32 v9, v32;
	v33 =	vld.idx.msk [tilespmem:v42+s2+$0x0], $0xffff  }
0x221: {  	v44 =	vor.u32 v10, v35;
	_ =	sdelay $0x3  }
0x222: {  	[tilespmem:v43+s15+$0x0] =	vst.idx.msk $0xffff, v33  }
0x223: {  	v45 =	vor.u32 v11, v32;
	v33 =	vld.idx.msk [tilespmem:v44+s2+$0x0], $0xffff  }
0x224: {  	v46 =	vor.u32 v12, v35;
	_ =	sdelay $0x3  }
0x225: {  	[tilespmem:v45+s15+$0x0] =	vst.idx.msk $0xffff, v33  }
0x226: {  	v47 =	vor.u32 v13, v32;
	v33 =	vld.idx.msk [tilespmem:v46+s2+$0x0], $0xffff  }
0x227: {  	v48 =	vor.u32 v14, v35;
	_ =	sdelay $0x3  }
0x228: {  	[tilespmem:v47+s15+$0x0] =	vst.idx.msk $0xffff, v33  }
0x229: {  	v49 =	vor.u32 v15, v32;
	v33 =	vld.idx.msk [tilespmem:v48+s2+$0x0], $0xffff  }
0x22a: {  	v50 =	vor.u32 v16, v35;
	_ =	sdelay $0x3  }
0x22b: {  	[tilespmem:v49+s15+$0x0] =	vst.idx.msk $0xffff, v33  }
0x22c: {  	v51 =	vor.u32 v17, v32;
	v33 =	vld.idx.msk [tilespmem:v50+s2+$0x0], $0xffff  }
0x22d: {  	v52 =	vor.u32 v18, v35;
	_ =	sdelay $0x3  }
0x22e: {  	[tilespmem:v51+s15+$0x0] =	vst.idx.msk $0xffff, v33  }
0x22f: {  	v53 =	vor.u32 v19, v32;
	v33 =	vld.idx.msk [tilespmem:v52+s2+$0x0], $0xffff  }
0x230: {  	v54 =	vor.u32 v20, v35;
	_ =	sdelay $0x3  }
0x231: {  	[tilespmem:v53+s15+$0x0] =	vst.idx.msk $0xffff, v33  }
0x232: {  	v55 =	vor.u32 v21, v32;
	v33 =	vld.idx.msk [tilespmem:v54+s2+$0x0], $0xffff  }
0x233: {  	v56 =	vor.u32 v22, v35;
	_ =	sdelay $0x3  }
0x234: {  	[tilespmem:v55+s15+$0x0] =	vst.idx.msk $0xffff, v33  }
0x235: {  	v57 =	vor.u32 v23, v32;
	v33 =	vld.idx.msk [tilespmem:v56+s2+$0x0], $0xffff  }
0x236: {  	v58 =	vor.u32 v24, v35;
	_ =	sdelay $0x3  }
0x237: {  	[tilespmem:v57+s15+$0x0] =	vst.idx.msk $0xffff, v33  }
0x238: {  	v59 =	vor.u32 v25, v32;
	v33 =	vld.idx.msk [tilespmem:v58+s2+$0x0], $0xffff  }
0x239: {  	v60 =	vor.u32 v26, v35;
	_ =	sdelay $0x3  }
0x23a: {  	[tilespmem:v59+s15+$0x0] =	vst.idx.msk $0xffff, v33  }
0x23b: {  	v61 =	vor.u32 v27, v32;
	v33 =	vld.idx.msk [tilespmem:v60+s2+$0x0], $0xffff  }
0x23c: {  	v62 =	vor.u32 v28, v35;
	_ =	sdelay $0x3  }
0x23d: {  	[tilespmem:v61+s15+$0x0] =	vst.idx.msk $0xffff, v33  }
0x23e: {  	v63 =	vor.u32 v29, v32;
	v33 =	vld.idx.msk [tilespmem:v62+s2+$0x0], $0xffff  }
0x23f: {  	v35 =	vor.u32 v30, v35;
	_ =	sdelay $0x3  }
0x240: {  	[tilespmem:v63+s15+$0x0] =	vst.idx.msk $0xffff, v33  }
0x241: {  	v32 =	vor.u32 v31, v32;
	v33 =	vld.idx.msk [tilespmem:v35+s2+$0x0], $0xffff;
	_ =	sdelay $0x4  }
.Ltmp10:
0x242: {  	[tilespmem:v32+s15+$0x0] =	vst.idx.msk $0xffff, v33;
	(pc) =	sbr.rel .LBB2_15-.Ltmp10, $4  }
0x243: {  	[hbm4b:s8+s2] =	stream.linear.scatter [tilespmem:s15], [sflag:$0x3], $0x4000, $0x38;
	[tilespmem:$0x11000] =	vst v63  }
0x244: {  	_ =	swait.ge [sflag:s19], $0x4000  }
0x245: {  	[sflag:s19] =	ssyncset.done $0x0  }
0x246: {  	[sflag:s19] =	ssyncadd.s32 $0xFFFFC000  }
.LBB2_16:
0x247: {  	_ =	sfence.sel $0x180000  }
0x248: {  	[bflag:$0x0] =	sbarrier.arrive $0xFFFF  }
0x249: {  	_ =	strace $0x90000047  }
0x24a: {  	s0 =	sadd.s32 @!p0 $0x100000, s0;
	[bflag:$0x2] =	sbarrier.arrive $0xFFFF  }
0x24b: {  	[sflag:s0] =	ssyncadd.tile.s32 @!p0 $0x1;
	_ =	shalt  }
.Lfunc_end2:
_tile_overlayer_lowered:
.L_overlay_start_2:
0x24c: {  	(tag) =	ssettag $0x2  }
0x24d: {  	s0 =	rddreg [dreg:$0x0];
	s2 =	stileid.u32  }
0x24e: {  	s1 =	rddreg [dreg:$0x1];
	p0 =	sne.s32 s2, $0x0  }
0x24f: {  	s3 =	rddreg [dreg:$0x2];
	[bflag:$0x3] =	sbarrier.arrive $0xFFFF;
	s2 =	simm.s32 @!p0 $0x1C05  }
0x250: {  	[timem:s3], [sflag:s2] =	dma.local @!p0 [hbm:s0], s1  }
0x251: {  	s0 =	simm.s32 @!p0 $0x5  }
0x252: {  	_ =	swait.ge @!p0 [sflag:s0], s1  }
0x253: {  	s1 =	ssub.s32 @!p0 $0x0, s1;
	[sflag:s0] =	ssyncset.done @!p0 $0x0  }
0x254: {  	[sflag:s0] =	ssyncadd.s32 @!p0 s1  }
0x255: {  	[bflag:$0x3] =	sbarrier.arrive $0xFFFF  }
0x256: {  	_ =	shalt  }

// kernel: kernel.7.cloned.1.call-start
scs
__scs_entry_jumppad:
0x0: {  	(pc) =	sbr.rel $0x88, $3  }
0x1: {  	(tag) =	ssettag $0x0;
	lr =	simm.s32 $0x1  }
0x2: {  	[smem:$0x3F9F] =	sst lr;
	_ =	strace $0xD0000000  }
0x3: {  	_ = 	snop  }
0x4: {  	_ = 	snop  }
0x5: {  	_ = 	snop  }
0x6: {  	_ = 	snop  }
0x7: {  	_ = 	snop  }
__scs_overlays_trampoline_lowered:
0x8: {  	[smem:$0x3FAE] =	sst s0  }
0x9: {  	[smem:$0x3FAF] =	sst s1  }
0xa: {  	[smem:$0x3FB0] =	sst s2  }
0xb: {  	[smem:$0x3FB1] =	sst s3  }
0xc: {  	[smem:$0x3FB2] =	sst s4  }
0xd: {  	[smem:$0x3FB3] =	sst s5  }
0xe: {  	[smem:$0x3FB4] =	sst s6  }
0xf: {  	[smem:$0x3FB5] =	sst s7  }
0x10: {  	[smem:$0x3FB6] =	sst s8  }
0x11: {  	[smem:$0x3FB7] =	sst s9;
	s0 =	simm.s32 @!p0 $0x0  }
0x12: {  	s1 =	sld [smem:$0x3F9D];
	s0 =	simm.s32 @p0 $0x1  }
0x13: {  	[smem:$0x3FB8] =	sst s0;
	s0 =	simm.s32 @!p1 $0x0  }
0x14: {  	s2 =	sld [smem:$0x3F9C];
	s0 =	simm.s32 @p1 $0x1  }
0x15: {  	[smem:$0x3FB9] =	sst s0;
	s0 =	simm.s32 @!p2 $0x0  }
0x16: {  	s3 =	sld [smem:$0x3FDB];
	s0 =	simm.s32 @p2 $0x1  }
0x17: {  	s4 =	simm.s32 $0x1BF5;
	[smem:$0x3FBB] =	sst s0  }
0x18: {  	s0 =	sld [smem:$0x3F9E];
	_ =	swait.ge [sflag:s4], $0x0  }
0x19: {  	s7 =	sld [smem:$0x3F9F]  }
0x1a: {  	s8 =	sadd.s32 $0xFFFFE003, lr  }
0x1b: {  	s9 =	sadd.s32 $0xFFFFFEF7, lr;
	s5 =	simm.s32 $0xFFFFFFFF;
	p2 =	slt.u32 s8, $0xFFFFF086  }
0x1c: {  	p1 =	slt.u32 s9, $0xF7A;
	s5 =	simm.s32 @!p2 $0x0  }
0x1d: {  	s5 =	simm.s32 @p1 $0x1;
	p0 =	seq.s32 s7, s2  }
0x1e: {  	s7 =	smul.u32 @!p0 $0xF7A, s2;
	p2 =	seq.s32 @!p0 s5, $0x0  }
0x1f: {  	s9 =	smul.u32 $0xF7A, s1;
	s8 =	simm.s32 @!p0 $0x1BF5;
	p2 =	por !p2, p0  }
0x20: {  	[sflag:s8] =	ssyncset.s32 @!p0 $0xFFFFF086;
	s6 =	sadd.s32 @!p0 s3, s7;
	s7 =	simm.s32 @!p0 $0x108  }
0x21: {  	s3 =	sadd.s32 s3, s9;
	s6 =	sadd.s32 @!p0 $0x88, s6;
	s7 =	simm.s32 @p2 $0x1082  }
0x22: {  	[simem:s7], [sflag:s8] =	dma.local @!p0 [hbm:s6], $0xF7A  }
0x23: {  	s9 =	sor.u32 $0xD0000000, s2;
	s6 =	simm.s32 $0x108;
	_ =	swait.ge @!p0 [sflag:s8], $0x0  }
0x24: {  	s3 =	sadd.s32 $0x88, s3;
	s6 =	simm.s32 @!p1 $0x1082;
	[sflag:s4] =	ssyncset.s32 $0xFFFFF086  }
0x25: {  	[simem:s6], [sflag:s4] =	dma.local [hbm:s3], $0xF7A  }
0x26: {  	[smem:$0x3F9F] =	sst s1;
	(tag) =	ssettag s2;
	_ =	strace s9  }
0x27: {  	s1 =	sld [smem:$0x3FAF]  }
0x28: {  	s2 =	sld [smem:$0x3FB0]  }
0x29: {  	s4 =	sld [smem:$0x3FB2]  }
0x2a: {  	p0 =	seq.s32 s5, $0x0;
	s5 =	sld [smem:$0x3FB3]  }
0x2b: {  	s6 =	sld [smem:$0x3FB4]  }
0x2c: {  	s7 =	sld [smem:$0x3FB5]  }
0x2d: {  	s3 =	simm.s32 $0x108;
	s8 =	sld [smem:$0x3FB6]  }
0x2e: {  	s3 =	simm.s32 @!p0 $0x1082;
	s9 =	sld [smem:$0x3FB7]  }
0x2f: {  	lr =	sadd.s32 s0, s3;
	s0 =	sld [smem:$0x3FAE]  }
0x30: {  	s3 =	sld [smem:$0x3FB1]  }
0x31: {  	[smem:$0x3FBA] =	sst s10  }
0x32: {  	s10 =	sld [smem:$0x3FB8];
	_ =	sdelay $0x3  }
0x33: {  	p0 =	seq.s32 s10, $0x1;
	s10 =	sld [smem:$0x3FBA];
	_ =	sdelay $0x3  }
0x34: {  	[smem:$0x3FBA] =	sst s10  }
0x35: {  	s10 =	sld [smem:$0x3FB9];
	_ =	sdelay $0x3  }
0x36: {  	p1 =	seq.s32 s10, $0x1;
	s10 =	sld [smem:$0x3FBA];
	_ =	sdelay $0x3  }
0x37: {  	[smem:$0x3FBA] =	sst s10  }
0x38: {  	s10 =	sld [smem:$0x3FBB]  }
0x39: {  	_ = 	snop;
	(pc) =	sbr.ind lr, $3  }
0x3a: {  	_ = 	snop  }
0x3b: {  	_ = 	snop  }
0x3c: {  	p2 =	seq.s32 s10, $0x1;
	s10 =	sld [smem:$0x3FBA]  }
0x3d: {  	_ =	shalt  }
0x3e: {  	_ =	shalt  }
0x3f: {  	_ =	shalt  }
0x40: {  	_ =	shalt  }
0x41: {  	_ =	shalt  }
0x42: {  	_ =	shalt  }
0x43: {  	_ =	shalt  }
0x44: {  	_ =	shalt  }
0x45: {  	_ =	shalt  }
0x46: {  	_ =	shalt  }
0x47: {  	_ =	shalt  }
0x48: {  	_ =	shalt  }
0x49: {  	_ =	shalt  }
0x4a: {  	_ =	shalt  }
0x4b: {  	_ =	shalt  }
0x4c: {  	_ =	shalt  }
0x4d: {  	_ =	shalt  }
0x4e: {  	_ =	shalt  }
0x4f: {  	_ =	shalt  }
0x50: {  	_ =	shalt  }
0x51: {  	_ =	shalt  }
0x52: {  	_ =	shalt  }
0x53: {  	_ =	shalt  }
0x54: {  	_ =	shalt  }
0x55: {  	_ =	shalt  }
0x56: {  	_ =	shalt  }
0x57: {  	_ =	shalt  }
0x58: {  	_ =	shalt  }
0x59: {  	_ =	shalt  }
0x5a: {  	_ =	shalt  }
0x5b: {  	_ =	shalt  }
0x5c: {  	_ =	shalt  }
0x5d: {  	_ =	shalt  }
0x5e: {  	_ =	shalt  }
0x5f: {  	_ =	shalt  }
0x60: {  	_ =	shalt  }
0x61: {  	_ =	shalt  }
0x62: {  	_ =	shalt  }
0x63: {  	_ =	shalt  }
0x64: {  	_ =	shalt  }
0x65: {  	_ =	shalt  }
0x66: {  	_ =	shalt  }
0x67: {  	_ =	shalt  }
0x68: {  	_ =	shalt  }
0x69: {  	_ =	shalt  }
0x6a: {  	_ =	shalt  }
0x6b: {  	_ =	shalt  }
0x6c: {  	_ =	shalt  }
0x6d: {  	_ =	shalt  }
0x6e: {  	_ =	shalt  }
0x6f: {  	_ =	shalt  }
0x70: {  	_ =	shalt  }
0x71: {  	_ =	shalt  }
0x72: {  	_ =	shalt  }
0x73: {  	_ =	shalt  }
0x74: {  	_ =	shalt  }
0x75: {  	_ =	shalt  }
0x76: {  	_ =	shalt  }
0x77: {  	_ =	shalt  }
0x78: {  	_ =	shalt  }
0x79: {  	_ =	shalt  }
0x7a: {  	_ =	shalt  }
0x7b: {  	_ =	shalt  }
0x7c: {  	_ =	shalt  }
0x7d: {  	_ =	shalt  }
0x7e: {  	_ =	shalt  }
0x7f: {  	_ =	shalt  }
0x80: {  	_ =	shalt  }
0x81: {  	_ =	shalt  }
0x82: {  	_ =	shalt  }
0x83: {  	_ =	shalt  }
0x84: {  	_ =	shalt  }
0x85: {  	_ =	shalt  }
0x86: {  	_ =	shalt  }
0x87: {  	_ =	shalt  }
.Lfunc_end0:
.L_simem_size_0:
called_computation.1_lowered:
.L_overlay_start_0:
0x88: {  	s2 =	sld [smem:$0x3FD9]  }
0x89: {  	s3 =	sld [smem:$0x3FFE];
	_ =	sdelay $0x1  }
0x8a: {  	s1 =	srdreg.scid  }
0x8b: {  	s0 =	sand.u32 $0x1, s1  }
0x8c: {  	s17 =	sshll.u32 s0, $0xA;
	s2 =	sadd.s32 s3, s2  }
0x8d: {  	s2 =	sadd.s32 s2, s17  }
0x8e: {  	[smem:$0x3FC6] =	sst s2  }
0x8f: {  	_ = 	snop  }
0x90: {  	s2 =	sld [smem:$0x3FD0];
	(tm) =	ssettm $0x1  }
0x91: {  	s18 =	sld [smem:$0x3FFB];
	_ =	sdelay $0x3  }
0x92: {  	_ =	strace s18  }
0x93: {  	s3 =	sld [smem:$0x3FFC];
	_ =	sdelay $0x3  }
0x94: {  	_ =	strace s3  }
0x95: {  	s3 =	sld [smem:$0x3FFD];
	_ =	sdelay $0x3  }
0x96: {  	_ =	strace s3  }
0x97: {  	_ =	strace $0x8FFFFFFF  }
0x98: {  	s19 =	sld [smem:$0x3FDB];
	_ =	sdelay $0x1  }
0x99: {  	s4 =	simm.s32 $_scs_section_size  }
0x9a: {  	s5 =	simm.s32 $_size__tile_overlayer_lowered;
	s6 =	simm.s32 $_tile_overlayer_lowered  }
0x9b: {  	s22 =	simm.s32 $0x1BFF;
	s21 =	sshll.u32 s6, $0x1;
	s3 =	sadd.s32 s4, s19  }
0x9c: {  	s7 =	simm.s32 $0x0;
	s20 =	sshll.u32 s5, $0x1;
	s5 =	sadd.s32 s21, s3  }
0x9d: {  	[timem:s7], [sflag:s22] =	dma.local [hbm:s5], s20  }
0x9e: {  	_ =	swait.ge [sflag:s22], s20  }
0x9f: {  	s4 =	ssub.s32 $0x0, s20;
	[sflag:s22] =	ssyncset.done $0x0  }
0xa0: {  	[sflag:s22] =	ssyncadd.s32 s4;
	_ =	sdelay $0x1  }
0xa1: {  	s23 =	simm.s32 $0x1B8B  }
0xa2: {  	_ =	swait.ge [sflag:s23], $0x1  }
0xa3: {  	[sflag:s23] =	ssyncset.done $0x0  }
0xa4: {  	s25 =	simm.s32 $0x1B8E;
	s24 =	sld [smem:$0x3FFE];
	[sflag:s23] =	ssyncadd.s32 $0xFFFFFFFF  }
0xa5: {  	s26 =	simm.s32 $execute0_lowered;
	[smem:$0x3FD2] =	sst s25  }
0xa6: {  	s5 =	sshll.u32 s26, $0x1;
	_ =	strace $0x80000049;
	[dreg:$0x1] =	wrdreg $0xFFFFFFFF  }
0xa7: {  	s28 =	simm.s32 $_size_execute0_lowered;
	s3 =	sadd.s32 s3, s5;
	[dreg:$0x0] =	wrdreg $0x0  }
0xa8: {  	s5 =	sshll.u32 s28, $0x1;
	[dreg:$0x2] =	wrdreg s3  }
0xa9: {  	[dreg:$0x3] =	wrdreg s5  }
0xaa: {  	[dreg:$0x4] =	wrdreg $0xC0  }
0xab: {  	_ =	task [dreg:s7], $0x5FFFF  }
0xac: {  	[dreg:$0x1] =	wrdreg $0xFFFFFFFF  }
0xad: {  	[dreg:$0x0] =	wrdreg $0x60  }
0xae: {  	[dreg:$0x2] =	wrdreg s24  }
0xaf: {  	[dreg:$0x3] =	wrdreg s2  }
0xb0: {  	[dreg:$0x4] =	wrdreg $0x9  }
0xb1: {  	_ =	task.clear_ibuf [dreg:s7], $0x5FFFF;
	_ =	strace $0x90000049  }
0xb2: {  	s29 =	simm.s32 $0x9;
	_ =	strace $0x8000004B  }
0xb3: {  	_ =	swait.ge [sflag:s29], $0x1  }
0xb4: {  	[sflag:s29] =	ssyncadd.s32 $0xFFFFFFFF  }
0xb5: {  	_ =	strace $0x9000004B  }
0xb6: {  	_ =	sfence  }
0xb7: {  	s30 =	sld [smem:$0x0];
	_ =	sdelay $0x2  }
0xb8: {  	s31 =	sshll.u32 s1, $0xD;
	s1 =	sshrl.u32 s1, $0x2  }
0xb9: {  	s3 =	sand.u32 $0x4000, s31;
	s1 =	sadd.s32 s1, s30  }
0xba: {  	s0 =	sor.u32 s3, s0;
	s1 =	sshll.u32 s1, $0x11  }
0xbb: {  	s0 =	sor.u32 s1, s0  }
0xbc: {  	s0 =	sadd.s32 $0x8F2B, s0  }
0xbd: {  	[sflag:s0] =	ssyncadd.remote.s32 $0x1  }
0xbe: {  	_ =	sfence.sel $0xFFFF  }
0xbf: {  	[dreg:$0x0] =	wrdreg $0xFFFFFFFF;
	(pc) =	sbr.abs _section_cstart, $3  }
0xc0: {  	[dreg:$0x1] =	wrdreg $0xFFFFFFFF  }
0xc1: {  	_ =	task.clear_ibuf [dreg:s7], $0x2FFFF;
	_ =	strace $0x9FFFFFFF  }
0xc2: {  	(tm) =	ssettm $0x7FFFFFFF  }
0xc3: {  	_ =	shalt  }
tec
execute0_lowered:
.L_overlay_start_1:
0x0: {  	(tag) =	ssettag $0x1  }
0x1: {  	s5 =	rddreg [dreg:$0x0]  }
0x2: {  	s1 =	srdreg.scid;
	s0 =	stileid.u32  }
0x3: {  	s2 =	rddreg [dreg:$0x1];
	s3 =	simm.s32 $0x0;
	s10 =	simm.s32 $0x6400  }
0x4: {  	s11 =	simm.s32 $0x8400;
	s13 =	simm.s32 $0xA400;
	s14 =	simm.s32 $0xC400  }
0x5: {  	s15 =	simm.s32 $0x1;
	s16 =	simm.s32 $0xE400;
	s17 =	simm.s32 $0x400  }
0x6: {  	s18 =	simm.s32 $0x20000;
	s19 =	simm.s32 $0x2;
	s20 =	simm.s32 $0x6  }
0x7: {  	v0 =	vlaneseq.u32;
	s21 =	simm.s32 $0x10400;
	s22 =	simm.s32 $0x3;
	s23 =	simm.s32 $0x5  }
0x8: {  	s24 =	simm.s32 $0x4;
	s4 =	sand.u32 $0x1, s1;
	s6 =	sshll.u32 s0, $0x1;
	v1 =	vmul.u32 $0x40, v0  }
0x9: {  	s25 =	simm.s32 $0x0;
	v2 =	vand.u32 $0x7, v0;
	v4 =	vor.u32 $0x10, v0;
	v6 =	vor.u32 $0x20, v0;
	s6 =	sor.u32 s4, s6;
	s8 =	ssub.s32 $0x2, s4  }
0xa: {  	[smem:$0x7FF] =	sst s3;
	v8 =	vor.u32 $0x30, v0;
	v10 =	vor.u32 $0x40, v0;
	v12 =	vor.u32 $0x50, v0;
	s7 =	smul.u32 $0xC80, s6;
	s9 =	sshrl.u32 s8, $0x1  }
0xb: {  	v14 =	vor.u32 $0x60, v0;
	v16 =	vor.u32 $0x70, v0;
	_ =	strace $0x8000004A;
	s4 =	sadd.s32 $0xA00, s5;
	v3 =	vor.u32 $0x400, v1;
	s8 =	ssub.s32 s8, s9  }
0xc: {  	v5 =	vor.u32 $0x800, v1;
	v7 =	vor.u32 $0xC00, v1;
	v9 =	vor.u32 $0x1000, v1;
	s9 =	simm.s32 $0x80;
	s7 =	sadd.s32 s7, s5;
	s5 =	smul.u32 $0xC8, s6  }
0xd: {  	v11 =	vor.u32 $0x1400, v1;
	v13 =	vor.u32 $0x1800, v1;
	v15 =	vor.u32 $0x1C00, v1;
	s6 =	sadd.s32 $0x7A1C00, s7;
	s7 =	smax.u32 s8, $0x1;
	s8 =	simm.s32 $0x7  }
.LBB2_1:
0xe: {  	[tilespmem:s3], [sflag:$0x7] =	stream.linear.gather [hbm4b:s6+s3], $0x6400, $0x38;
	[tilespmem:$0x12400] =	vst v63  }
0xf: {  	_ =	swait.ge [sflag:s8], $0x6400  }
0x10: {  	[sflag:s8] =	ssyncset.done $0x0  }
0x11: {  	[sflag:s8] =	ssyncadd.s32 $0xFFFF9C00  }
0x12: {  	[tilespmem:s10], [sflag:$0x1] =	stream.indirect.gather [hbm4b:s4+s9], $0x40, s3, s9, $0xb8;
	[tilespmem:$0x12400] =	vst v63  }
0x13: {  	_ = 	snop  }
0x14: {  	[tilespmem:s11], [sflag:$0x2] =	stream.indirect.gather [hbm4b:s4+s9], $0x40, s9, s9, $0xb8;
	[tilespmem:$0x12400] =	vst v63  }
0x15: {  	s0 =	simm.s32 $0x100;
	s26 =	simm.s32 $0x0  }
0x16: {  	[tilespmem:s13], [sflag:$0x3] =	stream.indirect.gather [hbm4b:s4+s9], $0x40, s0, s9, $0xb8;
	[tilespmem:$0x12400] =	vst v63  }
.LBB2_2:
0x17: {  	s28 =	sshllo.u32 s26, $0x2  }
0x18: {  	s29 =	sshll.u32 s28, $0x7  }
0x19: {  	s30 =	simm.s32 $0x0;
	s29 =	sand.u32 $0x3FFFFF80, s29  }
0x1a: {  	v17 =	vadd.s32 s30, v0;
	[tilespmem:s14], [sflag:$0x4] =	stream.indirect.gather [hbm4b:s4+s9], $0x40, s29, s9, $0xb8;
	[tilespmem:$0x12400] =	vst v63  }
0x1b: {  	v18 =	vand.u32 $0x3F, v17;
	_ =	swait.ge [sflag:s15], $0x2000  }
0x1c: {  	p0 =	seq.s32 s26, $0x0;
	v19 =	vor.u32 v1, v18;
	[sflag:s15] =	ssyncset.done $0x0  }
0x1d: {  	s29 =	simm.s32 @!p0 $0x5;
	[sflag:s15] =	ssyncadd.s32 $0xFFFFE000  }
0x1e: {  	v20 =	vshll.u32 v17, $0x7;
	_ =	swait.ge @!p0 [sflag:s29], $0x2000  }
0x1f: {  	v17 =	vor.u32 v0, v20;
	v21 =	vand.u32 $0x1C00, v20;
	[sflag:s29] =	ssyncset.done @!p0 $0x0  }
0x20: {  	v22 =	vand.u32 $0x388, v17;
	v17 =	vor.u32 v2, v21;
	[sflag:s29] =	ssyncadd.s32 @!p0 $0xFFFFE000  }
0x21: {  	v21 =	vor.u32 v22, v17;
	v19 =	vld.idx.msk [tilespmem:v19+s10+$0x0], $0xffff  }
0x22: {  	v22 =	vor.u32 v3, v18;
	_ =	sdelay $0x2  }
0x23: {  	v23 =	vor.u32 v4, v20  }
0x24: {  	[tilespmem:v21+s16+$0x0] =	vst.idx.msk $0xffff, v19;
	v19 =	vand.u32 $0x398, v23  }
0x25: {  	v21 =	vld.idx.msk [tilespmem:v22+s10+$0x0], $0xffff;
	v19 =	vor.u32 v19, v17  }
0x26: {  	v22 =	vor.u32 v5, v18;
	_ =	sdelay $0x2  }
0x27: {  	v23 =	vor.u32 v6, v20  }
0x28: {  	[tilespmem:v19+s16+$0x0] =	vst.idx.msk $0xffff, v21;
	v19 =	vand.u32 $0x3A8, v23  }
0x29: {  	v21 =	vld.idx.msk [tilespmem:v22+s10+$0x0], $0xffff;
	v19 =	vor.u32 v19, v17  }
0x2a: {  	v22 =	vor.u32 v7, v18;
	_ =	sdelay $0x2  }
0x2b: {  	v23 =	vor.u32 v8, v20  }
0x2c: {  	[tilespmem:v19+s16+$0x0] =	vst.idx.msk $0xffff, v21;
	v19 =	vand.u32 $0x3B8, v23  }
0x2d: {  	v21 =	vld.idx.msk [tilespmem:v22+s10+$0x0], $0xffff;
	v19 =	vor.u32 v19, v17  }
0x2e: {  	v22 =	vor.u32 v9, v18;
	_ =	sdelay $0x2  }
0x2f: {  	v23 =	vor.u32 v10, v20  }
0x30: {  	[tilespmem:v19+s16+$0x0] =	vst.idx.msk $0xffff, v21;
	v19 =	vand.u32 $0x3C8, v23  }
0x31: {  	v21 =	vld.idx.msk [tilespmem:v22+s10+$0x0], $0xffff;
	v19 =	vor.u32 v19, v17  }
0x32: {  	v22 =	vor.u32 v11, v18;
	_ =	sdelay $0x2  }
0x33: {  	v23 =	vor.u32 v12, v20  }
0x34: {  	[tilespmem:v19+s16+$0x0] =	vst.idx.msk $0xffff, v21;
	v19 =	vand.u32 $0x3D8, v23  }
0x35: {  	v21 =	vld.idx.msk [tilespmem:v22+s10+$0x0], $0xffff;
	v19 =	vor.u32 v19, v17  }
0x36: {  	v22 =	vor.u32 v13, v18;
	_ =	sdelay $0x2  }
0x37: {  	v23 =	vor.u32 v14, v20  }
0x38: {  	[tilespmem:v19+s16+$0x0] =	vst.idx.msk $0xffff, v21;
	v19 =	vand.u32 $0x3E8, v23  }
0x39: {  	v21 =	vld.idx.msk [tilespmem:v22+s10+$0x0], $0xffff;
	v19 =	vor.u32 v19, v17  }
0x3a: {  	v18 =	vor.u32 v15, v18;
	_ =	sdelay $0x3  }
0x3b: {  	s31 =	simm.s32 $0x1;
	s29 =	sshll.u32 s26, $0x2;
	v20 =	vor.u32 v16, v20;
	[tilespmem:v19+s16+$0x0] =	vst.idx.msk $0xffff, v21  }
0x3c: {  	s30 =	sadd.s32 s5, s29;
	v20 =	vand.u32 $0x3F8, v20;
	v19 =	vadd.s32 s31, v0;
	s31 =	simm.s32 $0x2;
	v18 =	vld.idx.msk [tilespmem:v18+s10+$0x0], $0xffff  }
.LBB2_3:
0x3d: {  	p1 =	sne.s32 s31, $0x3F;
	v21 =	vand.u32 $0x3F, v19;
	v17 =	vor.u32 v20, v17  }
0x3e: {  	v20 =	vor.u32 v1, v21;
	_ =	sdelay $0x2  }
0x3f: {  	v19 =	vshll.u32 v19, $0x7  }
0x40: {  	v22 =	vor.u32 v0, v19;
	v23 =	vand.u32 $0x1C00, v19;
	[tilespmem:v17+s16+$0x0] =	vst.idx.msk $0xffff, v18  }
0x41: {  	v17 =	vor.u32 v2, v23;
	v18 =	vld.idx.msk [tilespmem:v20+s10+$0x0], $0xffff;
	v20 =	vand.u32 $0x388, v22  }
0x42: {  	v20 =	vor.u32 v20, v17  }
0x43: {  	v22 =	vor.u32 v3, v21;
	_ =	sdelay $0x3  }
0x44: {  	[tilespmem:v20+s16+$0x0] =	vst.idx.msk $0xffff, v18;
	v18 =	vor.u32 v4, v19  }
0x45: {  	v20 =	vld.idx.msk [tilespmem:v22+s10+$0x0], $0xffff;
	v18 =	vand.u32 $0x398, v18  }
0x46: {  	v18 =	vor.u32 v18, v17  }
0x47: {  	v22 =	vor.u32 v5, v21;
	_ =	sdelay $0x3  }
0x48: {  	[tilespmem:v18+s16+$0x0] =	vst.idx.msk $0xffff, v20;
	v18 =	vor.u32 v6, v19  }
0x49: {  	v20 =	vld.idx.msk [tilespmem:v22+s10+$0x0], $0xffff;
	v18 =	vand.u32 $0x3A8, v18  }
0x4a: {  	v18 =	vor.u32 v18, v17  }
0x4b: {  	v22 =	vor.u32 v7, v21;
	_ =	sdelay $0x3  }
0x4c: {  	[tilespmem:v18+s16+$0x0] =	vst.idx.msk $0xffff, v20;
	v18 =	vor.u32 v8, v19  }
0x4d: {  	v20 =	vld.idx.msk [tilespmem:v22+s10+$0x0], $0xffff;
	v18 =	vand.u32 $0x3B8, v18  }
0x4e: {  	v18 =	vor.u32 v18, v17  }
0x4f: {  	v22 =	vor.u32 v9, v21;
	_ =	sdelay $0x3  }
0x50: {  	[tilespmem:v18+s16+$0x0] =	vst.idx.msk $0xffff, v20;
	v18 =	vor.u32 v10, v19  }
0x51: {  	v20 =	vld.idx.msk [tilespmem:v22+s10+$0x0], $0xffff;
	v18 =	vand.u32 $0x3C8, v18  }
0x52: {  	v18 =	vor.u32 v18, v17  }
0x53: {  	v22 =	vor.u32 v11, v21;
	_ =	sdelay $0x3  }
0x54: {  	[tilespmem:v18+s16+$0x0] =	vst.idx.msk $0xffff, v20;
	v18 =	vor.u32 v12, v19  }
0x55: {  	v20 =	vld.idx.msk [tilespmem:v22+s10+$0x0], $0xffff;
	v18 =	vand.u32 $0x3D8, v18  }
0x56: {  	v18 =	vor.u32 v18, v17  }
0x57: {  	v22 =	vor.u32 v13, v21;
	_ =	sdelay $0x3  }
0x58: {  	[tilespmem:v18+s16+$0x0] =	vst.idx.msk $0xffff, v20;
	v18 =	vor.u32 v14, v19  }
0x59: {  	v20 =	vld.idx.msk [tilespmem:v22+s10+$0x0], $0xffff;
	v18 =	vand.u32 $0x3E8, v18  }
0x5a: {  	v18 =	vor.u32 v18, v17  }
0x5b: {  	v21 =	vor.u32 v15, v21  }
.Ltmp0:
0x5c: {  	(pc) =	sbr.rel @p1 .LBB2_3-.Ltmp0, $3  }
0x5d: {  	_ =	sdelay $0x1  }
0x5e: {  	[tilespmem:v18+s16+$0x0] =	vst.idx.msk $0xffff, v20;
	v20 =	vor.u32 v16, v19  }
0x5f: {  	v19 =	vadd.s32 s31, v0;
	s31 =	sadd.s32 $0x1, s31;
	v18 =	vld.idx.msk [tilespmem:v21+s10+$0x0], $0xffff;
	v20 =	vand.u32 $0x3F8, v20  }
0x60: {  	v21 =	vand.u32 $0x3F, v19;
	v17 =	vor.u32 v20, v17  }
0x61: {  	v51 =	vor.u32 v1, v21;
	_ =	sdelay $0x1  }
0x62: {  	v19 =	vshll.u32 v19, $0x7  }
0x63: {  	v22 =	vor.u32 v0, v19;
	v23 =	vand.u32 $0x1C00, v19  }
0x64: {  	[tilespmem:v17+s16+$0x0] =	vst.idx.msk $0xffff, v18;
	v17 =	vand.u32 $0x388, v22;
	v18 =	vor.u32 v2, v23  }
0x65: {  	v20 =	vld.idx.msk [tilespmem:v51+s10+$0x0], $0xffff;
	v17 =	vor.u32 v17, v18  }
0x66: {  	v52 =	vor.u32 v3, v21;
	_ =	sdelay $0x2  }
0x67: {  	v53 =	vor.u32 v4, v19  }
0x68: {  	[tilespmem:v17+s16+$0x0] =	vst.idx.msk $0xffff, v20;
	v17 =	vand.u32 $0x398, v53  }
0x69: {  	v20 =	vld.idx.msk [tilespmem:v52+s10+$0x0], $0xffff;
	v17 =	vor.u32 v17, v18  }
0x6a: {  	v54 =	vor.u32 v5, v21;
	_ =	sdelay $0x2  }
0x6b: {  	v55 =	vor.u32 v6, v19  }
0x6c: {  	[tilespmem:v17+s16+$0x0] =	vst.idx.msk $0xffff, v20;
	v17 =	vand.u32 $0x3A8, v55  }
0x6d: {  	v20 =	vld.idx.msk [tilespmem:v54+s10+$0x0], $0xffff;
	v17 =	vor.u32 v17, v18  }
0x6e: {  	v56 =	vor.u32 v7, v21;
	_ =	sdelay $0x2  }
0x6f: {  	v57 =	vor.u32 v8, v19  }
0x70: {  	[tilespmem:v17+s16+$0x0] =	vst.idx.msk $0xffff, v20;
	v17 =	vand.u32 $0x3B8, v57  }
0x71: {  	v20 =	vld.idx.msk [tilespmem:v56+s10+$0x0], $0xffff;
	v17 =	vor.u32 v17, v18  }
0x72: {  	v58 =	vor.u32 v9, v21;
	_ =	sdelay $0x2  }
0x73: {  	v59 =	vor.u32 v10, v19  }
0x74: {  	[tilespmem:v17+s16+$0x0] =	vst.idx.msk $0xffff, v20;
	v17 =	vand.u32 $0x3C8, v59  }
0x75: {  	v20 =	vld.idx.msk [tilespmem:v58+s10+$0x0], $0xffff;
	v17 =	vor.u32 v17, v18  }
0x76: {  	v60 =	vor.u32 v11, v21;
	_ =	sdelay $0x2  }
0x77: {  	v61 =	vor.u32 v12, v19  }
0x78: {  	[tilespmem:v17+s16+$0x0] =	vst.idx.msk $0xffff, v20;
	v17 =	vand.u32 $0x3D8, v61  }
0x79: {  	v20 =	vld.idx.msk [tilespmem:v60+s10+$0x0], $0xffff;
	v17 =	vor.u32 v17, v18  }
0x7a: {  	v62 =	vor.u32 v13, v21;
	_ =	sdelay $0x2  }
0x7b: {  	v63 =	vor.u32 v14, v19  }
0x7c: {  	[tilespmem:v17+s16+$0x0] =	vst.idx.msk $0xffff, v20;
	v17 =	vand.u32 $0x3E8, v63  }
0x7d: {  	v20 =	vld.idx.msk [tilespmem:v62+s10+$0x0], $0xffff;
	v17 =	vor.u32 v17, v18  }
0x7e: {  	v21 =	vor.u32 v15, v21;
	_ =	sdelay $0x2  }
0x7f: {  	v19 =	vor.u32 v16, v19  }
0x80: {  	[tilespmem:v17+s16+$0x0] =	vst.idx.msk $0xffff, v20;
	v17 =	vand.u32 $0x3F8, v19  }
0x81: {  	v19 =	vld.idx.msk [tilespmem:v21+s10+$0x0], $0xffff;
	v17 =	vor.u32 v17, v18  }
0x82: {  	p1 =	sne.s32 s26, $0x31  }
.Ltmp1:
0x83: {  	s31 =	sshll.u32 s30, $0x7;
	(pc) =	sbr.rel @p1 .LBB2_6-.Ltmp1, $4  }
0x84: {  	s12 =	sshll.u32 s30, $0xA;
	s31 =	sand.u32 $0x3E00, s31  }
0x85: {  	s30 =	sand.u32 $0xFFE0000, s12;
	s31 =	sadd.s32 s2, s31  }
0x86: {  	s30 =	sadd.s32 s30, s31;
	[tilespmem:v17+s16+$0x0] =	vst.idx.msk $0xffff, v19  }
0x87: {  	[hbm4b:s30+s17] =	stream.strided.scatter [tilespmem:s16], [sflag:$0x5], $0x2000, s18, s17, $0x38;
	[tilespmem:$0x12400] =	vst v63  }
.Ltmp2:
0x88: {  	(pc) =	sbr.rel .LBB2_7-.Ltmp2, $4  }
0x89: {  	_ = 	snop  }
0x8a: {  	_ =	swait.ge [sflag:s19], $0x2000  }
0x8b: {  	[sflag:s19] =	ssyncset.done $0x0  }
0x8c: {  	[sflag:s19] =	ssyncadd.s32 $0xFFFFE000  }
.LBB2_6:
0x8d: {  	s30 =	sshll.u32 s26, $0x9  }
0x8e: {  	s30 =	sand.u32 $0x3FFFFE00, s30  }
.Ltmp3:
0x8f: {  	s30 =	sadd.s32 $0x200, s30;
	(pc) =	sbr.rel @p0 .LBB2_8-.Ltmp3, $4  }
0x90: {  	[tilespmem:s10], [sflag:$0x1] =	stream.indirect.gather [hbm4b:s4+s9], $0x40, s30, s9, $0xb8;
	[tilespmem:$0x12400] =	vst v63  }
0x91: {  	_ =	swait.ge [sflag:s19], $0x2000  }
0x92: {  	[sflag:s19] =	ssyncset.done $0x0  }
0x93: {  	[sflag:s19] =	ssyncadd.s32 $0xFFFFE000  }
.LBB2_7:
0x94: {  	_ =	swait.ge [sflag:s20], $0x2000  }
0x95: {  	[sflag:s20] =	ssyncset.done $0x0  }
0x96: {  	[sflag:s20] =	ssyncadd.s32 $0xFFFFE000  }
.LBB2_8:
0x97: {  	s30 =	simm.s32 $0x0  }
0x98: {  	v17 =	vadd.s32 s30, v0  }
0x99: {  	v18 =	vand.u32 $0x3F, v17  }
0x9a: {  	v19 =	vor.u32 v1, v18;
	_ =	sdelay $0x1  }
0x9b: {  	v20 =	vshll.u32 v17, $0x7  }
0x9c: {  	v17 =	vor.u32 v0, v20;
	v21 =	vand.u32 $0x1C00, v20  }
0x9d: {  	v22 =	vand.u32 $0x388, v17;
	v17 =	vor.u32 v2, v21  }
0x9e: {  	v21 =	vor.u32 v22, v17;
	v19 =	vld.idx.msk [tilespmem:v19+s11+$0x0], $0xffff  }
0x9f: {  	v22 =	vor.u32 v3, v18;
	_ =	sdelay $0x2  }
0xa0: {  	v23 =	vor.u32 v4, v20  }
0xa1: {  	[tilespmem:v21+s21+$0x0] =	vst.idx.msk $0xffff, v19;
	v19 =	vand.u32 $0x398, v23  }
0xa2: {  	v21 =	vld.idx.msk [tilespmem:v22+s11+$0x0], $0xffff;
	v19 =	vor.u32 v19, v17  }
0xa3: {  	v22 =	vor.u32 v5, v18;
	_ =	sdelay $0x2  }
0xa4: {  	v23 =	vor.u32 v6, v20  }
0xa5: {  	[tilespmem:v19+s21+$0x0] =	vst.idx.msk $0xffff, v21;
	v19 =	vand.u32 $0x3A8, v23  }
0xa6: {  	v21 =	vld.idx.msk [tilespmem:v22+s11+$0x0], $0xffff;
	v19 =	vor.u32 v19, v17  }
0xa7: {  	v22 =	vor.u32 v7, v18;
	_ =	sdelay $0x2  }
0xa8: {  	v23 =	vor.u32 v8, v20  }
0xa9: {  	[tilespmem:v19+s21+$0x0] =	vst.idx.msk $0xffff, v21;
	v19 =	vand.u32 $0x3B8, v23  }
0xaa: {  	v21 =	vld.idx.msk [tilespmem:v22+s11+$0x0], $0xffff;
	v19 =	vor.u32 v19, v17  }
0xab: {  	v22 =	vor.u32 v9, v18;
	_ =	sdelay $0x2  }
0xac: {  	v23 =	vor.u32 v10, v20  }
0xad: {  	[tilespmem:v19+s21+$0x0] =	vst.idx.msk $0xffff, v21;
	v19 =	vand.u32 $0x3C8, v23  }
0xae: {  	v21 =	vld.idx.msk [tilespmem:v22+s11+$0x0], $0xffff;
	v19 =	vor.u32 v19, v17  }
0xaf: {  	v22 =	vor.u32 v11, v18;
	_ =	sdelay $0x2  }
0xb0: {  	v23 =	vor.u32 v12, v20  }
0xb1: {  	[tilespmem:v19+s21+$0x0] =	vst.idx.msk $0xffff, v21;
	v19 =	vand.u32 $0x3D8, v23  }
0xb2: {  	v21 =	vld.idx.msk [tilespmem:v22+s11+$0x0], $0xffff;
	v19 =	vor.u32 v19, v17  }
0xb3: {  	v22 =	vor.u32 v13, v18;
	_ =	sdelay $0x2  }
0xb4: {  	v23 =	vor.u32 v14, v20  }
0xb5: {  	[tilespmem:v19+s21+$0x0] =	vst.idx.msk $0xffff, v21;
	v19 =	vand.u32 $0x3E8, v23  }
0xb6: {  	v21 =	vld.idx.msk [tilespmem:v22+s11+$0x0], $0xffff;
	v19 =	vor.u32 v19, v17  }
0xb7: {  	v18 =	vor.u32 v15, v18;
	_ =	sdelay $0x3  }
0xb8: {  	s29 =	sadd.s32 s29, s5;
	s31 =	simm.s32 $0x1;
	v20 =	vor.u32 v16, v20;
	[tilespmem:v19+s21+$0x0] =	vst.idx.msk $0xffff, v21  }
0xb9: {  	s30 =	sadd.s32 $0x1, s29;
	v20 =	vand.u32 $0x3F8, v20;
	v19 =	vadd.s32 s31, v0;
	s31 =	simm.s32 $0x2;
	v18 =	vld.idx.msk [tilespmem:v18+s11+$0x0], $0xffff  }
.LBB2_9:
0xba: {  	p0 =	sne.s32 s31, $0x3F;
	v21 =	vand.u32 $0x3F, v19;
	v17 =	vor.u32 v20, v17  }
0xbb: {  	v20 =	vor.u32 v1, v21;
	_ =	sdelay $0x2  }
0xbc: {  	v19 =	vshll.u32 v19, $0x7  }
0xbd: {  	v22 =	vor.u32 v0, v19;
	v23 =	vand.u32 $0x1C00, v19;
	[tilespmem:v17+s21+$0x0] =	vst.idx.msk $0xffff, v18  }
0xbe: {  	v17 =	vor.u32 v2, v23;
	v18 =	vld.idx.msk [tilespmem:v20+s11+$0x0], $0xffff;
	v20 =	vand.u32 $0x388, v22  }
0xbf: {  	v20 =	vor.u32 v20, v17  }
0xc0: {  	v22 =	vor.u32 v3, v21;
	_ =	sdelay $0x3  }
0xc1: {  	[tilespmem:v20+s21+$0x0] =	vst.idx.msk $0xffff, v18;
	v18 =	vor.u32 v4, v19  }
0xc2: {  	v20 =	vld.idx.msk [tilespmem:v22+s11+$0x0], $0xffff;
	v18 =	vand.u32 $0x398, v18  }
0xc3: {  	v18 =	vor.u32 v18, v17  }
0xc4: {  	v22 =	vor.u32 v5, v21;
	_ =	sdelay $0x3  }
0xc5: {  	[tilespmem:v18+s21+$0x0] =	vst.idx.msk $0xffff, v20;
	v18 =	vor.u32 v6, v19  }
0xc6: {  	v20 =	vld.idx.msk [tilespmem:v22+s11+$0x0], $0xffff;
	v18 =	vand.u32 $0x3A8, v18  }
0xc7: {  	v18 =	vor.u32 v18, v17  }
0xc8: {  	v22 =	vor.u32 v7, v21;
	_ =	sdelay $0x3  }
0xc9: {  	[tilespmem:v18+s21+$0x0] =	vst.idx.msk $0xffff, v20;
	v18 =	vor.u32 v8, v19  }
0xca: {  	v20 =	vld.idx.msk [tilespmem:v22+s11+$0x0], $0xffff;
	v18 =	vand.u32 $0x3B8, v18  }
0xcb: {  	v18 =	vor.u32 v18, v17  }
0xcc: {  	v22 =	vor.u32 v9, v21;
	_ =	sdelay $0x3  }
0xcd: {  	[tilespmem:v18+s21+$0x0] =	vst.idx.msk $0xffff, v20;
	v18 =	vor.u32 v10, v19  }
0xce: {  	v20 =	vld.idx.msk [tilespmem:v22+s11+$0x0], $0xffff;
	v18 =	vand.u32 $0x3C8, v18  }
0xcf: {  	v18 =	vor.u32 v18, v17  }
0xd0: {  	v22 =	vor.u32 v11, v21;
	_ =	sdelay $0x3  }
0xd1: {  	[tilespmem:v18+s21+$0x0] =	vst.idx.msk $0xffff, v20;
	v18 =	vor.u32 v12, v19  }
0xd2: {  	v20 =	vld.idx.msk [tilespmem:v22+s11+$0x0], $0xffff;
	v18 =	vand.u32 $0x3D8, v18  }
0xd3: {  	v18 =	vor.u32 v18, v17  }
0xd4: {  	v22 =	vor.u32 v13, v21;
	_ =	sdelay $0x3  }
0xd5: {  	[tilespmem:v18+s21+$0x0] =	vst.idx.msk $0xffff, v20;
	v18 =	vor.u32 v14, v19  }
0xd6: {  	v20 =	vld.idx.msk [tilespmem:v22+s11+$0x0], $0xffff;
	v18 =	vand.u32 $0x3E8, v18  }
0xd7: {  	v18 =	vor.u32 v18, v17  }
0xd8: {  	v21 =	vor.u32 v15, v21  }
.Ltmp4:
0xd9: {  	(pc) =	sbr.rel @p0 .LBB2_9-.Ltmp4, $3  }
0xda: {  	_ =	sdelay $0x1  }
0xdb: {  	[tilespmem:v18+s21+$0x0] =	vst.idx.msk $0xffff, v20;
	v20 =	vor.u32 v16, v19  }
0xdc: {  	v19 =	vadd.s32 s31, v0;
	s31 =	sadd.s32 $0x1, s31;
	v18 =	vld.idx.msk [tilespmem:v21+s11+$0x0], $0xffff;
	v20 =	vand.u32 $0x3F8, v20  }
0xdd: {  	v21 =	vand.u32 $0x3F, v19;
	v17 =	vor.u32 v20, v17  }
0xde: {  	v20 =	vor.u32 v1, v21;
	_ =	sdelay $0x1  }
0xdf: {  	v19 =	vshll.u32 v19, $0x7  }
0xe0: {  	v22 =	vor.u32 v0, v19;
	v23 =	vand.u32 $0x1C00, v19  }
0xe1: {  	[tilespmem:v17+s21+$0x0] =	vst.idx.msk $0xffff, v18;
	v17 =	vand.u32 $0x388, v22;
	v18 =	vor.u32 v2, v23  }
0xe2: {  	v20 =	vld.idx.msk [tilespmem:v20+s11+$0x0], $0xffff;
	v17 =	vor.u32 v17, v18  }
0xe3: {  	v22 =	vor.u32 v3, v21;
	_ =	sdelay $0x2  }
0xe4: {  	v23 =	vor.u32 v4, v19  }
0xe5: {  	[tilespmem:v17+s21+$0x0] =	vst.idx.msk $0xffff, v20;
	v17 =	vand.u32 $0x398, v23  }
0xe6: {  	v20 =	vld.idx.msk [tilespmem:v22+s11+$0x0], $0xffff;
	v17 =	vor.u32 v17, v18  }
0xe7: {  	v22 =	vor.u32 v5, v21;
	_ =	sdelay $0x2  }
0xe8: {  	v23 =	vor.u32 v6, v19  }
0xe9: {  	[tilespmem:v17+s21+$0x0] =	vst.idx.msk $0xffff, v20;
	v17 =	vand.u32 $0x3A8, v23  }
0xea: {  	v20 =	vld.idx.msk [tilespmem:v22+s11+$0x0], $0xffff;
	v17 =	vor.u32 v17, v18  }
0xeb: {  	v22 =	vor.u32 v7, v21;
	_ =	sdelay $0x2  }
0xec: {  	v23 =	vor.u32 v8, v19  }
0xed: {  	[tilespmem:v17+s21+$0x0] =	vst.idx.msk $0xffff, v20;
	v17 =	vand.u32 $0x3B8, v23  }
0xee: {  	v20 =	vld.idx.msk [tilespmem:v22+s11+$0x0], $0xffff;
	v17 =	vor.u32 v17, v18  }
0xef: {  	v22 =	vor.u32 v9, v21;
	_ =	sdelay $0x2  }
0xf0: {  	v23 =	vor.u32 v10, v19  }
0xf1: {  	[tilespmem:v17+s21+$0x0] =	vst.idx.msk $0xffff, v20;
	v17 =	vand.u32 $0x3C8, v23  }
0xf2: {  	v20 =	vld.idx.msk [tilespmem:v22+s11+$0x0], $0xffff;
	v17 =	vor.u32 v17, v18  }
0xf3: {  	v22 =	vor.u32 v11, v21;
	_ =	sdelay $0x2  }
0xf4: {  	v23 =	vor.u32 v12, v19  }
0xf5: {  	[tilespmem:v17+s21+$0x0] =	vst.idx.msk $0xffff, v20;
	v17 =	vand.u32 $0x3D8, v23  }
0xf6: {  	v20 =	vld.idx.msk [tilespmem:v22+s11+$0x0], $0xffff;
	v17 =	vor.u32 v17, v18  }
0xf7: {  	v22 =	vor.u32 v13, v21;
	_ =	sdelay $0x2  }
0xf8: {  	v23 =	vor.u32 v14, v19  }
0xf9: {  	[tilespmem:v17+s21+$0x0] =	vst.idx.msk $0xffff, v20;
	v17 =	vand.u32 $0x3E8, v23  }
0xfa: {  	v20 =	vld.idx.msk [tilespmem:v22+s11+$0x0], $0xffff;
	v17 =	vor.u32 v17, v18  }
0xfb: {  	v21 =	vor.u32 v15, v21;
	_ =	sdelay $0x2  }
0xfc: {  	v19 =	vor.u32 v16, v19  }
0xfd: {  	[tilespmem:v17+s21+$0x0] =	vst.idx.msk $0xffff, v20;
	v17 =	vand.u32 $0x3F8, v19  }
0xfe: {  	v19 =	vld.idx.msk [tilespmem:v21+s11+$0x0], $0xffff;
	v17 =	vor.u32 v17, v18;
	_ =	sdelay $0x1  }
0xff: {  	s31 =	sshll.u32 s30, $0x7  }
0x100: {  	s30 =	sshll.u32 s30, $0xA;
	s31 =	sand.u32 $0x3E80, s31  }
0x101: {  	s30 =	sand.u32 $0xFFE0000, s30;
	s31 =	sadd.s32 s2, s31  }
0x102: {  	p0 =	seq.s32 s26, $0x31;
	s30 =	sadd.s32 s30, s31;
	[tilespmem:v17+s21+$0x0] =	vst.idx.msk $0xffff, v19  }
0x103: {  	[hbm4b:s30+s17] =	stream.strided.scatter [tilespmem:s21], [sflag:$0x6], $0x2000, s18, s17, $0x38;
	[tilespmem:$0x12400] =	vst v63  }
0x104: {  	s30 =	sshll.u32 @!p0 s26, $0x9  }
0x105: {  	s12 =	simm.s32 $0x0;
	s30 =	sand.u32 @!p0 $0x3FFFFE00, s30  }
0x106: {  	s1 =	simm.s32 @!p0 $0x80;
	s0 =	simm.s32 @!p0 $0x8400;
	s31 =	sadd.s32 @!p0 $0x280, s30  }
0x107: {  	v17 =	vadd.s32 s12, v0;
	[tilespmem:s0], [sflag:$0x2] =	stream.indirect.gather @!p0 [hbm4b:s4+s1], $0x40, s31, s1, $0xb8;
	[tilespmem:$0x12400] =	vst v63  }
0x108: {  	v18 =	vand.u32 $0x3F, v17;
	_ =	swait.ge [sflag:s22], $0x2000  }
0x109: {  	v19 =	vor.u32 v1, v18;
	[sflag:s22] =	ssyncset.done $0x0  }
0x10a: {  	[sflag:s22] =	ssyncadd.s32 $0xFFFFE000  }
0x10b: {  	v20 =	vshll.u32 v17, $0x7;
	_ =	swait.ge [sflag:s23], $0x2000  }
0x10c: {  	v17 =	vor.u32 v0, v20;
	v21 =	vand.u32 $0x1C00, v20;
	[sflag:s23] =	ssyncset.done $0x0  }
0x10d: {  	v22 =	vand.u32 $0x388, v17;
	v17 =	vor.u32 v2, v21;
	[sflag:s23] =	ssyncadd.s32 $0xFFFFE000  }
0x10e: {  	v21 =	vor.u32 v22, v17;
	v19 =	vld.idx.msk [tilespmem:v19+s13+$0x0], $0xffff  }
0x10f: {  	v22 =	vor.u32 v3, v18;
	_ =	sdelay $0x2  }
0x110: {  	v23 =	vor.u32 v4, v20  }
0x111: {  	[tilespmem:v21+s16+$0x0] =	vst.idx.msk $0xffff, v19;
	v19 =	vand.u32 $0x398, v23  }
0x112: {  	v21 =	vld.idx.msk [tilespmem:v22+s13+$0x0], $0xffff;
	v19 =	vor.u32 v19, v17  }
0x113: {  	v22 =	vor.u32 v5, v18;
	_ =	sdelay $0x2  }
0x114: {  	v23 =	vor.u32 v6, v20  }
0x115: {  	[tilespmem:v19+s16+$0x0] =	vst.idx.msk $0xffff, v21;
	v19 =	vand.u32 $0x3A8, v23  }
0x116: {  	v21 =	vld.idx.msk [tilespmem:v22+s13+$0x0], $0xffff;
	v19 =	vor.u32 v19, v17  }
0x117: {  	v22 =	vor.u32 v7, v18;
	_ =	sdelay $0x2  }
0x118: {  	v23 =	vor.u32 v8, v20  }
0x119: {  	[tilespmem:v19+s16+$0x0] =	vst.idx.msk $0xffff, v21;
	v19 =	vand.u32 $0x3B8, v23  }
0x11a: {  	v21 =	vld.idx.msk [tilespmem:v22+s13+$0x0], $0xffff;
	v19 =	vor.u32 v19, v17  }
0x11b: {  	v22 =	vor.u32 v9, v18;
	_ =	sdelay $0x2  }
0x11c: {  	v23 =	vor.u32 v10, v20  }
0x11d: {  	[tilespmem:v19+s16+$0x0] =	vst.idx.msk $0xffff, v21;
	v19 =	vand.u32 $0x3C8, v23  }
0x11e: {  	v21 =	vld.idx.msk [tilespmem:v22+s13+$0x0], $0xffff;
	v19 =	vor.u32 v19, v17  }
0x11f: {  	v22 =	vor.u32 v11, v18;
	_ =	sdelay $0x2  }
0x120: {  	v23 =	vor.u32 v12, v20  }
0x121: {  	[tilespmem:v19+s16+$0x0] =	vst.idx.msk $0xffff, v21;
	v19 =	vand.u32 $0x3D8, v23  }
0x122: {  	v21 =	vld.idx.msk [tilespmem:v22+s13+$0x0], $0xffff;
	v19 =	vor.u32 v19, v17  }
0x123: {  	v22 =	vor.u32 v13, v18;
	_ =	sdelay $0x2  }
0x124: {  	v23 =	vor.u32 v14, v20  }
0x125: {  	[tilespmem:v19+s16+$0x0] =	vst.idx.msk $0xffff, v21;
	v19 =	vand.u32 $0x3E8, v23  }
0x126: {  	v21 =	vld.idx.msk [tilespmem:v22+s13+$0x0], $0xffff;
	v19 =	vor.u32 v19, v17  }
0x127: {  	v18 =	vor.u32 v15, v18;
	_ =	sdelay $0x3  }
0x128: {  	s12 =	simm.s32 $0x1;
	v20 =	vor.u32 v16, v20;
	[tilespmem:v19+s16+$0x0] =	vst.idx.msk $0xffff, v21  }
0x129: {  	s29 =	sadd.s32 $0x2, s29;
	s31 =	simm.s32 $0x2;
	v20 =	vand.u32 $0x3F8, v20;
	v19 =	vadd.s32 s12, v0;
	v18 =	vld.idx.msk [tilespmem:v18+s13+$0x0], $0xffff  }
.LBB2_11:
0x12a: {  	p1 =	sne.s32 s31, $0x3F;
	v21 =	vand.u32 $0x3F, v19;
	v17 =	vor.u32 v20, v17  }
0x12b: {  	v20 =	vor.u32 v1, v21;
	_ =	sdelay $0x2  }
0x12c: {  	v19 =	vshll.u32 v19, $0x7  }
0x12d: {  	v22 =	vor.u32 v0, v19;
	v23 =	vand.u32 $0x1C00, v19;
	[tilespmem:v17+s16+$0x0] =	vst.idx.msk $0xffff, v18  }
0x12e: {  	v17 =	vor.u32 v2, v23;
	v18 =	vld.idx.msk [tilespmem:v20+s13+$0x0], $0xffff;
	v20 =	vand.u32 $0x388, v22  }
0x12f: {  	v20 =	vor.u32 v20, v17  }
0x130: {  	v22 =	vor.u32 v3, v21;
	_ =	sdelay $0x3  }
0x131: {  	[tilespmem:v20+s16+$0x0] =	vst.idx.msk $0xffff, v18;
	v18 =	vor.u32 v4, v19  }
0x132: {  	v20 =	vld.idx.msk [tilespmem:v22+s13+$0x0], $0xffff;
	v18 =	vand.u32 $0x398, v18  }
0x133: {  	v18 =	vor.u32 v18, v17  }
0x134: {  	v22 =	vor.u32 v5, v21;
	_ =	sdelay $0x3  }
0x135: {  	[tilespmem:v18+s16+$0x0] =	vst.idx.msk $0xffff, v20;
	v18 =	vor.u32 v6, v19  }
0x136: {  	v20 =	vld.idx.msk [tilespmem:v22+s13+$0x0], $0xffff;
	v18 =	vand.u32 $0x3A8, v18  }
0x137: {  	v18 =	vor.u32 v18, v17  }
0x138: {  	v22 =	vor.u32 v7, v21;
	_ =	sdelay $0x3  }
0x139: {  	[tilespmem:v18+s16+$0x0] =	vst.idx.msk $0xffff, v20;
	v18 =	vor.u32 v8, v19  }
0x13a: {  	v20 =	vld.idx.msk [tilespmem:v22+s13+$0x0], $0xffff;
	v18 =	vand.u32 $0x3B8, v18  }
0x13b: {  	v18 =	vor.u32 v18, v17  }
0x13c: {  	v22 =	vor.u32 v9, v21;
	_ =	sdelay $0x3  }
0x13d: {  	[tilespmem:v18+s16+$0x0] =	vst.idx.msk $0xffff, v20;
	v18 =	vor.u32 v10, v19  }
0x13e: {  	v20 =	vld.idx.msk [tilespmem:v22+s13+$0x0], $0xffff;
	v18 =	vand.u32 $0x3C8, v18  }
0x13f: {  	v18 =	vor.u32 v18, v17  }
0x140: {  	v22 =	vor.u32 v11, v21;
	_ =	sdelay $0x3  }
0x141: {  	[tilespmem:v18+s16+$0x0] =	vst.idx.msk $0xffff, v20;
	v18 =	vor.u32 v12, v19  }
0x142: {  	v20 =	vld.idx.msk [tilespmem:v22+s13+$0x0], $0xffff;
	v18 =	vand.u32 $0x3D8, v18  }
0x143: {  	v18 =	vor.u32 v18, v17  }
0x144: {  	v22 =	vor.u32 v13, v21;
	_ =	sdelay $0x3  }
0x145: {  	[tilespmem:v18+s16+$0x0] =	vst.idx.msk $0xffff, v20;
	v18 =	vor.u32 v14, v19  }
0x146: {  	v20 =	vld.idx.msk [tilespmem:v22+s13+$0x0], $0xffff;
	v18 =	vand.u32 $0x3E8, v18  }
0x147: {  	v18 =	vor.u32 v18, v17  }
0x148: {  	v21 =	vor.u32 v15, v21  }
.Ltmp5:
0x149: {  	(pc) =	sbr.rel @p1 .LBB2_11-.Ltmp5, $3  }
0x14a: {  	_ =	sdelay $0x1  }
0x14b: {  	[tilespmem:v18+s16+$0x0] =	vst.idx.msk $0xffff, v20;
	v20 =	vor.u32 v16, v19  }
0x14c: {  	v19 =	vadd.s32 s31, v0;
	s31 =	sadd.s32 $0x1, s31;
	v18 =	vld.idx.msk [tilespmem:v21+s13+$0x0], $0xffff;
	v20 =	vand.u32 $0x3F8, v20  }
0x14d: {  	v21 =	vand.u32 $0x3F, v19;
	v17 =	vor.u32 v20, v17  }
0x14e: {  	v20 =	vor.u32 v1, v21;
	_ =	sdelay $0x1  }
0x14f: {  	v19 =	vshll.u32 v19, $0x7  }
0x150: {  	v22 =	vor.u32 v0, v19;
	v23 =	vand.u32 $0x1C00, v19  }
0x151: {  	[tilespmem:v17+s16+$0x0] =	vst.idx.msk $0xffff, v18;
	v17 =	vand.u32 $0x388, v22;
	v18 =	vor.u32 v2, v23  }
0x152: {  	v20 =	vld.idx.msk [tilespmem:v20+s13+$0x0], $0xffff;
	v17 =	vor.u32 v17, v18  }
0x153: {  	v22 =	vor.u32 v3, v21;
	_ =	sdelay $0x2  }
0x154: {  	v23 =	vor.u32 v4, v19  }
0x155: {  	[tilespmem:v17+s16+$0x0] =	vst.idx.msk $0xffff, v20;
	v17 =	vand.u32 $0x398, v23  }
0x156: {  	v20 =	vld.idx.msk [tilespmem:v22+s13+$0x0], $0xffff;
	v17 =	vor.u32 v17, v18  }
0x157: {  	v22 =	vor.u32 v5, v21;
	_ =	sdelay $0x2  }
0x158: {  	v23 =	vor.u32 v6, v19  }
0x159: {  	[tilespmem:v17+s16+$0x0] =	vst.idx.msk $0xffff, v20;
	v17 =	vand.u32 $0x3A8, v23  }
0x15a: {  	v20 =	vld.idx.msk [tilespmem:v22+s13+$0x0], $0xffff;
	v17 =	vor.u32 v17, v18  }
0x15b: {  	v22 =	vor.u32 v7, v21;
	_ =	sdelay $0x2  }
0x15c: {  	v23 =	vor.u32 v8, v19  }
0x15d: {  	[tilespmem:v17+s16+$0x0] =	vst.idx.msk $0xffff, v20;
	v17 =	vand.u32 $0x3B8, v23  }
0x15e: {  	v20 =	vld.idx.msk [tilespmem:v22+s13+$0x0], $0xffff;
	v17 =	vor.u32 v17, v18  }
0x15f: {  	v22 =	vor.u32 v9, v21;
	_ =	sdelay $0x2  }
0x160: {  	v23 =	vor.u32 v10, v19  }
0x161: {  	[tilespmem:v17+s16+$0x0] =	vst.idx.msk $0xffff, v20;
	v17 =	vand.u32 $0x3C8, v23  }
0x162: {  	v20 =	vld.idx.msk [tilespmem:v22+s13+$0x0], $0xffff;
	v17 =	vor.u32 v17, v18  }
0x163: {  	v22 =	vor.u32 v11, v21;
	_ =	sdelay $0x2  }
0x164: {  	v23 =	vor.u32 v12, v19  }
0x165: {  	[tilespmem:v17+s16+$0x0] =	vst.idx.msk $0xffff, v20;
	v17 =	vand.u32 $0x3D8, v23  }
0x166: {  	v20 =	vld.idx.msk [tilespmem:v22+s13+$0x0], $0xffff;
	v17 =	vor.u32 v17, v18  }
0x167: {  	v22 =	vor.u32 v13, v21;
	_ =	sdelay $0x2  }
0x168: {  	v23 =	vor.u32 v14, v19  }
0x169: {  	[tilespmem:v17+s16+$0x0] =	vst.idx.msk $0xffff, v20;
	v17 =	vand.u32 $0x3E8, v23  }
0x16a: {  	v20 =	vld.idx.msk [tilespmem:v22+s13+$0x0], $0xffff;
	v17 =	vor.u32 v17, v18  }
0x16b: {  	v21 =	vor.u32 v15, v21;
	_ =	sdelay $0x2  }
0x16c: {  	v19 =	vor.u32 v16, v19  }
0x16d: {  	[tilespmem:v17+s16+$0x0] =	vst.idx.msk $0xffff, v20;
	v17 =	vand.u32 $0x3F8, v19  }
0x16e: {  	v19 =	vld.idx.msk [tilespmem:v21+s13+$0x0], $0xffff;
	v17 =	vor.u32 v17, v18;
	_ =	sdelay $0x1  }
0x16f: {  	s0 =	sshll.u32 s29, $0x7  }
0x170: {  	s1 =	sshll.u32 s29, $0xA;
	s0 =	sand.u32 $0x3F00, s0  }
0x171: {  	s1 =	sand.u32 $0xFFE0000, s1;
	s0 =	sadd.s32 s2, s0  }
0x172: {  	s12 =	simm.s32 @!p0 $0xA400;
	s0 =	sadd.s32 s1, s0;
	[tilespmem:v17+s16+$0x0] =	vst.idx.msk $0xffff, v19  }
0x173: {  	[hbm4b:s0+s17] =	stream.strided.scatter [tilespmem:s16], [sflag:$0x5], $0x2000, s18, s17, $0x38;
	[tilespmem:$0x12400] =	vst v63  }
0x174: {  	s29 =	simm.s32 $0x0;
	s1 =	simm.s32 @!p0 $0x80;
	s0 =	sadd.s32 @!p0 $0x300, s30  }
0x175: {  	v17 =	vadd.s32 s29, v0;
	[tilespmem:s12], [sflag:$0x3] =	stream.indirect.gather @!p0 [hbm4b:s4+s1], $0x40, s0, s1, $0xb8;
	[tilespmem:$0x12400] =	vst v63  }
0x176: {  	v18 =	vand.u32 $0x3F, v17;
	_ =	swait.ge [sflag:s24], $0x2000  }
0x177: {  	v19 =	vor.u32 v1, v18;
	[sflag:s24] =	ssyncset.done $0x0  }
0x178: {  	[sflag:s24] =	ssyncadd.s32 $0xFFFFE000  }
0x179: {  	v20 =	vshll.u32 v17, $0x7;
	_ =	swait.ge [sflag:s20], $0x2000  }
0x17a: {  	v17 =	vor.u32 v0, v20;
	v21 =	vand.u32 $0x1C00, v20;
	[sflag:s20] =	ssyncset.done $0x0  }
0x17b: {  	v22 =	vand.u32 $0x388, v17;
	v17 =	vor.u32 v2, v21;
	[sflag:s20] =	ssyncadd.s32 $0xFFFFE000  }
0x17c: {  	v21 =	vor.u32 v22, v17;
	v19 =	vld.idx.msk [tilespmem:v19+s14+$0x0], $0xffff  }
0x17d: {  	v22 =	vor.u32 v3, v18;
	_ =	sdelay $0x2  }
0x17e: {  	v23 =	vor.u32 v4, v20  }
0x17f: {  	[tilespmem:v21+s21+$0x0] =	vst.idx.msk $0xffff, v19;
	v19 =	vand.u32 $0x398, v23  }
0x180: {  	v21 =	vld.idx.msk [tilespmem:v22+s14+$0x0], $0xffff;
	v19 =	vor.u32 v19, v17  }
0x181: {  	v22 =	vor.u32 v5, v18;
	_ =	sdelay $0x2  }
0x182: {  	v23 =	vor.u32 v6, v20  }
0x183: {  	[tilespmem:v19+s21+$0x0] =	vst.idx.msk $0xffff, v21;
	v19 =	vand.u32 $0x3A8, v23  }
0x184: {  	v21 =	vld.idx.msk [tilespmem:v22+s14+$0x0], $0xffff;
	v19 =	vor.u32 v19, v17  }
0x185: {  	v22 =	vor.u32 v7, v18;
	_ =	sdelay $0x2  }
0x186: {  	v23 =	vor.u32 v8, v20  }
0x187: {  	[tilespmem:v19+s21+$0x0] =	vst.idx.msk $0xffff, v21;
	v19 =	vand.u32 $0x3B8, v23  }
0x188: {  	v21 =	vld.idx.msk [tilespmem:v22+s14+$0x0], $0xffff;
	v19 =	vor.u32 v19, v17  }
0x189: {  	v22 =	vor.u32 v9, v18;
	_ =	sdelay $0x2  }
0x18a: {  	v23 =	vor.u32 v10, v20  }
0x18b: {  	[tilespmem:v19+s21+$0x0] =	vst.idx.msk $0xffff, v21;
	v19 =	vand.u32 $0x3C8, v23  }
0x18c: {  	v21 =	vld.idx.msk [tilespmem:v22+s14+$0x0], $0xffff;
	v19 =	vor.u32 v19, v17  }
0x18d: {  	v22 =	vor.u32 v11, v18;
	_ =	sdelay $0x2  }
0x18e: {  	v23 =	vor.u32 v12, v20  }
0x18f: {  	[tilespmem:v19+s21+$0x0] =	vst.idx.msk $0xffff, v21;
	v19 =	vand.u32 $0x3D8, v23  }
0x190: {  	v21 =	vld.idx.msk [tilespmem:v22+s14+$0x0], $0xffff;
	v19 =	vor.u32 v19, v17  }
0x191: {  	v22 =	vor.u32 v13, v18;
	_ =	sdelay $0x2  }
0x192: {  	v23 =	vor.u32 v14, v20  }
0x193: {  	[tilespmem:v19+s21+$0x0] =	vst.idx.msk $0xffff, v21;
	v19 =	vand.u32 $0x3E8, v23  }
0x194: {  	v21 =	vld.idx.msk [tilespmem:v22+s14+$0x0], $0xffff;
	v19 =	vor.u32 v19, v17  }
0x195: {  	v18 =	vor.u32 v15, v18;
	_ =	sdelay $0x3  }
0x196: {  	s31 =	simm.s32 $0x1;
	v20 =	vor.u32 v16, v20;
	[tilespmem:v19+s21+$0x0] =	vst.idx.msk $0xffff, v21  }
0x197: {  	s28 =	sadd.s32 s5, s28;
	s29 =	simm.s32 $0x2;
	v20 =	vand.u32 $0x3F8, v20;
	v19 =	vadd.s32 s31, v0;
	v18 =	vld.idx.msk [tilespmem:v18+s14+$0x0], $0xffff  }
.LBB2_13:
0x198: {  	p0 =	sne.s32 s29, $0x3F;
	v21 =	vand.u32 $0x3F, v19;
	v17 =	vor.u32 v20, v17  }
0x199: {  	v20 =	vor.u32 v1, v21;
	_ =	sdelay $0x2  }
0x19a: {  	v19 =	vshll.u32 v19, $0x7  }
0x19b: {  	v22 =	vor.u32 v0, v19;
	v23 =	vand.u32 $0x1C00, v19;
	[tilespmem:v17+s21+$0x0] =	vst.idx.msk $0xffff, v18  }
0x19c: {  	v17 =	vor.u32 v2, v23;
	v18 =	vld.idx.msk [tilespmem:v20+s14+$0x0], $0xffff;
	v20 =	vand.u32 $0x388, v22  }
0x19d: {  	v20 =	vor.u32 v20, v17  }
0x19e: {  	v22 =	vor.u32 v3, v21;
	_ =	sdelay $0x3  }
0x19f: {  	[tilespmem:v20+s21+$0x0] =	vst.idx.msk $0xffff, v18;
	v18 =	vor.u32 v4, v19  }
0x1a0: {  	v20 =	vld.idx.msk [tilespmem:v22+s14+$0x0], $0xffff;
	v18 =	vand.u32 $0x398, v18  }
0x1a1: {  	v18 =	vor.u32 v18, v17  }
0x1a2: {  	v22 =	vor.u32 v5, v21;
	_ =	sdelay $0x3  }
0x1a3: {  	[tilespmem:v18+s21+$0x0] =	vst.idx.msk $0xffff, v20;
	v18 =	vor.u32 v6, v19  }
0x1a4: {  	v20 =	vld.idx.msk [tilespmem:v22+s14+$0x0], $0xffff;
	v18 =	vand.u32 $0x3A8, v18  }
0x1a5: {  	v18 =	vor.u32 v18, v17  }
0x1a6: {  	v22 =	vor.u32 v7, v21;
	_ =	sdelay $0x3  }
0x1a7: {  	[tilespmem:v18+s21+$0x0] =	vst.idx.msk $0xffff, v20;
	v18 =	vor.u32 v8, v19  }
0x1a8: {  	v20 =	vld.idx.msk [tilespmem:v22+s14+$0x0], $0xffff;
	v18 =	vand.u32 $0x3B8, v18  }
0x1a9: {  	v18 =	vor.u32 v18, v17  }
0x1aa: {  	v22 =	vor.u32 v9, v21;
	_ =	sdelay $0x3  }
0x1ab: {  	[tilespmem:v18+s21+$0x0] =	vst.idx.msk $0xffff, v20;
	v18 =	vor.u32 v10, v19  }
0x1ac: {  	v20 =	vld.idx.msk [tilespmem:v22+s14+$0x0], $0xffff;
	v18 =	vand.u32 $0x3C8, v18  }
0x1ad: {  	v18 =	vor.u32 v18, v17  }
0x1ae: {  	v22 =	vor.u32 v11, v21;
	_ =	sdelay $0x3  }
0x1af: {  	[tilespmem:v18+s21+$0x0] =	vst.idx.msk $0xffff, v20;
	v18 =	vor.u32 v12, v19  }
0x1b0: {  	v20 =	vld.idx.msk [tilespmem:v22+s14+$0x0], $0xffff;
	v18 =	vand.u32 $0x3D8, v18  }
0x1b1: {  	v18 =	vor.u32 v18, v17  }
0x1b2: {  	v22 =	vor.u32 v13, v21;
	_ =	sdelay $0x3  }
0x1b3: {  	[tilespmem:v18+s21+$0x0] =	vst.idx.msk $0xffff, v20;
	v18 =	vor.u32 v14, v19  }
0x1b4: {  	v20 =	vld.idx.msk [tilespmem:v22+s14+$0x0], $0xffff;
	v18 =	vand.u32 $0x3E8, v18  }
0x1b5: {  	v18 =	vor.u32 v18, v17  }
0x1b6: {  	v21 =	vor.u32 v15, v21  }
.Ltmp6:
0x1b7: {  	(pc) =	sbr.rel @p0 .LBB2_13-.Ltmp6, $3  }
0x1b8: {  	_ =	sdelay $0x1  }
0x1b9: {  	[tilespmem:v18+s21+$0x0] =	vst.idx.msk $0xffff, v20;
	v20 =	vor.u32 v16, v19  }
0x1ba: {  	v19 =	vadd.s32 s29, v0;
	s29 =	sadd.s32 $0x1, s29;
	v18 =	vld.idx.msk [tilespmem:v21+s14+$0x0], $0xffff;
	v20 =	vand.u32 $0x3F8, v20  }
0x1bb: {  	v21 =	vand.u32 $0x3F, v19;
	v17 =	vor.u32 v20, v17  }
0x1bc: {  	v51 =	vor.u32 v1, v21;
	_ =	sdelay $0x1  }
0x1bd: {  	v19 =	vshll.u32 v19, $0x7  }
0x1be: {  	v22 =	vor.u32 v0, v19;
	v23 =	vand.u32 $0x1C00, v19  }
0x1bf: {  	[tilespmem:v17+s21+$0x0] =	vst.idx.msk $0xffff, v18;
	v17 =	vand.u32 $0x388, v22;
	v18 =	vor.u32 v2, v23  }
0x1c0: {  	v20 =	vld.idx.msk [tilespmem:v51+s14+$0x0], $0xffff;
	v17 =	vor.u32 v17, v18  }
0x1c1: {  	v52 =	vor.u32 v3, v21;
	_ =	sdelay $0x2  }
0x1c2: {  	v53 =	vor.u32 v4, v19  }
0x1c3: {  	[tilespmem:v17+s21+$0x0] =	vst.idx.msk $0xffff, v20;
	v17 =	vand.u32 $0x398, v53  }
0x1c4: {  	v20 =	vld.idx.msk [tilespmem:v52+s14+$0x0], $0xffff;
	v17 =	vor.u32 v17, v18  }
0x1c5: {  	v54 =	vor.u32 v5, v21;
	_ =	sdelay $0x2  }
0x1c6: {  	v55 =	vor.u32 v6, v19  }
0x1c7: {  	[tilespmem:v17+s21+$0x0] =	vst.idx.msk $0xffff, v20;
	v17 =	vand.u32 $0x3A8, v55  }
0x1c8: {  	v20 =	vld.idx.msk [tilespmem:v54+s14+$0x0], $0xffff;
	v17 =	vor.u32 v17, v18  }
0x1c9: {  	v56 =	vor.u32 v7, v21;
	_ =	sdelay $0x2  }
0x1ca: {  	v57 =	vor.u32 v8, v19  }
0x1cb: {  	[tilespmem:v17+s21+$0x0] =	vst.idx.msk $0xffff, v20;
	v17 =	vand.u32 $0x3B8, v57  }
0x1cc: {  	v20 =	vld.idx.msk [tilespmem:v56+s14+$0x0], $0xffff;
	v17 =	vor.u32 v17, v18  }
0x1cd: {  	v58 =	vor.u32 v9, v21;
	_ =	sdelay $0x2  }
0x1ce: {  	v59 =	vor.u32 v10, v19  }
0x1cf: {  	[tilespmem:v17+s21+$0x0] =	vst.idx.msk $0xffff, v20;
	v17 =	vand.u32 $0x3C8, v59  }
0x1d0: {  	v20 =	vld.idx.msk [tilespmem:v58+s14+$0x0], $0xffff;
	v17 =	vor.u32 v17, v18  }
0x1d1: {  	v60 =	vor.u32 v11, v21;
	_ =	sdelay $0x2  }
0x1d2: {  	v61 =	vor.u32 v12, v19  }
0x1d3: {  	[tilespmem:v17+s21+$0x0] =	vst.idx.msk $0xffff, v20;
	v17 =	vand.u32 $0x3D8, v61  }
0x1d4: {  	v20 =	vld.idx.msk [tilespmem:v60+s14+$0x0], $0xffff;
	v17 =	vor.u32 v17, v18  }
0x1d5: {  	v62 =	vor.u32 v13, v21;
	_ =	sdelay $0x2  }
0x1d6: {  	v63 =	vor.u32 v14, v19  }
0x1d7: {  	[tilespmem:v17+s21+$0x0] =	vst.idx.msk $0xffff, v20;
	v17 =	vand.u32 $0x3E8, v63  }
0x1d8: {  	v20 =	vld.idx.msk [tilespmem:v62+s14+$0x0], $0xffff;
	v17 =	vor.u32 v17, v18  }
0x1d9: {  	v21 =	vor.u32 v15, v21;
	_ =	sdelay $0x2  }
0x1da: {  	v19 =	vor.u32 v16, v19  }
0x1db: {  	[tilespmem:v17+s21+$0x0] =	vst.idx.msk $0xffff, v20;
	v17 =	vand.u32 $0x3F8, v19  }
0x1dc: {  	s26 =	sadd.s32 $0x1, s26;
	v19 =	vld.idx.msk [tilespmem:v21+s14+$0x0], $0xffff;
	v17 =	vor.u32 v17, v18  }
0x1dd: {  	p0 =	sne.s32 s26, $0x32  }
.Ltmp7:
0x1de: {  	s0 =	sshll.u32 s28, $0x7;
	(pc) =	sbr.rel @p0 .LBB2_2-.Ltmp7, $4  }
0x1df: {  	s1 =	sshll.u32 s28, $0xA;
	s0 =	sand.u32 $0x3F80, s0  }
0x1e0: {  	s1 =	sand.u32 $0xFFE0000, s1;
	s0 =	sadd.s32 s2, s0  }
0x1e1: {  	s0 =	sadd.s32 s1, s0;
	[tilespmem:v17+s21+$0x0] =	vst.idx.msk $0xffff, v19  }
0x1e2: {  	[hbm4b:s0+s17] =	stream.strided.scatter [tilespmem:s21], [sflag:$0x6], $0x2000, s18, s17, $0x38;
	[tilespmem:$0x12400] =	vst v63  }
0x1e3: {  	s25 =	sadd.s32 $0x1, s25  }
0x1e4: {  	_ =	swait.ge [sflag:s23], $0x2000;
	p0 =	sne.s32 s25, s7  }
.Ltmp8:
0x1e5: {  	[sflag:s23] =	ssyncset.done $0x0;
	(pc) =	sbr.rel @p0 .LBB2_1-.Ltmp8, $4  }
0x1e6: {  	[sflag:s23] =	ssyncadd.s32 $0xFFFFE000  }
0x1e7: {  	_ =	swait.ge [sflag:s20], $0x2000  }
0x1e8: {  	[sflag:s20] =	ssyncset.done $0x0  }
0x1e9: {  	[sflag:s20] =	ssyncadd.s32 $0xFFFFE000  }
0x1ea: {  	_ =	sfence.sel $0x180000  }
0x1eb: {  	[bflag:$0x0] =	sbarrier.arrive $0xFFFF  }
0x1ec: {  	_ =	strace $0x9000004A  }
0x1ed: {  	s0 =	stileid.u32;
	[bflag:$0x2] =	sbarrier.arrive $0xFFFF  }
0x1ee: {  	p0 =	sne.s32 s0, $0x0;
	s0 =	rddreg [dreg:$0x2]  }
0x1ef: {  	s0 =	sadd.s32 @!p0 $0x100000, s0  }
0x1f0: {  	[sflag:s0] =	ssyncadd.tile.s32 @!p0 $0x1;
	_ =	shalt  }
.Lfunc_end2:
_tile_overlayer_lowered:
.L_overlay_start_2:
0x1f1: {  	(tag) =	ssettag $0x2  }
0x1f2: {  	s0 =	rddreg [dreg:$0x0];
	s2 =	stileid.u32  }
0x1f3: {  	s1 =	rddreg [dreg:$0x1];
	p0 =	sne.s32 s2, $0x0  }
0x1f4: {  	s3 =	rddreg [dreg:$0x2];
	[bflag:$0x3] =	sbarrier.arrive $0xFFFF;
	s2 =	simm.s32 @!p0 $0x1C07  }
0x1f5: {  	[timem:s3], [sflag:s2] =	dma.local @!p0 [hbm:s0], s1  }
0x1f6: {  	s0 =	simm.s32 @!p0 $0x7  }
0x1f7: {  	_ =	swait.ge @!p0 [sflag:s0], s1  }
0x1f8: {  	s1 =	ssub.s32 @!p0 $0x0, s1;
	[sflag:s0] =	ssyncset.done @!p0 $0x0  }
0x1f9: {  	[sflag:s0] =	ssyncadd.s32 @!p0 s1  }
0x1fa: {  	[bflag:$0x3] =	sbarrier.arrive $0xFFFF  }
0x1fb: {  	_ =	shalt  }

</sc_bundles>
